<compile_context>
chip_gen: v7x
topology: tpu7x:2x2x1
jax: 0.10.2.dev20260603
libtpu: 0.0.44.dev20260713+nightly
codegen_flags: <defaults>
</compile_context>

<pallas_src>
import jax
import jax.numpy as jnp
from jax import lax
from jax.experimental import pallas as pl
from jax.experimental.pallas import tpu as pltpu
from jax.experimental.pallas import tpu_sc as plsc

N = 10000
E = 320000
D = 128
H = 128
C = 64

NP = 10240
CHUNK = 128
EP = 327680
NCHUNKS = EP // CHUNK
TRIPS = NCHUNKS // 32
NC = 2
NS = 16
NW = NC * NS
RPT = NP // NS

BM = 1280
GRID = NP // BM



def _agg_body(g, src, dst, acc_out, didx, sv0, sv1, rows_v0, rows_v1,
              acc_sh, sem, sem2, dout):
    cid = lax.axis_index("c")
    sid = lax.axis_index("s")
    wid = sid * NC + cid

    c0 = pl.multiple_of(wid * TRIPS, 8)
    pltpu.sync_copy(dst.at[pl.ds(c0, TRIPS)], didx)

    nst = dout // 16

    def _zero_rows(i, _):
        r = i // nst
        col = (i % nst) * 16
        rows_v0[r, pl.ds(col, 16)] = jnp.zeros((16,), jnp.float32)
        return 0

    lax.fori_loop(0, CHUNK * nst, _zero_rows, 0)

    base_row = pl.multiple_of(sid * RPT, 128)
    for k in range(RPT // CHUNK):
        pltpu.sync_copy(rows_v0,
                        acc_sh.at[pl.ds(base_row + k * CHUNK, CHUNK)])

    plsc.subcore_barrier()

    def _g(sv, rv, j):
        pltpu.sync_copy(src.at[c0 + j], sv)
        pltpu.async_copy(g.at[sv], rv, sem)

    def _wait_g(sv, rv):
        pltpu.make_async_copy(g.at[sv], rv, sem).wait()

    def _s(rv, j):
        pltpu.async_copy(rv, acc_sh.at[didx.at[j]], sem2, add=True)

    def _wait_s(rv):
        pltpu.make_async_copy(rv, acc_sh.at[didx.at[0]], sem2).wait()

    _g(sv0, rows_v0, 0)
    _wait_g(sv0, rows_v0)
    _s(rows_v0, 0)
    _g(sv1, rows_v1, 1)

    def _pair(jj, _):
        j = 2 * jj + 1
        _wait_g(sv1, rows_v1)
        _s(rows_v1, j)
        _wait_s(rows_v0)
        _g(sv0, rows_v0, j + 1)
        _wait_g(sv0, rows_v0)
        _s(rows_v0, j + 1)
        _wait_s(rows_v1)
        _g(sv1, rows_v1, j + 2)
        return 0

    lax.fori_loop(0, TRIPS // 2 - 1, _pair, 0)

    _wait_g(sv1, rows_v1)
    _s(rows_v1, TRIPS - 1)
    _wait_s(rows_v0)
    _wait_s(rows_v1)

    plsc.subcore_barrier()

    for k in range(RPT // CHUNK):
        r0 = base_row + k * CHUNK
        pltpu.sync_copy(acc_sh.at[pl.ds(r0, CHUNK)],
                        acc_out.at[cid, pl.ds(r0, CHUNK)])


def _make_sc_agg(dout):
    mesh = plsc.VectorSubcoreMesh(core_axis_name="c", subcore_axis_name="s")
    scratch = [
        pltpu.VMEM((TRIPS, CHUNK), jnp.int32),
        pltpu.VMEM((CHUNK,), jnp.int32),
        pltpu.VMEM((CHUNK,), jnp.int32),
        pltpu.VMEM((CHUNK, dout), jnp.float32),
        pltpu.VMEM((CHUNK, dout), jnp.float32),
        pltpu.VMEM_SHARED((NP, dout), jnp.float32),
        pltpu.SemaphoreType.DMA,
        pltpu.SemaphoreType.DMA,
    ]

    def body(g, src, dst, acc_out, didx, sv0, sv1, rows_v0, rows_v1,
             acc_sh, sem, sem2):
        _agg_body(g, src, dst, acc_out, didx, sv0, sv1, rows_v0, rows_v1,
                  acc_sh, sem, sem2, dout)

    return pl.kernel(body, mesh=mesh,
                     out_type=jax.ShapeDtypeStruct((NC, NP, dout),
                                                   jnp.float32),
                     scratch_types=tuple(scratch))



def _cnt_body(dst, cnt_out, didx, ones_v, cnt_sh, sem):
    cid = lax.axis_index("c")
    sid = lax.axis_index("s")
    wid = sid * NC + cid

    c0 = pl.multiple_of(wid * TRIPS, 8)
    pltpu.sync_copy(dst.at[pl.ds(c0, TRIPS)], didx)

    def _zero(i, _):
        r = i // 8
        col = (i % 8) * 16
        ones_v[r, pl.ds(col, 16)] = jnp.zeros((16,), jnp.float32)
        return 0

    lax.fori_loop(0, CHUNK * 8, _zero, 0)

    base_row = pl.multiple_of(sid * RPT, 128)
    for k in range(RPT // CHUNK):
        pltpu.sync_copy(ones_v, cnt_sh.at[pl.ds(base_row + k * CHUNK, CHUNK)])

    def _fill(i, _):
        r = i // 8
        col = (i % 8) * 16
        ones_v[r, pl.ds(col, 16)] = jnp.full((16,), 1.0, jnp.float32)
        return 0

    lax.fori_loop(0, CHUNK * 8, _fill, 0)

    plsc.subcore_barrier()

    def _step(j, _):
        pltpu.sync_copy(ones_v, cnt_sh.at[didx.at[j]], add=True)
        return 0

    lax.fori_loop(0, TRIPS, _step, 0)

    plsc.subcore_barrier()

    for k in range(RPT // CHUNK):
        r0 = base_row + k * CHUNK
        pltpu.sync_copy(cnt_sh.at[pl.ds(r0, CHUNK)],
                        cnt_out.at[cid, pl.ds(r0, CHUNK)])


def _make_sc_cnt():
    mesh = plsc.VectorSubcoreMesh(core_axis_name="c", subcore_axis_name="s")
    scratch = [
        pltpu.VMEM((TRIPS, CHUNK), jnp.int32),
        pltpu.VMEM((CHUNK, H), jnp.float32),
        pltpu.VMEM_SHARED((NP, H), jnp.float32),
        pltpu.SemaphoreType.DMA,
    ]
    return pl.kernel(_cnt_body, mesh=mesh,
                     out_type=jax.ShapeDtypeStruct((NC, NP, H), jnp.float32),
                     scratch_types=tuple(scratch))


_sc_cache = {}


def _sc_agg(dout):
    if dout not in _sc_cache:
        _sc_cache[dout] = _make_sc_agg(dout)
    return _sc_cache[dout]


def _sc_cnt():
    if 'cnt' not in _sc_cache:
        _sc_cache['cnt'] = _make_sc_cnt()
    return _sc_cache['cnt']



def _pre_body(x_ref, wlt_ref, wrt_ref, g_ref, r_ref):
    xb = x_ref[...]
    g_ref[...] = jnp.dot(xb, wlt_ref[...], preferred_element_type=jnp.float32)
    r_ref[...] = jnp.dot(xb, wrt_ref[...], preferred_element_type=jnp.float32)


_pre = pl.pallas_call(
    _pre_body,
    grid=(GRID,),
    in_specs=[
        pl.BlockSpec((BM, D), lambda i: (i, 0)),
        pl.BlockSpec((D, H), lambda i: (0, 0)),
        pl.BlockSpec((D, H), lambda i: (0, 0)),
    ],
    out_specs=[pl.BlockSpec((BM, H), lambda i: (i, 0))] * 2,
    out_shape=[jax.ShapeDtypeStruct((NP, H), jnp.float32)] * 2,
)


def _comb1_body(p0, p1, c0, c1, bl, r, wlt, wrt, g2_ref, r2_ref, invc_ref):
    cnt = c0[...][:, 0:1] + c1[...][:, 0:1]
    invc = 1.0 / jnp.maximum(cnt, 1.0)
    h = jnp.maximum((p0[...] + p1[...]) * invc + bl[...] + r[...], 0.0)
    g2_ref[...] = jnp.dot(h, wlt[...], preferred_element_type=jnp.float32)
    r2_ref[...] = jnp.dot(h, wrt[...], preferred_element_type=jnp.float32)
    invc_ref[...] = jnp.broadcast_to(invc, invc_ref.shape)


_comb1 = pl.pallas_call(
    _comb1_body,
    grid=(GRID,),
    in_specs=[
        pl.BlockSpec((BM, H), lambda i: (i, 0)),
        pl.BlockSpec((BM, H), lambda i: (i, 0)),
        pl.BlockSpec((BM, H), lambda i: (i, 0)),
        pl.BlockSpec((BM, H), lambda i: (i, 0)),
        pl.BlockSpec((1, H), lambda i: (0, 0)),
        pl.BlockSpec((BM, H), lambda i: (i, 0)),
        pl.BlockSpec((H, H), lambda i: (0, 0)),
        pl.BlockSpec((H, H), lambda i: (0, 0)),
    ],
    out_specs=[
        pl.BlockSpec((BM, H), lambda i: (i, 0)),
        pl.BlockSpec((BM, H), lambda i: (i, 0)),
        pl.BlockSpec((BM, H), lambda i: (i, 0)),
    ],
    out_shape=[
        jax.ShapeDtypeStruct((NP, H), jnp.float32),
        jax.ShapeDtypeStruct((NP, H), jnp.float32),
        jax.ShapeDtypeStruct((NP, H), jnp.float32),
    ],
)


def _comb2_body(p0, p1, invc, bl, r, h3_ref):
    h3_ref[...] = jnp.maximum(
        (p0[...] + p1[...]) * invc[...] + bl[...] + r[...], 0.0)


_comb2 = pl.pallas_call(
    _comb2_body,
    grid=(GRID,),
    in_specs=[
        pl.BlockSpec((BM, H), lambda i: (i, 0)),
        pl.BlockSpec((BM, H), lambda i: (i, 0)),
        pl.BlockSpec((BM, H), lambda i: (i, 0)),
        pl.BlockSpec((1, H), lambda i: (0, 0)),
        pl.BlockSpec((BM, H), lambda i: (i, 0)),
    ],
    out_specs=pl.BlockSpec((BM, H), lambda i: (i, 0)),
    out_shape=jax.ShapeDtypeStruct((NP, H), jnp.float32),
)


def _comb3_body(p0, p1, invc, bl, h3, wlt, wrt, out_ref):
    agg = (p0[...] + p1[...]) * invc[...]
    out_ref[...] = jnp.maximum(
        jnp.dot(agg, wlt[...], preferred_element_type=jnp.float32)
        + bl[...]
        + jnp.dot(h3[...], wrt[...], preferred_element_type=jnp.float32),
        0.0)


_comb3 = pl.pallas_call(
    _comb3_body,
    grid=(GRID,),
    in_specs=[
        pl.BlockSpec((BM, H), lambda i: (i, 0)),
        pl.BlockSpec((BM, H), lambda i: (i, 0)),
        pl.BlockSpec((BM, H), lambda i: (i, 0)),
        pl.BlockSpec((1, C), lambda i: (0, 0)),
        pl.BlockSpec((BM, H), lambda i: (i, 0)),
        pl.BlockSpec((H, C), lambda i: (0, 0)),
        pl.BlockSpec((H, C), lambda i: (0, 0)),
    ],
    out_specs=pl.BlockSpec((BM, C), lambda i: (i, 0)),
    out_shape=jax.ShapeDtypeStruct((NP, C), jnp.float32),
)



def kernel(x, edge_index, Wl1, bl1, Wr1, Wl2, bl2, Wr2, Wl3, bl3, Wr3):
    pad = jnp.arange(EP - E, dtype=jnp.int32)
    src = jnp.concatenate([edge_index[0], pad % N]).reshape(NCHUNKS, CHUNK)
    dst = jnp.concatenate(
        [edge_index[1], N + pad % (NP - N)]).reshape(NCHUNKS, CHUNK)
    xp = jnp.pad(x, ((0, NP - N), (0, 0)))

    cnts = _sc_cnt()(dst)
    g1, r1 = _pre(xp, Wl1.T, Wr1.T)
    acc1 = _sc_agg(H)(g1, src, dst)
    g2, r2, invc = _comb1(acc1[0], acc1[1], cnts[0], cnts[1],
                          bl1.reshape(1, H), r1, Wl2.T, Wr2.T)
    acc2 = _sc_agg(H)(g2, src, dst)
    h3 = _comb2(acc2[0], acc2[1], invc, bl2.reshape(1, H), r2)
    acc3 = _sc_agg(H)(h3, src, dst)
    out = _comb3(acc3[0], acc3[1], invc, bl3.reshape(1, C), h3,
                 Wl3.T, Wr3.T)
    return out[:N]

# --- scband reference (transcript-rebuilt; emitter-appended) ---
"""Pipeline reference for scband-graph-sage-57071525429588 (READ-ONLY COPY).

The authoritative reference and input builder live on the scoring server;
editing this copy changes nothing except your own understanding.
"""

import jax, jax.numpy as jnp
import numpy as np

N = 10000
E = 320000
D = 128
H = 128
C = 64


def setup_inputs(seed: int = 0) -> dict:
    key = jax.random.key(seed)
    ks = jax.random.split(key, 12)
    x = jax.random.normal(ks[0], (N, D), dtype=jnp.float32)
    edge_index = jax.random.randint(ks[1], (2, E), 0, N, dtype=jnp.int32)
    def lin(k, out_d, in_d):
        return jax.random.normal(k, (out_d, in_d), dtype=jnp.float32) * (1.0 / np.sqrt(in_d))
    inp = {
        'x': x,
        'edge_index': edge_index,
        'Wl1': lin(ks[2], H, D), 'bl1': jnp.zeros((H,), jnp.float32), 'Wr1': lin(ks[3], H, D),
        'Wl2': lin(ks[4], H, H), 'bl2': jnp.zeros((H,), jnp.float32), 'Wr2': lin(ks[5], H, H),
        'Wl3': lin(ks[6], C, H), 'bl3': jnp.zeros((C,), jnp.float32), 'Wr3': lin(ks[7], C, H),
    }
    return inp


def _sage_conv(x, edge_index, Wl, bl, Wr):
    # PyG SAGEConv with mean aggregation:
    # out = lin_l(mean_{j->i} x_j) + lin_r(x_i)
    src = edge_index[0]
    dst = edge_index[1]
    msgs = jnp.take(x, src, axis=0)
    agg = jax.ops.segment_sum(msgs, dst, num_segments=x.shape[0])
    cnt = jax.ops.segment_sum(jnp.ones((dst.shape[0],), x.dtype), dst, num_segments=x.shape[0])
    agg = agg / jnp.maximum(cnt, 1.0)[:, None]
    return agg @ Wl.T + bl + x @ Wr.T


def reference(x, edge_index, Wl1, bl1, Wr1, Wl2, bl2, Wr2, Wl3, bl3, Wr3):
    # dropout p=0.0 -> identity
    h = jax.nn.relu(_sage_conv(x, edge_index, Wl1, bl1, Wr1))
    h = jax.nn.relu(_sage_conv(h, edge_index, Wl2, bl2, Wr2))
    h = jax.nn.relu(_sage_conv(h, edge_index, Wl3, bl3, Wr3))
    return h

if __name__ == "__main__":
    import jax
    _d = setup_inputs()
    print(jax.jit(kernel)(*tuple(_d.values())))

</pallas_src>

<mosaic_0001>
#map = affine_map<(d0, d1) -> (0, 0)>
#map1 = affine_map<(d0, d1) -> (0, 0, 0)>
module attributes {stable_mosaic.version = 14 : i64} {
  func.func @body(%arg0: i32, %arg1: i32, %arg2: memref<10240x128xf32, #tpu.memory_space<hbm>>, %arg3: memref<2560x128xi32, #tpu.memory_space<hbm>>, %arg4: memref<2560x128xi32, #tpu.memory_space<hbm>>, %arg5: memref<2x10240x128xf32, #tpu.memory_space<hbm>>, %arg6: memref<80x128xi32, #tpu.memory_space<vmem>>, %arg7: memref<128xi32, #tpu.memory_space<vmem>>, %arg8: memref<128xi32, #tpu.memory_space<vmem>>, %arg9: memref<128x128xf32, #tpu.memory_space<vmem>>, %arg10: memref<128x128xf32, #tpu.memory_space<vmem>>, %arg11: memref<10240x128xf32, #tpu.memory_space<vmem_shared>>, %arg12: memref<!tpu.dma_semaphore, #tpu.memory_space<semaphore_mem>>, %arg13: memref<!tpu.dma_semaphore, #tpu.memory_space<semaphore_mem>>) attributes {dimension_semantics = [#tpu.dimension_semantics<core_parallel>, #tpu.dimension_semantics<subcore_parallel>], iteration_bounds = array<i64: 2, 16>, scalar_prefetch = 0 : i64, scratch_operands = 8 : i64, tpu.core_type = #tpu.core_type<sc_vector_subcore>, window_params = [{transform_indices = #map}, {transform_indices = #map}, {transform_indices = #map}, {transform_indices = #map1}]} {
    %mul3A = arith.constant 2 : i32
    %mul3A_0 = arith.muli %arg1, %mul3A : i32
    %add3A = arith.addi %mul3A_0, %arg0 : i32
    %mul3A_1 = arith.constant 80 : i32
    %mul3A_2 = arith.muli %add3A, %mul3A_1 : i32
    %multiple_of3A = tpu.assume_multiple %mul3A_2, 8 : i32
    "tpu.region"() ({
      %run_scoped3A = tpu.sem_alloc : memref<!tpu.dma_semaphore, #tpu.memory_space<semaphore_mem>>
      %dma_start3A_82 = arith.constant 0 : i32
      %dma_start3A_83 = tpu.memref_slice %arg4[%multiple_of3A, %dma_start3A_82] : memref<2560x128xi32, #tpu.memory_space<hbm>> -> memref<80x128xi32, #tpu.memory_space<hbm>>
      %dma_start3A_84 = arith.constant 0 : i32
      %dma_start3A_85 = tpu.memref_slice %arg4[%multiple_of3A, %dma_start3A_84] : memref<2560x128xi32, #tpu.memory_space<hbm>> -> memref<80x128xi32, #tpu.memory_space<hbm>>
      tpu.enqueue_dma source(%dma_start3A_85 : memref<80x128xi32, #tpu.memory_space<hbm>>) target(%arg6 : memref<80x128xi32, #tpu.memory_space<vmem>>) target_semaphore(%run_scoped3A : memref<!tpu.dma_semaphore, #tpu.memory_space<semaphore_mem>>)
      %dma_wait3A_86 = arith.constant 0 : i32
      %dma_wait3A_87 = tpu.memref_slice %arg4[%multiple_of3A, %dma_wait3A_86] : memref<2560x128xi32, #tpu.memory_space<hbm>> -> memref<80x128xi32, #tpu.memory_space<hbm>>
      %dma_wait3A_88 = arith.constant 0 : i32
      %dma_wait3A_89 = tpu.memref_slice %arg4[%multiple_of3A, %dma_wait3A_88] : memref<2560x128xi32, #tpu.memory_space<hbm>> -> memref<80x128xi32, #tpu.memory_space<hbm>>
      tpu.wait_dma2 semaphore(%run_scoped3A : memref<!tpu.dma_semaphore, #tpu.memory_space<semaphore_mem>>) src(%dma_wait3A_89 : memref<80x128xi32, #tpu.memory_space<hbm>>) dst(%arg6 : memref<80x128xi32, #tpu.memory_space<vmem>>)
      tpu.yield
    }) : () -> ()
    %scan3A = arith.constant 0 : i32
    %scan3A_3 = arith.constant 0 : i32
    %scan3A_4 = arith.constant 1024 : i32
    %scan3A_5 = arith.addi %scan3A_3, %scan3A_4 : i32
    %scan3A_6 = arith.constant 1 : i32
    %scan3A_7 = scf.for %scan3A_82 = %scan3A_3 to %scan3A_5 step %scan3A_6 iter_args(%scan3A_83 = %scan3A) -> (i32)  : i32 {
      %jit3A = arith.constant 8 : i32
      %div3A = arith.divsi %scan3A_82, %jit3A : i32
      %sign3A = arith.constant 0 : i32
      %sign3A_84 = arith.cmpi sgt, %scan3A_82, %sign3A : i32
      %sign3A_85 = arith.extui %sign3A_84 : i1 to i32
      %sign3A_86 = arith.constant 0 : i32
      %sign3A_87 = arith.cmpi slt, %scan3A_82, %sign3A_86 : i32
      %sign3A_88 = arith.extui %sign3A_87 : i1 to i32
      %sign3A_89 = arith.subi %sign3A_85, %sign3A_88 : i32
      %sign3A_90 = arith.constant 0 : i32
      %sign3A_91 = arith.cmpi sgt, %jit3A, %sign3A_90 : i32
      %sign3A_92 = arith.extui %sign3A_91 : i1 to i32
      %sign3A_93 = arith.constant 0 : i32
      %sign3A_94 = arith.cmpi slt, %jit3A, %sign3A_93 : i32
      %sign3A_95 = arith.extui %sign3A_94 : i1 to i32
      %sign3A_96 = arith.subi %sign3A_92, %sign3A_95 : i32
      %ne3A = arith.cmpi ne, %sign3A_89, %sign3A_96 : i32
      %rem3A = arith.remsi %scan3A_82, %jit3A : i32
      %ne3A_97 = arith.constant 0 : i32
      %ne3A_98 = arith.cmpi ne, %rem3A, %ne3A_97 : i32
      %and3A = arith.andi %ne3A, %ne3A_98 : i1
      %sub3A = arith.constant 1 : i32
      %sub3A_99 = arith.subi %div3A, %sub3A : i32
      %select_n3A = arith.select %and3A, %sub3A_99, %div3A : i32
      %jit3A_100 = arith.constant 8 : i32
      %eq3A = arith.constant 0 : i32
      %eq3A_101 = arith.cmpi eq, %jit3A_100, %eq3A : i32
      %jit3A_102 = arith.constant 1 : i32
      %select_n3A_103 = arith.select %eq3A_101, %jit3A_102, %jit3A_100 : i32
      %rem3A_104 = arith.remsi %scan3A_82, %select_n3A_103 : i32
      %ne3A_105 = arith.constant 0 : i32
      %ne3A_106 = arith.cmpi ne, %rem3A_104, %ne3A_105 : i32
      %lt3A = arith.constant 0 : i32
      %lt3A_107 = arith.cmpi slt, %rem3A_104, %lt3A : i32
      %lt3A_108 = arith.constant 0 : i32
      %lt3A_109 = arith.cmpi slt, %select_n3A_103, %lt3A_108 : i32
      %ne3A_110 = arith.xori %lt3A_107, %lt3A_109 : i1
      %and3A_111 = arith.andi %ne3A_110, %ne3A_106 : i1
      %add3A_112 = arith.addi %rem3A_104, %select_n3A_103 : i32
      %select_n3A_113 = arith.select %and3A_111, %add3A_112, %rem3A_104 : i32
      %mul3A_114 = arith.constant 16 : i32
      %mul3A_115 = arith.muli %select_n3A_113, %mul3A_114 : i32
      %broadcast_in_dim3A = arith.constant 0.000000e+00 : f32
      %broadcast_in_dim3A_116 = vector.broadcast %broadcast_in_dim3A : f32 to vector<16xf32>
      %swap3A = arith.index_cast %select_n3A : i32 to index
      %swap3A_117 = arith.index_cast %mul3A_115 : i32 to index
      %swap3A_118 = tpu.vector_load %arg9[%swap3A, %swap3A_117] {strides = array<i32>} : memref<128x128xf32, #tpu.memory_space<vmem>>, vector<1x16xf32>,
      %swap3A_119 = vector.shape_cast %swap3A_118 : vector<1x16xf32> to vector<16xf32>
      %swap3A_120 = vector.shape_cast %broadcast_in_dim3A_116 : vector<16xf32> to vector<1x16xf32>
      tpu.vector_store %arg9[%swap3A, %swap3A_117], %swap3A_120 {strides = array<i32>} : memref<128x128xf32, #tpu.memory_space<vmem>>, vector<1x16xf32>,
      %scan3A_121 = arith.constant 0 : i32
      scf.yield %scan3A_121 : i32
    }
    %scan3A_8 = arith.constant 1024 : i32
    %mul3A_9 = arith.constant 640 : i32
    %mul3A_10 = arith.muli %arg1, %mul3A_9 : i32
    %multiple_of3A_11 = tpu.assume_multiple %mul3A_10, 128 : i32
    %add3A_12 = arith.constant 0 : i32
    %add3A_13 = arith.addi %multiple_of3A_11, %add3A_12 : i32
    "tpu.region"() ({
      %run_scoped3A = tpu.sem_alloc : memref<!tpu.dma_semaphore, #tpu.memory_space<semaphore_mem>>
      %dma_start3A_82 = arith.constant 0 : i32
      %dma_start3A_83 = tpu.memref_slice %arg11[%add3A_13, %dma_start3A_82] : memref<10240x128xf32, #tpu.memory_space<vmem_shared>> -> memref<128x128xf32, #tpu.memory_space<vmem_shared>>
      %dma_start3A_84 = arith.constant 0 : i32
      %dma_start3A_85 = tpu.memref_slice %arg11[%add3A_13, %dma_start3A_84] : memref<10240x128xf32, #tpu.memory_space<vmem_shared>> -> memref<128x128xf32, #tpu.memory_space<vmem_shared>>
      tpu.enqueue_dma source(%arg9 : memref<128x128xf32, #tpu.memory_space<vmem>>) target(%dma_start3A_85 : memref<128x128xf32, #tpu.memory_space<vmem_shared>>) target_semaphore(%run_scoped3A : memref<!tpu.dma_semaphore, #tpu.memory_space<semaphore_mem>>)
      %dma_wait3A_86 = arith.constant 0 : i32
      %dma_wait3A_87 = tpu.memref_slice %arg11[%add3A_13, %dma_wait3A_86] : memref<10240x128xf32, #tpu.memory_space<vmem_shared>> -> memref<128x128xf32, #tpu.memory_space<vmem_shared>>
      %dma_wait3A_88 = arith.constant 0 : i32
      %dma_wait3A_89 = tpu.memref_slice %arg11[%add3A_13, %dma_wait3A_88] : memref<10240x128xf32, #tpu.memory_space<vmem_shared>> -> memref<128x128xf32, #tpu.memory_space<vmem_shared>>
      tpu.wait_dma2 semaphore(%run_scoped3A : memref<!tpu.dma_semaphore, #tpu.memory_space<semaphore_mem>>) src(%arg9 : memref<128x128xf32, #tpu.memory_space<vmem>>) dst(%dma_wait3A_89 : memref<128x128xf32, #tpu.memory_space<vmem_shared>>)
      tpu.yield
    }) : () -> ()
    %add3A_14 = arith.constant 128 : i32
    %add3A_15 = arith.addi %multiple_of3A_11, %add3A_14 : i32
    "tpu.region"() ({
      %run_scoped3A = tpu.sem_alloc : memref<!tpu.dma_semaphore, #tpu.memory_space<semaphore_mem>>
      %dma_start3A_82 = arith.constant 0 : i32
      %dma_start3A_83 = tpu.memref_slice %arg11[%add3A_15, %dma_start3A_82] : memref<10240x128xf32, #tpu.memory_space<vmem_shared>> -> memref<128x128xf32, #tpu.memory_space<vmem_shared>>
      %dma_start3A_84 = arith.constant 0 : i32
      %dma_start3A_85 = tpu.memref_slice %arg11[%add3A_15, %dma_start3A_84] : memref<10240x128xf32, #tpu.memory_space<vmem_shared>> -> memref<128x128xf32, #tpu.memory_space<vmem_shared>>
      tpu.enqueue_dma source(%arg9 : memref<128x128xf32, #tpu.memory_space<vmem>>) target(%dma_start3A_85 : memref<128x128xf32, #tpu.memory_space<vmem_shared>>) target_semaphore(%run_scoped3A : memref<!tpu.dma_semaphore, #tpu.memory_space<semaphore_mem>>)
      %dma_wait3A_86 = arith.constant 0 : i32
      %dma_wait3A_87 = tpu.memref_slice %arg11[%add3A_15, %dma_wait3A_86] : memref<10240x128xf32, #tpu.memory_space<vmem_shared>> -> memref<128x128xf32, #tpu.memory_space<vmem_shared>>
      %dma_wait3A_88 = arith.constant 0 : i32
      %dma_wait3A_89 = tpu.memref_slice %arg11[%add3A_15, %dma_wait3A_88] : memref<10240x128xf32, #tpu.memory_space<vmem_shared>> -> memref<128x128xf32, #tpu.memory_space<vmem_shared>>
      tpu.wait_dma2 semaphore(%run_scoped3A : memref<!tpu.dma_semaphore, #tpu.memory_space<semaphore_mem>>) src(%arg9 : memref<128x128xf32, #tpu.memory_space<vmem>>) dst(%dma_wait3A_89 : memref<128x128xf32, #tpu.memory_space<vmem_shared>>)
      tpu.yield
    }) : () -> ()
    %add3A_16 = arith.constant 256 : i32
    %add3A_17 = arith.addi %multiple_of3A_11, %add3A_16 : i32
    "tpu.region"() ({
      %run_scoped3A = tpu.sem_alloc : memref<!tpu.dma_semaphore, #tpu.memory_space<semaphore_mem>>
      %dma_start3A_82 = arith.constant 0 : i32
      %dma_start3A_83 = tpu.memref_slice %arg11[%add3A_17, %dma_start3A_82] : memref<10240x128xf32, #tpu.memory_space<vmem_shared>> -> memref<128x128xf32, #tpu.memory_space<vmem_shared>>
      %dma_start3A_84 = arith.constant 0 : i32
      %dma_start3A_85 = tpu.memref_slice %arg11[%add3A_17, %dma_start3A_84] : memref<10240x128xf32, #tpu.memory_space<vmem_shared>> -> memref<128x128xf32, #tpu.memory_space<vmem_shared>>
      tpu.enqueue_dma source(%arg9 : memref<128x128xf32, #tpu.memory_space<vmem>>) target(%dma_start3A_85 : memref<128x128xf32, #tpu.memory_space<vmem_shared>>) target_semaphore(%run_scoped3A : memref<!tpu.dma_semaphore, #tpu.memory_space<semaphore_mem>>)
      %dma_wait3A_86 = arith.constant 0 : i32
      %dma_wait3A_87 = tpu.memref_slice %arg11[%add3A_17, %dma_wait3A_86] : memref<10240x128xf32, #tpu.memory_space<vmem_shared>> -> memref<128x128xf32, #tpu.memory_space<vmem_shared>>
      %dma_wait3A_88 = arith.constant 0 : i32
      %dma_wait3A_89 = tpu.memref_slice %arg11[%add3A_17, %dma_wait3A_88] : memref<10240x128xf32, #tpu.memory_space<vmem_shared>> -> memref<128x128xf32, #tpu.memory_space<vmem_shared>>
      tpu.wait_dma2 semaphore(%run_scoped3A : memref<!tpu.dma_semaphore, #tpu.memory_space<semaphore_mem>>) src(%arg9 : memref<128x128xf32, #tpu.memory_space<vmem>>) dst(%dma_wait3A_89 : memref<128x128xf32, #tpu.memory_space<vmem_shared>>)
      tpu.yield
    }) : () -> ()
    %add3A_18 = arith.constant 384 : i32
    %add3A_19 = arith.addi %multiple_of3A_11, %add3A_18 : i32
    "tpu.region"() ({
      %run_scoped3A = tpu.sem_alloc : memref<!tpu.dma_semaphore, #tpu.memory_space<semaphore_mem>>
      %dma_start3A_82 = arith.constant 0 : i32
      %dma_start3A_83 = tpu.memref_slice %arg11[%add3A_19, %dma_start3A_82] : memref<10240x128xf32, #tpu.memory_space<vmem_shared>> -> memref<128x128xf32, #tpu.memory_space<vmem_shared>>
      %dma_start3A_84 = arith.constant 0 : i32
      %dma_start3A_85 = tpu.memref_slice %arg11[%add3A_19, %dma_start3A_84] : memref<10240x128xf32, #tpu.memory_space<vmem_shared>> -> memref<128x128xf32, #tpu.memory_space<vmem_shared>>
      tpu.enqueue_dma source(%arg9 : memref<128x128xf32, #tpu.memory_space<vmem>>) target(%dma_start3A_85 : memref<128x128xf32, #tpu.memory_space<vmem_shared>>) target_semaphore(%run_scoped3A : memref<!tpu.dma_semaphore, #tpu.memory_space<semaphore_mem>>)
      %dma_wait3A_86 = arith.constant 0 : i32
      %dma_wait3A_87 = tpu.memref_slice %arg11[%add3A_19, %dma_wait3A_86] : memref<10240x128xf32, #tpu.memory_space<vmem_shared>> -> memref<128x128xf32, #tpu.memory_space<vmem_shared>>
      %dma_wait3A_88 = arith.constant 0 : i32
      %dma_wait3A_89 = tpu.memref_slice %arg11[%add3A_19, %dma_wait3A_88] : memref<10240x128xf32, #tpu.memory_space<vmem_shared>> -> memref<128x128xf32, #tpu.memory_space<vmem_shared>>
      tpu.wait_dma2 semaphore(%run_scoped3A : memref<!tpu.dma_semaphore, #tpu.memory_space<semaphore_mem>>) src(%arg9 : memref<128x128xf32, #tpu.memory_space<vmem>>) dst(%dma_wait3A_89 : memref<128x128xf32, #tpu.memory_space<vmem_shared>>)
      tpu.yield
    }) : () -> ()
    %add3A_20 = arith.constant 512 : i32
    %add3A_21 = arith.addi %multiple_of3A_11, %add3A_20 : i32
    "tpu.region"() ({
      %run_scoped3A = tpu.sem_alloc : memref<!tpu.dma_semaphore, #tpu.memory_space<semaphore_mem>>
      %dma_start3A_82 = arith.constant 0 : i32
      %dma_start3A_83 = tpu.memref_slice %arg11[%add3A_21, %dma_start3A_82] : memref<10240x128xf32, #tpu.memory_space<vmem_shared>> -> memref<128x128xf32, #tpu.memory_space<vmem_shared>>
      %dma_start3A_84 = arith.constant 0 : i32
      %dma_start3A_85 = tpu.memref_slice %arg11[%add3A_21, %dma_start3A_84] : memref<10240x128xf32, #tpu.memory_space<vmem_shared>> -> memref<128x128xf32, #tpu.memory_space<vmem_shared>>
      tpu.enqueue_dma source(%arg9 : memref<128x128xf32, #tpu.memory_space<vmem>>) target(%dma_start3A_85 : memref<128x128xf32, #tpu.memory_space<vmem_shared>>) target_semaphore(%run_scoped3A : memref<!tpu.dma_semaphore, #tpu.memory_space<semaphore_mem>>)
      %dma_wait3A_86 = arith.constant 0 : i32
      %dma_wait3A_87 = tpu.memref_slice %arg11[%add3A_21, %dma_wait3A_86] : memref<10240x128xf32, #tpu.memory_space<vmem_shared>> -> memref<128x128xf32, #tpu.memory_space<vmem_shared>>
      %dma_wait3A_88 = arith.constant 0 : i32
      %dma_wait3A_89 = tpu.memref_slice %arg11[%add3A_21, %dma_wait3A_88] : memref<10240x128xf32, #tpu.memory_space<vmem_shared>> -> memref<128x128xf32, #tpu.memory_space<vmem_shared>>
      tpu.wait_dma2 semaphore(%run_scoped3A : memref<!tpu.dma_semaphore, #tpu.memory_space<semaphore_mem>>) src(%arg9 : memref<128x128xf32, #tpu.memory_space<vmem>>) dst(%dma_wait3A_89 : memref<128x128xf32, #tpu.memory_space<vmem_shared>>)
      tpu.yield
    }) : () -> ()
    %barrier3A = arith.constant 0 : index
    tpu.barrier barrier_id(%barrier3A)
    %add3A_22 = arith.constant 0 : i32
    %add3A_23 = arith.addi %multiple_of3A, %add3A_22 : i32
    "tpu.region"() ({
      %run_scoped3A = tpu.sem_alloc : memref<!tpu.dma_semaphore, #tpu.memory_space<semaphore_mem>>
      %dma_start3A_82 = arith.constant 0 : i32
      %dma_start3A_83 = tpu.memref_slice %arg3[%add3A_23, %dma_start3A_82] : memref<2560x128xi32, #tpu.memory_space<hbm>> -> memref<1x128xi32, #tpu.memory_space<hbm>>
      %dma_start3A_84 = tpu.memref_squeeze %dma_start3A_83 : memref<1x128xi32, #tpu.memory_space<hbm>> -> memref<128xi32, #tpu.memory_space<hbm>>
      %dma_start3A_85 = arith.constant 0 : i32
      %dma_start3A_86 = tpu.memref_slice %arg3[%add3A_23, %dma_start3A_85] : memref<2560x128xi32, #tpu.memory_space<hbm>> -> memref<1x128xi32, #tpu.memory_space<hbm>>
      %dma_start3A_87 = tpu.memref_squeeze %dma_start3A_86 : memref<1x128xi32, #tpu.memory_space<hbm>> -> memref<128xi32, #tpu.memory_space<hbm>>
      tpu.enqueue_dma source(%dma_start3A_87 : memref<128xi32, #tpu.memory_space<hbm>>) target(%arg7 : memref<128xi32, #tpu.memory_space<vmem>>) target_semaphore(%run_scoped3A : memref<!tpu.dma_semaphore, #tpu.memory_space<semaphore_mem>>)
      %dma_wait3A_88 = arith.constant 0 : i32
      %dma_wait3A_89 = tpu.memref_slice %arg3[%add3A_23, %dma_wait3A_88] : memref<2560x128xi32, #tpu.memory_space<hbm>> -> memref<1x128xi32, #tpu.memory_space<hbm>>
      %dma_wait3A_90 = tpu.memref_squeeze %dma_wait3A_89 : memref<1x128xi32, #tpu.memory_space<hbm>> -> memref<128xi32, #tpu.memory_space<hbm>>
      %dma_wait3A_91 = arith.constant 0 : i32
      %dma_wait3A_92 = tpu.memref_slice %arg3[%add3A_23, %dma_wait3A_91] : memref<2560x128xi32, #tpu.memory_space<hbm>> -> memref<1x128xi32, #tpu.memory_space<hbm>>
      %dma_wait3A_93 = tpu.memref_squeeze %dma_wait3A_92 : memref<1x128xi32, #tpu.memory_space<hbm>> -> memref<128xi32, #tpu.memory_space<hbm>>
      tpu.wait_dma2 semaphore(%run_scoped3A : memref<!tpu.dma_semaphore, #tpu.memory_space<semaphore_mem>>) src(%dma_wait3A_93 : memref<128xi32, #tpu.memory_space<hbm>>) dst(%arg7 : memref<128xi32, #tpu.memory_space<vmem>>)
      tpu.yield
    }) : () -> ()
    %dma_start3A = arith.constant 0 : i32
    %dma_start3A_24 = arith.constant 0 : i32
    %dma_start3A_25 = tpu.memref_slice %arg2[%dma_start3A, %dma_start3A_24] : memref<10240x128xf32, #tpu.memory_space<hbm>> -> memref<10240x128xf32, #tpu.memory_space<hbm>>
    tpu.enqueue_indirect_dma source(%dma_start3A_25 : memref<10240x128xf32, #tpu.memory_space<hbm>>) target(%arg9 : memref<128x128xf32, #tpu.memory_space<vmem>>) offsets(%arg7 : memref<128xi32, #tpu.memory_space<vmem>>) semaphore(%arg12 : memref<!tpu.dma_semaphore, #tpu.memory_space<semaphore_mem>>)
    %dma_wait3A = arith.constant 0 : i32
    %dma_wait3A_26 = arith.constant 0 : i32
    %dma_wait3A_27 = tpu.memref_slice %arg2[%dma_wait3A, %dma_wait3A_26] : memref<10240x128xf32, #tpu.memory_space<hbm>> -> memref<10240x128xf32, #tpu.memory_space<hbm>>
    tpu.wait_indirect_dma semaphore(%arg12 : memref<!tpu.dma_semaphore, #tpu.memory_space<semaphore_mem>>) src(%dma_wait3A_27 : memref<10240x128xf32, #tpu.memory_space<hbm>>) dst(%arg9 : memref<128x128xf32, #tpu.memory_space<vmem>>)
    %dma_start3A_28 = arith.constant 0 : i32
    %dma_start3A_29 = arith.constant 0 : i32
    %dma_start3A_30 = tpu.memref_slice %arg6[%dma_start3A_28, %dma_start3A_29] : memref<80x128xi32, #tpu.memory_space<vmem>> -> memref<1x128xi32, #tpu.memory_space<vmem>>
    %dma_start3A_31 = tpu.memref_squeeze %dma_start3A_30 : memref<1x128xi32, #tpu.memory_space<vmem>> -> memref<128xi32, #tpu.memory_space<vmem>>
    %dma_start3A_32 = arith.constant 0 : i32
    %dma_start3A_33 = arith.constant 0 : i32
    %dma_start3A_34 = tpu.memref_slice %arg11[%dma_start3A_32, %dma_start3A_33] : memref<10240x128xf32, #tpu.memory_space<vmem_shared>> -> memref<10240x128xf32, #tpu.memory_space<vmem_shared>>
    tpu.enqueue_indirect_dma source(%arg9 : memref<128x128xf32, #tpu.memory_space<vmem>>) target(%dma_start3A_34 : memref<10240x128xf32, #tpu.memory_space<vmem_shared>>) offsets(%dma_start3A_31 : memref<128xi32, #tpu.memory_space<vmem>>) semaphore(%arg13 : memref<!tpu.dma_semaphore, #tpu.memory_space<semaphore_mem>>) {add = true}
    %add3A_35 = arith.constant 1 : i32
    %add3A_36 = arith.addi %multiple_of3A, %add3A_35 : i32
    "tpu.region"() ({
      %run_scoped3A = tpu.sem_alloc : memref<!tpu.dma_semaphore, #tpu.memory_space<semaphore_mem>>
      %dma_start3A_82 = arith.constant 0 : i32
      %dma_start3A_83 = tpu.memref_slice %arg3[%add3A_36, %dma_start3A_82] : memref<2560x128xi32, #tpu.memory_space<hbm>> -> memref<1x128xi32, #tpu.memory_space<hbm>>
      %dma_start3A_84 = tpu.memref_squeeze %dma_start3A_83 : memref<1x128xi32, #tpu.memory_space<hbm>> -> memref<128xi32, #tpu.memory_space<hbm>>
      %dma_start3A_85 = arith.constant 0 : i32
      %dma_start3A_86 = tpu.memref_slice %arg3[%add3A_36, %dma_start3A_85] : memref<2560x128xi32, #tpu.memory_space<hbm>> -> memref<1x128xi32, #tpu.memory_space<hbm>>
      %dma_start3A_87 = tpu.memref_squeeze %dma_start3A_86 : memref<1x128xi32, #tpu.memory_space<hbm>> -> memref<128xi32, #tpu.memory_space<hbm>>
      tpu.enqueue_dma source(%dma_start3A_87 : memref<128xi32, #tpu.memory_space<hbm>>) target(%arg8 : memref<128xi32, #tpu.memory_space<vmem>>) target_semaphore(%run_scoped3A : memref<!tpu.dma_semaphore, #tpu.memory_space<semaphore_mem>>)
      %dma_wait3A_88 = arith.constant 0 : i32
      %dma_wait3A_89 = tpu.memref_slice %arg3[%add3A_36, %dma_wait3A_88] : memref<2560x128xi32, #tpu.memory_space<hbm>> -> memref<1x128xi32, #tpu.memory_space<hbm>>
      %dma_wait3A_90 = tpu.memref_squeeze %dma_wait3A_89 : memref<1x128xi32, #tpu.memory_space<hbm>> -> memref<128xi32, #tpu.memory_space<hbm>>
      %dma_wait3A_91 = arith.constant 0 : i32
      %dma_wait3A_92 = tpu.memref_slice %arg3[%add3A_36, %dma_wait3A_91] : memref<2560x128xi32, #tpu.memory_space<hbm>> -> memref<1x128xi32, #tpu.memory_space<hbm>>
      %dma_wait3A_93 = tpu.memref_squeeze %dma_wait3A_92 : memref<1x128xi32, #tpu.memory_space<hbm>> -> memref<128xi32, #tpu.memory_space<hbm>>
      tpu.wait_dma2 semaphore(%run_scoped3A : memref<!tpu.dma_semaphore, #tpu.memory_space<semaphore_mem>>) src(%dma_wait3A_93 : memref<128xi32, #tpu.memory_space<hbm>>) dst(%arg8 : memref<128xi32, #tpu.memory_space<vmem>>)
      tpu.yield
    }) : () -> ()
    %dma_start3A_37 = arith.constant 0 : i32
    %dma_start3A_38 = arith.constant 0 : i32
    %dma_start3A_39 = tpu.memref_slice %arg2[%dma_start3A_37, %dma_start3A_38] : memref<10240x128xf32, #tpu.memory_space<hbm>> -> memref<10240x128xf32, #tpu.memory_space<hbm>>
    tpu.enqueue_indirect_dma source(%dma_start3A_39 : memref<10240x128xf32, #tpu.memory_space<hbm>>) target(%arg10 : memref<128x128xf32, #tpu.memory_space<vmem>>) offsets(%arg8 : memref<128xi32, #tpu.memory_space<vmem>>) semaphore(%arg12 : memref<!tpu.dma_semaphore, #tpu.memory_space<semaphore_mem>>)
    %scan3A_40 = arith.constant 0 : i32
    %scan3A_41 = arith.constant 0 : i32
    %scan3A_42 = arith.constant 39 : i32
    %scan3A_43 = arith.addi %scan3A_41, %scan3A_42 : i32
    %scan3A_44 = arith.constant 1 : i32
    %scan3A_45 = scf.for %scan3A_82 = %scan3A_41 to %scan3A_43 step %scan3A_44 iter_args(%scan3A_83 = %scan3A_40) -> (i32)  : i32 {
      %mul3A_84 = arith.constant 2 : i32
      %mul3A_85 = arith.muli %mul3A_84, %scan3A_82 : i32
      %add3A_86 = arith.constant 1 : i32
      %add3A_87 = arith.addi %mul3A_85, %add3A_86 : i32
      %dma_wait3A_88 = arith.constant 0 : i32
      %dma_wait3A_89 = arith.constant 0 : i32
      %dma_wait3A_90 = tpu.memref_slice %arg2[%dma_wait3A_88, %dma_wait3A_89] : memref<10240x128xf32, #tpu.memory_space<hbm>> -> memref<10240x128xf32, #tpu.memory_space<hbm>>
      tpu.wait_indirect_dma semaphore(%arg12 : memref<!tpu.dma_semaphore, #tpu.memory_space<semaphore_mem>>) src(%dma_wait3A_90 : memref<10240x128xf32, #tpu.memory_space<hbm>>) dst(%arg10 : memref<128x128xf32, #tpu.memory_space<vmem>>)
      %dma_start3A_91 = arith.constant 0 : i32
      %dma_start3A_92 = tpu.memref_slice %arg6[%add3A_87, %dma_start3A_91] : memref<80x128xi32, #tpu.memory_space<vmem>> -> memref<1x128xi32, #tpu.memory_space<vmem>>
      %dma_start3A_93 = tpu.memref_squeeze %dma_start3A_92 : memref<1x128xi32, #tpu.memory_space<vmem>> -> memref<128xi32, #tpu.memory_space<vmem>>
      %dma_start3A_94 = arith.constant 0 : i32
      %dma_start3A_95 = arith.constant 0 : i32
      %dma_start3A_96 = tpu.memref_slice %arg11[%dma_start3A_94, %dma_start3A_95] : memref<10240x128xf32, #tpu.memory_space<vmem_shared>> -> memref<10240x128xf32, #tpu.memory_space<vmem_shared>>
      tpu.enqueue_indirect_dma source(%arg10 : memref<128x128xf32, #tpu.memory_space<vmem>>) target(%dma_start3A_96 : memref<10240x128xf32, #tpu.memory_space<vmem_shared>>) offsets(%dma_start3A_93 : memref<128xi32, #tpu.memory_space<vmem>>) semaphore(%arg13 : memref<!tpu.dma_semaphore, #tpu.memory_space<semaphore_mem>>) {add = true}
      %dma_wait3A_97 = arith.constant 0 : i32
      %dma_wait3A_98 = arith.constant 0 : i32
      %dma_wait3A_99 = tpu.memref_slice %arg6[%dma_wait3A_97, %dma_wait3A_98] : memref<80x128xi32, #tpu.memory_space<vmem>> -> memref<1x128xi32, #tpu.memory_space<vmem>>
      %dma_wait3A_100 = tpu.memref_squeeze %dma_wait3A_99 : memref<1x128xi32, #tpu.memory_space<vmem>> -> memref<128xi32, #tpu.memory_space<vmem>>
      %dma_wait3A_101 = arith.constant 0 : i32
      %dma_wait3A_102 = arith.constant 0 : i32
      %dma_wait3A_103 = tpu.memref_slice %arg11[%dma_wait3A_101, %dma_wait3A_102] : memref<10240x128xf32, #tpu.memory_space<vmem_shared>> -> memref<10240x128xf32, #tpu.memory_space<vmem_shared>>
      tpu.wait_indirect_dma semaphore(%arg13 : memref<!tpu.dma_semaphore, #tpu.memory_space<semaphore_mem>>) src(%arg9 : memref<128x128xf32, #tpu.memory_space<vmem>>) dst(%dma_wait3A_103 : memref<10240x128xf32, #tpu.memory_space<vmem_shared>>)
      %add3A_104 = arith.constant 1 : i32
      %add3A_105 = arith.addi %add3A_87, %add3A_104 : i32
      %add3A_106 = arith.addi %multiple_of3A, %add3A_105 : i32
      "tpu.region"() ({
        %run_scoped3A = tpu.sem_alloc : memref<!tpu.dma_semaphore, #tpu.memory_space<semaphore_mem>>
        %dma_start3A_135 = arith.constant 0 : i32
        %dma_start3A_136 = tpu.memref_slice %arg3[%add3A_106, %dma_start3A_135] : memref<2560x128xi32, #tpu.memory_space<hbm>> -> memref<1x128xi32, #tpu.memory_space<hbm>>
        %dma_start3A_137 = tpu.memref_squeeze %dma_start3A_136 : memref<1x128xi32, #tpu.memory_space<hbm>> -> memref<128xi32, #tpu.memory_space<hbm>>
        %dma_start3A_138 = arith.constant 0 : i32
        %dma_start3A_139 = tpu.memref_slice %arg3[%add3A_106, %dma_start3A_138] : memref<2560x128xi32, #tpu.memory_space<hbm>> -> memref<1x128xi32, #tpu.memory_space<hbm>>
        %dma_start3A_140 = tpu.memref_squeeze %dma_start3A_139 : memref<1x128xi32, #tpu.memory_space<hbm>> -> memref<128xi32, #tpu.memory_space<hbm>>
        tpu.enqueue_dma source(%dma_start3A_140 : memref<128xi32, #tpu.memory_space<hbm>>) target(%arg7 : memref<128xi32, #tpu.memory_space<vmem>>) target_semaphore(%run_scoped3A : memref<!tpu.dma_semaphore, #tpu.memory_space<semaphore_mem>>)
        %dma_wait3A_141 = arith.constant 0 : i32
        %dma_wait3A_142 = tpu.memref_slice %arg3[%add3A_106, %dma_wait3A_141] : memref<2560x128xi32, #tpu.memory_space<hbm>> -> memref<1x128xi32, #tpu.memory_space<hbm>>
        %dma_wait3A_143 = tpu.memref_squeeze %dma_wait3A_142 : memref<1x128xi32, #tpu.memory_space<hbm>> -> memref<128xi32, #tpu.memory_space<hbm>>
        %dma_wait3A_144 = arith.constant 0 : i32
        %dma_wait3A_145 = tpu.memref_slice %arg3[%add3A_106, %dma_wait3A_144] : memref<2560x128xi32, #tpu.memory_space<hbm>> -> memref<1x128xi32, #tpu.memory_space<hbm>>
        %dma_wait3A_146 = tpu.memref_squeeze %dma_wait3A_145 : memref<1x128xi32, #tpu.memory_space<hbm>> -> memref<128xi32, #tpu.memory_space<hbm>>
        tpu.wait_dma2 semaphore(%run_scoped3A : memref<!tpu.dma_semaphore, #tpu.memory_space<semaphore_mem>>) src(%dma_wait3A_146 : memref<128xi32, #tpu.memory_space<hbm>>) dst(%arg7 : memref<128xi32, #tpu.memory_space<vmem>>)
        tpu.yield
      }) : () -> ()
      %dma_start3A_107 = arith.constant 0 : i32
      %dma_start3A_108 = arith.constant 0 : i32
      %dma_start3A_109 = tpu.memref_slice %arg2[%dma_start3A_107, %dma_start3A_108] : memref<10240x128xf32, #tpu.memory_space<hbm>> -> memref<10240x128xf32, #tpu.memory_space<hbm>>
      tpu.enqueue_indirect_dma source(%dma_start3A_109 : memref<10240x128xf32, #tpu.memory_space<hbm>>) target(%arg9 : memref<128x128xf32, #tpu.memory_space<vmem>>) offsets(%arg7 : memref<128xi32, #tpu.memory_space<vmem>>) semaphore(%arg12 : memref<!tpu.dma_semaphore, #tpu.memory_space<semaphore_mem>>)
      %dma_wait3A_110 = arith.constant 0 : i32
      %dma_wait3A_111 = arith.constant 0 : i32
      %dma_wait3A_112 = tpu.memref_slice %arg2[%dma_wait3A_110, %dma_wait3A_111] : memref<10240x128xf32, #tpu.memory_space<hbm>> -> memref<10240x128xf32, #tpu.memory_space<hbm>>
      tpu.wait_indirect_dma semaphore(%arg12 : memref<!tpu.dma_semaphore, #tpu.memory_space<semaphore_mem>>) src(%dma_wait3A_112 : memref<10240x128xf32, #tpu.memory_space<hbm>>) dst(%arg9 : memref<128x128xf32, #tpu.memory_space<vmem>>)
      %add3A_113 = arith.constant 1 : i32
      %add3A_114 = arith.addi %add3A_87, %add3A_113 : i32
      %dma_start3A_115 = arith.constant 0 : i32
      %dma_start3A_116 = tpu.memref_slice %arg6[%add3A_114, %dma_start3A_115] : memref<80x128xi32, #tpu.memory_space<vmem>> -> memref<1x128xi32, #tpu.memory_space<vmem>>
      %dma_start3A_117 = tpu.memref_squeeze %dma_start3A_116 : memref<1x128xi32, #tpu.memory_space<vmem>> -> memref<128xi32, #tpu.memory_space<vmem>>
      %dma_start3A_118 = arith.constant 0 : i32
      %dma_start3A_119 = arith.constant 0 : i32
      %dma_start3A_120 = tpu.memref_slice %arg11[%dma_start3A_118, %dma_start3A_119] : memref<10240x128xf32, #tpu.memory_space<vmem_shared>> -> memref<10240x128xf32, #tpu.memory_space<vmem_shared>>
      tpu.enqueue_indirect_dma source(%arg9 : memref<128x128xf32, #tpu.memory_space<vmem>>) target(%dma_start3A_120 : memref<10240x128xf32, #tpu.memory_space<vmem_shared>>) offsets(%dma_start3A_117 : memref<128xi32, #tpu.memory_space<vmem>>) semaphore(%arg13 : memref<!tpu.dma_semaphore, #tpu.memory_space<semaphore_mem>>) {add = true}
      %dma_wait3A_121 = arith.constant 0 : i32
      %dma_wait3A_122 = arith.constant 0 : i32
      %dma_wait3A_123 = tpu.memref_slice %arg6[%dma_wait3A_121, %dma_wait3A_122] : memref<80x128xi32, #tpu.memory_space<vmem>> -> memref<1x128xi32, #tpu.memory_space<vmem>>
      %dma_wait3A_124 = tpu.memref_squeeze %dma_wait3A_123 : memref<1x128xi32, #tpu.memory_space<vmem>> -> memref<128xi32, #tpu.memory_space<vmem>>
      %dma_wait3A_125 = arith.constant 0 : i32
      %dma_wait3A_126 = arith.constant 0 : i32
      %dma_wait3A_127 = tpu.memref_slice %arg11[%dma_wait3A_125, %dma_wait3A_126] : memref<10240x128xf32, #tpu.memory_space<vmem_shared>> -> memref<10240x128xf32, #tpu.memory_space<vmem_shared>>
      tpu.wait_indirect_dma semaphore(%arg13 : memref<!tpu.dma_semaphore, #tpu.memory_space<semaphore_mem>>) src(%arg10 : memref<128x128xf32, #tpu.memory_space<vmem>>) dst(%dma_wait3A_127 : memref<10240x128xf32, #tpu.memory_space<vmem_shared>>)
      %add3A_128 = arith.constant 2 : i32
      %add3A_129 = arith.addi %add3A_87, %add3A_128 : i32
      %add3A_130 = arith.addi %multiple_of3A, %add3A_129 : i32
      "tpu.region"() ({
        %run_scoped3A = tpu.sem_alloc : memref<!tpu.dma_semaphore, #tpu.memory_space<semaphore_mem>>
        %dma_start3A_135 = arith.constant 0 : i32
        %dma_start3A_136 = tpu.memref_slice %arg3[%add3A_130, %dma_start3A_135] : memref<2560x128xi32, #tpu.memory_space<hbm>> -> memref<1x128xi32, #tpu.memory_space<hbm>>
        %dma_start3A_137 = tpu.memref_squeeze %dma_start3A_136 : memref<1x128xi32, #tpu.memory_space<hbm>> -> memref<128xi32, #tpu.memory_space<hbm>>
        %dma_start3A_138 = arith.constant 0 : i32
        %dma_start3A_139 = tpu.memref_slice %arg3[%add3A_130, %dma_start3A_138] : memref<2560x128xi32, #tpu.memory_space<hbm>> -> memref<1x128xi32, #tpu.memory_space<hbm>>
        %dma_start3A_140 = tpu.memref_squeeze %dma_start3A_139 : memref<1x128xi32, #tpu.memory_space<hbm>> -> memref<128xi32, #tpu.memory_space<hbm>>
        tpu.enqueue_dma source(%dma_start3A_140 : memref<128xi32, #tpu.memory_space<hbm>>) target(%arg8 : memref<128xi32, #tpu.memory_space<vmem>>) target_semaphore(%run_scoped3A : memref<!tpu.dma_semaphore, #tpu.memory_space<semaphore_mem>>)
        %dma_wait3A_141 = arith.constant 0 : i32
        %dma_wait3A_142 = tpu.memref_slice %arg3[%add3A_130, %dma_wait3A_141] : memref<2560x128xi32, #tpu.memory_space<hbm>> -> memref<1x128xi32, #tpu.memory_space<hbm>>
        %dma_wait3A_143 = tpu.memref_squeeze %dma_wait3A_142 : memref<1x128xi32, #tpu.memory_space<hbm>> -> memref<128xi32, #tpu.memory_space<hbm>>
        %dma_wait3A_144 = arith.constant 0 : i32
        %dma_wait3A_145 = tpu.memref_slice %arg3[%add3A_130, %dma_wait3A_144] : memref<2560x128xi32, #tpu.memory_space<hbm>> -> memref<1x128xi32, #tpu.memory_space<hbm>>
        %dma_wait3A_146 = tpu.memref_squeeze %dma_wait3A_145 : memref<1x128xi32, #tpu.memory_space<hbm>> -> memref<128xi32, #tpu.memory_space<hbm>>
        tpu.wait_dma2 semaphore(%run_scoped3A : memref<!tpu.dma_semaphore, #tpu.memory_space<semaphore_mem>>) src(%dma_wait3A_146 : memref<128xi32, #tpu.memory_space<hbm>>) dst(%arg8 : memref<128xi32, #tpu.memory_space<vmem>>)
        tpu.yield
      }) : () -> ()
      %dma_start3A_131 = arith.constant 0 : i32
      %dma_start3A_132 = arith.constant 0 : i32
      %dma_start3A_133 = tpu.memref_slice %arg2[%dma_start3A_131, %dma_start3A_132] : memref<10240x128xf32, #tpu.memory_space<hbm>> -> memref<10240x128xf32, #tpu.memory_space<hbm>>
      tpu.enqueue_indirect_dma source(%dma_start3A_133 : memref<10240x128xf32, #tpu.memory_space<hbm>>) target(%arg10 : memref<128x128xf32, #tpu.memory_space<vmem>>) offsets(%arg8 : memref<128xi32, #tpu.memory_space<vmem>>) semaphore(%arg12 : memref<!tpu.dma_semaphore, #tpu.memory_space<semaphore_mem>>)
      %scan3A_134 = arith.constant 0 : i32
      scf.yield %scan3A_134 : i32
    }
    %scan3A_46 = arith.constant 39 : i32
    %dma_wait3A_47 = arith.constant 0 : i32
    %dma_wait3A_48 = arith.constant 0 : i32
    %dma_wait3A_49 = tpu.memref_slice %arg2[%dma_wait3A_47, %dma_wait3A_48] : memref<10240x128xf32, #tpu.memory_space<hbm>> -> memref<10240x128xf32, #tpu.memory_space<hbm>>
    tpu.wait_indirect_dma semaphore(%arg12 : memref<!tpu.dma_semaphore, #tpu.memory_space<semaphore_mem>>) src(%dma_wait3A_49 : memref<10240x128xf32, #tpu.memory_space<hbm>>) dst(%arg10 : memref<128x128xf32, #tpu.memory_space<vmem>>)
    %dma_start3A_50 = arith.constant 79 : i32
    %dma_start3A_51 = arith.constant 0 : i32
    %dma_start3A_52 = tpu.memref_slice %arg6[%dma_start3A_50, %dma_start3A_51] : memref<80x128xi32, #tpu.memory_space<vmem>> -> memref<1x128xi32, #tpu.memory_space<vmem>>
    %dma_start3A_53 = tpu.memref_squeeze %dma_start3A_52 : memref<1x128xi32, #tpu.memory_space<vmem>> -> memref<128xi32, #tpu.memory_space<vmem>>
    %dma_start3A_54 = arith.constant 0 : i32
    %dma_start3A_55 = arith.constant 0 : i32
    %dma_start3A_56 = tpu.memref_slice %arg11[%dma_start3A_54, %dma_start3A_55] : memref<10240x128xf32, #tpu.memory_space<vmem_shared>> -> memref<10240x128xf32, #tpu.memory_space<vmem_shared>>
    tpu.enqueue_indirect_dma source(%arg10 : memref<128x128xf32, #tpu.memory_space<vmem>>) target(%dma_start3A_56 : memref<10240x128xf32, #tpu.memory_space<vmem_shared>>) offsets(%dma_start3A_53 : memref<128xi32, #tpu.memory_space<vmem>>) semaphore(%arg13 : memref<!tpu.dma_semaphore, #tpu.memory_space<semaphore_mem>>) {add = true}
    %dma_wait3A_57 = arith.constant 0 : i32
    %dma_wait3A_58 = arith.constant 0 : i32
    %dma_wait3A_59 = tpu.memref_slice %arg6[%dma_wait3A_57, %dma_wait3A_58] : memref<80x128xi32, #tpu.memory_space<vmem>> -> memref<1x128xi32, #tpu.memory_space<vmem>>
    %dma_wait3A_60 = tpu.memref_squeeze %dma_wait3A_59 : memref<1x128xi32, #tpu.memory_space<vmem>> -> memref<128xi32, #tpu.memory_space<vmem>>
    %dma_wait3A_61 = arith.constant 0 : i32
    %dma_wait3A_62 = arith.constant 0 : i32
    %dma_wait3A_63 = tpu.memref_slice %arg11[%dma_wait3A_61, %dma_wait3A_62] : memref<10240x128xf32, #tpu.memory_space<vmem_shared>> -> memref<10240x128xf32, #tpu.memory_space<vmem_shared>>
    tpu.wait_indirect_dma semaphore(%arg13 : memref<!tpu.dma_semaphore, #tpu.memory_space<semaphore_mem>>) src(%arg9 : memref<128x128xf32, #tpu.memory_space<vmem>>) dst(%dma_wait3A_63 : memref<10240x128xf32, #tpu.memory_space<vmem_shared>>)
    %dma_wait3A_64 = arith.constant 0 : i32
    %dma_wait3A_65 = arith.constant 0 : i32
    %dma_wait3A_66 = tpu.memref_slice %arg6[%dma_wait3A_64, %dma_wait3A_65] : memref<80x128xi32, #tpu.memory_space<vmem>> -> memref<1x128xi32, #tpu.memory_space<vmem>>
    %dma_wait3A_67 = tpu.memref_squeeze %dma_wait3A_66 : memref<1x128xi32, #tpu.memory_space<vmem>> -> memref<128xi32, #tpu.memory_space<vmem>>
    %dma_wait3A_68 = arith.constant 0 : i32
    %dma_wait3A_69 = arith.constant 0 : i32
    %dma_wait3A_70 = tpu.memref_slice %arg11[%dma_wait3A_68, %dma_wait3A_69] : memref<10240x128xf32, #tpu.memory_space<vmem_shared>> -> memref<10240x128xf32, #tpu.memory_space<vmem_shared>>
    tpu.wait_indirect_dma semaphore(%arg13 : memref<!tpu.dma_semaphore, #tpu.memory_space<semaphore_mem>>) src(%arg10 : memref<128x128xf32, #tpu.memory_space<vmem>>) dst(%dma_wait3A_70 : memref<10240x128xf32, #tpu.memory_space<vmem_shared>>)
    %barrier3A_71 = arith.constant 0 : index
    tpu.barrier barrier_id(%barrier3A_71)
    %add3A_72 = arith.constant 0 : i32
    %add3A_73 = arith.addi %multiple_of3A_11, %add3A_72 : i32
    "tpu.region"() ({
      %run_scoped3A = tpu.sem_alloc : memref<!tpu.dma_semaphore, #tpu.memory_space<semaphore_mem>>
      %dma_start3A_82 = arith.constant 0 : i32
      %dma_start3A_83 = tpu.memref_slice %arg5[%arg0, %add3A_73, %dma_start3A_82] : memref<2x10240x128xf32, #tpu.memory_space<hbm>> -> memref<1x128x128xf32, #tpu.memory_space<hbm>>
      %dma_start3A_84 = tpu.memref_squeeze %dma_start3A_83 : memref<1x128x128xf32, #tpu.memory_space<hbm>> -> memref<128x128xf32, #tpu.memory_space<hbm>>
      %dma_start3A_85 = arith.constant 0 : i32
      %dma_start3A_86 = tpu.memref_slice %arg11[%add3A_73, %dma_start3A_85] : memref<10240x128xf32, #tpu.memory_space<vmem_shared>> -> memref<128x128xf32, #tpu.memory_space<vmem_shared>>
      tpu.enqueue_dma source(%dma_start3A_86 : memref<128x128xf32, #tpu.memory_space<vmem_shared>>) target(%dma_start3A_84 : memref<128x128xf32, #tpu.memory_space<hbm>>) target_semaphore(%run_scoped3A : memref<!tpu.dma_semaphore, #tpu.memory_space<semaphore_mem>>)
      %dma_wait3A_87 = arith.constant 0 : i32
      %dma_wait3A_88 = tpu.memref_slice %arg5[%arg0, %add3A_73, %dma_wait3A_87] : memref<2x10240x128xf32, #tpu.memory_space<hbm>> -> memref<1x128x128xf32, #tpu.memory_space<hbm>>
      %dma_wait3A_89 = tpu.memref_squeeze %dma_wait3A_88 : memref<1x128x128xf32, #tpu.memory_space<hbm>> -> memref<128x128xf32, #tpu.memory_space<hbm>>
      %dma_wait3A_90 = arith.constant 0 : i32
      %dma_wait3A_91 = tpu.memref_slice %arg11[%add3A_73, %dma_wait3A_90] : memref<10240x128xf32, #tpu.memory_space<vmem_shared>> -> memref<128x128xf32, #tpu.memory_space<vmem_shared>>
      tpu.wait_dma2 semaphore(%run_scoped3A : memref<!tpu.dma_semaphore, #tpu.memory_space<semaphore_mem>>) src(%dma_wait3A_91 : memref<128x128xf32, #tpu.memory_space<vmem_shared>>) dst(%dma_wait3A_89 : memref<128x128xf32, #tpu.memory_space<hbm>>)
      tpu.yield
    }) : () -> ()
    %add3A_74 = arith.constant 128 : i32
    %add3A_75 = arith.addi %multiple_of3A_11, %add3A_74 : i32
    "tpu.region"() ({
      %run_scoped3A = tpu.sem_alloc : memref<!tpu.dma_semaphore, #tpu.memory_space<semaphore_mem>>
      %dma_start3A_82 = arith.constant 0 : i32
      %dma_start3A_83 = tpu.memref_slice %arg5[%arg0, %add3A_75, %dma_start3A_82] : memref<2x10240x128xf32, #tpu.memory_space<hbm>> -> memref<1x128x128xf32, #tpu.memory_space<hbm>>
      %dma_start3A_84 = tpu.memref_squeeze %dma_start3A_83 : memref<1x128x128xf32, #tpu.memory_space<hbm>> -> memref<128x128xf32, #tpu.memory_space<hbm>>
      %dma_start3A_85 = arith.constant 0 : i32
      %dma_start3A_86 = tpu.memref_slice %arg11[%add3A_75, %dma_start3A_85] : memref<10240x128xf32, #tpu.memory_space<vmem_shared>> -> memref<128x128xf32, #tpu.memory_space<vmem_shared>>
      tpu.enqueue_dma source(%dma_start3A_86 : memref<128x128xf32, #tpu.memory_space<vmem_shared>>) target(%dma_start3A_84 : memref<128x128xf32, #tpu.memory_space<hbm>>) target_semaphore(%run_scoped3A : memref<!tpu.dma_semaphore, #tpu.memory_space<semaphore_mem>>)
      %dma_wait3A_87 = arith.constant 0 : i32
      %dma_wait3A_88 = tpu.memref_slice %arg5[%arg0, %add3A_75, %dma_wait3A_87] : memref<2x10240x128xf32, #tpu.memory_space<hbm>> -> memref<1x128x128xf32, #tpu.memory_space<hbm>>
      %dma_wait3A_89 = tpu.memref_squeeze %dma_wait3A_88 : memref<1x128x128xf32, #tpu.memory_space<hbm>> -> memref<128x128xf32, #tpu.memory_space<hbm>>
      %dma_wait3A_90 = arith.constant 0 : i32
      %dma_wait3A_91 = tpu.memref_slice %arg11[%add3A_75, %dma_wait3A_90] : memref<10240x128xf32, #tpu.memory_space<vmem_shared>> -> memref<128x128xf32, #tpu.memory_space<vmem_shared>>
      tpu.wait_dma2 semaphore(%run_scoped3A : memref<!tpu.dma_semaphore, #tpu.memory_space<semaphore_mem>>) src(%dma_wait3A_91 : memref<128x128xf32, #tpu.memory_space<vmem_shared>>) dst(%dma_wait3A_89 : memref<128x128xf32, #tpu.memory_space<hbm>>)
      tpu.yield
    }) : () -> ()
    %add3A_76 = arith.constant 256 : i32
    %add3A_77 = arith.addi %multiple_of3A_11, %add3A_76 : i32
    "tpu.region"() ({
      %run_scoped3A = tpu.sem_alloc : memref<!tpu.dma_semaphore, #tpu.memory_space<semaphore_mem>>
      %dma_start3A_82 = arith.constant 0 : i32
      %dma_start3A_83 = tpu.memref_slice %arg5[%arg0, %add3A_77, %dma_start3A_82] : memref<2x10240x128xf32, #tpu.memory_space<hbm>> -> memref<1x128x128xf32, #tpu.memory_space<hbm>>
      %dma_start3A_84 = tpu.memref_squeeze %dma_start3A_83 : memref<1x128x128xf32, #tpu.memory_space<hbm>> -> memref<128x128xf32, #tpu.memory_space<hbm>>
      %dma_start3A_85 = arith.constant 0 : i32
      %dma_start3A_86 = tpu.memref_slice %arg11[%add3A_77, %dma_start3A_85] : memref<10240x128xf32, #tpu.memory_space<vmem_shared>> -> memref<128x128xf32, #tpu.memory_space<vmem_shared>>
      tpu.enqueue_dma source(%dma_start3A_86 : memref<128x128xf32, #tpu.memory_space<vmem_shared>>) target(%dma_start3A_84 : memref<128x128xf32, #tpu.memory_space<hbm>>) target_semaphore(%run_scoped3A : memref<!tpu.dma_semaphore, #tpu.memory_space<semaphore_mem>>)
      %dma_wait3A_87 = arith.constant 0 : i32
      %dma_wait3A_88 = tpu.memref_slice %arg5[%arg0, %add3A_77, %dma_wait3A_87] : memref<2x10240x128xf32, #tpu.memory_space<hbm>> -> memref<1x128x128xf32, #tpu.memory_space<hbm>>
      %dma_wait3A_89 = tpu.memref_squeeze %dma_wait3A_88 : memref<1x128x128xf32, #tpu.memory_space<hbm>> -> memref<128x128xf32, #tpu.memory_space<hbm>>
      %dma_wait3A_90 = arith.constant 0 : i32
      %dma_wait3A_91 = tpu.memref_slice %arg11[%add3A_77, %dma_wait3A_90] : memref<10240x128xf32, #tpu.memory_space<vmem_shared>> -> memref<128x128xf32, #tpu.memory_space<vmem_shared>>
      tpu.wait_dma2 semaphore(%run_scoped3A : memref<!tpu.dma_semaphore, #tpu.memory_space<semaphore_mem>>) src(%dma_wait3A_91 : memref<128x128xf32, #tpu.memory_space<vmem_shared>>) dst(%dma_wait3A_89 : memref<128x128xf32, #tpu.memory_space<hbm>>)
      tpu.yield
    }) : () -> ()
    %add3A_78 = arith.constant 384 : i32
    %add3A_79 = arith.addi %multiple_of3A_11, %add3A_78 : i32
    "tpu.region"() ({
      %run_scoped3A = tpu.sem_alloc : memref<!tpu.dma_semaphore, #tpu.memory_space<semaphore_mem>>
      %dma_start3A_82 = arith.constant 0 : i32
      %dma_start3A_83 = tpu.memref_slice %arg5[%arg0, %add3A_79, %dma_start3A_82] : memref<2x10240x128xf32, #tpu.memory_space<hbm>> -> memref<1x128x128xf32, #tpu.memory_space<hbm>>
      %dma_start3A_84 = tpu.memref_squeeze %dma_start3A_83 : memref<1x128x128xf32, #tpu.memory_space<hbm>> -> memref<128x128xf32, #tpu.memory_space<hbm>>
      %dma_start3A_85 = arith.constant 0 : i32
      %dma_start3A_86 = tpu.memref_slice %arg11[%add3A_79, %dma_start3A_85] : memref<10240x128xf32, #tpu.memory_space<vmem_shared>> -> memref<128x128xf32, #tpu.memory_space<vmem_shared>>
      tpu.enqueue_dma source(%dma_start3A_86 : memref<128x128xf32, #tpu.memory_space<vmem_shared>>) target(%dma_start3A_84 : memref<128x128xf32, #tpu.memory_space<hbm>>) target_semaphore(%run_scoped3A : memref<!tpu.dma_semaphore, #tpu.memory_space<semaphore_mem>>)
      %dma_wait3A_87 = arith.constant 0 : i32
      %dma_wait3A_88 = tpu.memref_slice %arg5[%arg0, %add3A_79, %dma_wait3A_87] : memref<2x10240x128xf32, #tpu.memory_space<hbm>> -> memref<1x128x128xf32, #tpu.memory_space<hbm>>
      %dma_wait3A_89 = tpu.memref_squeeze %dma_wait3A_88 : memref<1x128x128xf32, #tpu.memory_space<hbm>> -> memref<128x128xf32, #tpu.memory_space<hbm>>
      %dma_wait3A_90 = arith.constant 0 : i32
      %dma_wait3A_91 = tpu.memref_slice %arg11[%add3A_79, %dma_wait3A_90] : memref<10240x128xf32, #tpu.memory_space<vmem_shared>> -> memref<128x128xf32, #tpu.memory_space<vmem_shared>>
      tpu.wait_dma2 semaphore(%run_scoped3A : memref<!tpu.dma_semaphore, #tpu.memory_space<semaphore_mem>>) src(%dma_wait3A_91 : memref<128x128xf32, #tpu.memory_space<vmem_shared>>) dst(%dma_wait3A_89 : memref<128x128xf32, #tpu.memory_space<hbm>>)
      tpu.yield
    }) : () -> ()
    %add3A_80 = arith.constant 512 : i32
    %add3A_81 = arith.addi %multiple_of3A_11, %add3A_80 : i32
    "tpu.region"() ({
      %run_scoped3A = tpu.sem_alloc : memref<!tpu.dma_semaphore, #tpu.memory_space<semaphore_mem>>
      %dma_start3A_82 = arith.constant 0 : i32
      %dma_start3A_83 = tpu.memref_slice %arg5[%arg0, %add3A_81, %dma_start3A_82] : memref<2x10240x128xf32, #tpu.memory_space<hbm>> -> memref<1x128x128xf32, #tpu.memory_space<hbm>>
      %dma_start3A_84 = tpu.memref_squeeze %dma_start3A_83 : memref<1x128x128xf32, #tpu.memory_space<hbm>> -> memref<128x128xf32, #tpu.memory_space<hbm>>
      %dma_start3A_85 = arith.constant 0 : i32
      %dma_start3A_86 = tpu.memref_slice %arg11[%add3A_81, %dma_start3A_85] : memref<10240x128xf32, #tpu.memory_space<vmem_shared>> -> memref<128x128xf32, #tpu.memory_space<vmem_shared>>
      tpu.enqueue_dma source(%dma_start3A_86 : memref<128x128xf32, #tpu.memory_space<vmem_shared>>) target(%dma_start3A_84 : memref<128x128xf32, #tpu.memory_space<hbm>>) target_semaphore(%run_scoped3A : memref<!tpu.dma_semaphore, #tpu.memory_space<semaphore_mem>>)
      %dma_wait3A_87 = arith.constant 0 : i32
      %dma_wait3A_88 = tpu.memref_slice %arg5[%arg0, %add3A_81, %dma_wait3A_87] : memref<2x10240x128xf32, #tpu.memory_space<hbm>> -> memref<1x128x128xf32, #tpu.memory_space<hbm>>
      %dma_wait3A_89 = tpu.memref_squeeze %dma_wait3A_88 : memref<1x128x128xf32, #tpu.memory_space<hbm>> -> memref<128x128xf32, #tpu.memory_space<hbm>>
      %dma_wait3A_90 = arith.constant 0 : i32
      %dma_wait3A_91 = tpu.memref_slice %arg11[%add3A_81, %dma_wait3A_90] : memref<10240x128xf32, #tpu.memory_space<vmem_shared>> -> memref<128x128xf32, #tpu.memory_space<vmem_shared>>
      tpu.wait_dma2 semaphore(%run_scoped3A : memref<!tpu.dma_semaphore, #tpu.memory_space<semaphore_mem>>) src(%dma_wait3A_91 : memref<128x128xf32, #tpu.memory_space<vmem_shared>>) dst(%dma_wait3A_89 : memref<128x128xf32, #tpu.memory_space<hbm>>)
      tpu.yield
    }) : () -> ()
    return
  }
}

#map = affine_map<(d0, d1) -> (0, 0)>
#map1 = affine_map<(d0, d1) -> (0, 0, 0)>
module attributes {stable_mosaic.version = 14 : i64} {
  func.func @_cnt_body(%arg0: i32, %arg1: i32, %arg2: memref<2560x128xi32, #tpu.memory_space<hbm>>, %arg3: memref<2x10240x128xf32, #tpu.memory_space<hbm>>, %arg4: memref<80x128xi32, #tpu.memory_space<vmem>>, %arg5: memref<128x128xf32, #tpu.memory_space<vmem>>, %arg6: memref<10240x128xf32, #tpu.memory_space<vmem_shared>>, %arg7: memref<!tpu.dma_semaphore, #tpu.memory_space<semaphore_mem>>) attributes {dimension_semantics = [#tpu.dimension_semantics<core_parallel>, #tpu.dimension_semantics<subcore_parallel>], iteration_bounds = array<i64: 2, 16>, scalar_prefetch = 0 : i64, scratch_operands = 4 : i64, tpu.core_type = #tpu.core_type<sc_vector_subcore>, window_params = [{transform_indices = #map}, {transform_indices = #map1}]} {
    %mul3A = arith.constant 2 : i32
    %mul3A_0 = arith.muli %arg1, %mul3A : i32
    %add3A = arith.addi %mul3A_0, %arg0 : i32
    %mul3A_1 = arith.constant 80 : i32
    %mul3A_2 = arith.muli %add3A, %mul3A_1 : i32
    %multiple_of3A = tpu.assume_multiple %mul3A_2, 8 : i32
    "tpu.region"() ({
      %run_scoped3A = tpu.sem_alloc : memref<!tpu.dma_semaphore, #tpu.memory_space<semaphore_mem>>
      %dma_start3A = arith.constant 0 : i32
      %dma_start3A_47 = tpu.memref_slice %arg2[%multiple_of3A, %dma_start3A] : memref<2560x128xi32, #tpu.memory_space<hbm>> -> memref<80x128xi32, #tpu.memory_space<hbm>>
      %dma_start3A_48 = arith.constant 0 : i32
      %dma_start3A_49 = tpu.memref_slice %arg2[%multiple_of3A, %dma_start3A_48] : memref<2560x128xi32, #tpu.memory_space<hbm>> -> memref<80x128xi32, #tpu.memory_space<hbm>>
      tpu.enqueue_dma source(%dma_start3A_49 : memref<80x128xi32, #tpu.memory_space<hbm>>) target(%arg4 : memref<80x128xi32, #tpu.memory_space<vmem>>) target_semaphore(%run_scoped3A : memref<!tpu.dma_semaphore, #tpu.memory_space<semaphore_mem>>)
      %dma_wait3A = arith.constant 0 : i32
      %dma_wait3A_50 = tpu.memref_slice %arg2[%multiple_of3A, %dma_wait3A] : memref<2560x128xi32, #tpu.memory_space<hbm>> -> memref<80x128xi32, #tpu.memory_space<hbm>>
      %dma_wait3A_51 = arith.constant 0 : i32
      %dma_wait3A_52 = tpu.memref_slice %arg2[%multiple_of3A, %dma_wait3A_51] : memref<2560x128xi32, #tpu.memory_space<hbm>> -> memref<80x128xi32, #tpu.memory_space<hbm>>
      tpu.wait_dma2 semaphore(%run_scoped3A : memref<!tpu.dma_semaphore, #tpu.memory_space<semaphore_mem>>) src(%dma_wait3A_52 : memref<80x128xi32, #tpu.memory_space<hbm>>) dst(%arg4 : memref<80x128xi32, #tpu.memory_space<vmem>>)
      tpu.yield
    }) : () -> ()
    %scan3A = arith.constant 0 : i32
    %scan3A_3 = arith.constant 0 : i32
    %scan3A_4 = arith.constant 1024 : i32
    %scan3A_5 = arith.addi %scan3A_3, %scan3A_4 : i32
    %scan3A_6 = arith.constant 1 : i32
    %scan3A_7 = scf.for %scan3A_47 = %scan3A_3 to %scan3A_5 step %scan3A_6 iter_args(%scan3A_48 = %scan3A) -> (i32)  : i32 {
      %jit3A = arith.constant 8 : i32
      %div3A = arith.divsi %scan3A_47, %jit3A : i32
      %sign3A = arith.constant 0 : i32
      %sign3A_49 = arith.cmpi sgt, %scan3A_47, %sign3A : i32
      %sign3A_50 = arith.extui %sign3A_49 : i1 to i32
      %sign3A_51 = arith.constant 0 : i32
      %sign3A_52 = arith.cmpi slt, %scan3A_47, %sign3A_51 : i32
      %sign3A_53 = arith.extui %sign3A_52 : i1 to i32
      %sign3A_54 = arith.subi %sign3A_50, %sign3A_53 : i32
      %sign3A_55 = arith.constant 0 : i32
      %sign3A_56 = arith.cmpi sgt, %jit3A, %sign3A_55 : i32
      %sign3A_57 = arith.extui %sign3A_56 : i1 to i32
      %sign3A_58 = arith.constant 0 : i32
      %sign3A_59 = arith.cmpi slt, %jit3A, %sign3A_58 : i32
      %sign3A_60 = arith.extui %sign3A_59 : i1 to i32
      %sign3A_61 = arith.subi %sign3A_57, %sign3A_60 : i32
      %ne3A = arith.cmpi ne, %sign3A_54, %sign3A_61 : i32
      %rem3A = arith.remsi %scan3A_47, %jit3A : i32
      %ne3A_62 = arith.constant 0 : i32
      %ne3A_63 = arith.cmpi ne, %rem3A, %ne3A_62 : i32
      %and3A = arith.andi %ne3A, %ne3A_63 : i1
      %sub3A = arith.constant 1 : i32
      %sub3A_64 = arith.subi %div3A, %sub3A : i32
      %select_n3A = arith.select %and3A, %sub3A_64, %div3A : i32
      %jit3A_65 = arith.constant 8 : i32
      %eq3A = arith.constant 0 : i32
      %eq3A_66 = arith.cmpi eq, %jit3A_65, %eq3A : i32
      %jit3A_67 = arith.constant 1 : i32
      %select_n3A_68 = arith.select %eq3A_66, %jit3A_67, %jit3A_65 : i32
      %rem3A_69 = arith.remsi %scan3A_47, %select_n3A_68 : i32
      %ne3A_70 = arith.constant 0 : i32
      %ne3A_71 = arith.cmpi ne, %rem3A_69, %ne3A_70 : i32
      %lt3A = arith.constant 0 : i32
      %lt3A_72 = arith.cmpi slt, %rem3A_69, %lt3A : i32
      %lt3A_73 = arith.constant 0 : i32
      %lt3A_74 = arith.cmpi slt, %select_n3A_68, %lt3A_73 : i32
      %ne3A_75 = arith.xori %lt3A_72, %lt3A_74 : i1
      %and3A_76 = arith.andi %ne3A_75, %ne3A_71 : i1
      %add3A_77 = arith.addi %rem3A_69, %select_n3A_68 : i32
      %select_n3A_78 = arith.select %and3A_76, %add3A_77, %rem3A_69 : i32
      %mul3A_79 = arith.constant 16 : i32
      %mul3A_80 = arith.muli %select_n3A_78, %mul3A_79 : i32
      %broadcast_in_dim3A = arith.constant 0.000000e+00 : f32
      %broadcast_in_dim3A_81 = vector.broadcast %broadcast_in_dim3A : f32 to vector<16xf32>
      %swap3A = arith.index_cast %select_n3A : i32 to index
      %swap3A_82 = arith.index_cast %mul3A_80 : i32 to index
      %swap3A_83 = tpu.vector_load %arg5[%swap3A, %swap3A_82] {strides = array<i32>} : memref<128x128xf32, #tpu.memory_space<vmem>>, vector<1x16xf32>,
      %swap3A_84 = vector.shape_cast %swap3A_83 : vector<1x16xf32> to vector<16xf32>
      %swap3A_85 = vector.shape_cast %broadcast_in_dim3A_81 : vector<16xf32> to vector<1x16xf32>
      tpu.vector_store %arg5[%swap3A, %swap3A_82], %swap3A_85 {strides = array<i32>} : memref<128x128xf32, #tpu.memory_space<vmem>>, vector<1x16xf32>,
      %scan3A_86 = arith.constant 0 : i32
      scf.yield %scan3A_86 : i32
    }
    %scan3A_8 = arith.constant 1024 : i32
    %mul3A_9 = arith.constant 640 : i32
    %mul3A_10 = arith.muli %arg1, %mul3A_9 : i32
    %multiple_of3A_11 = tpu.assume_multiple %mul3A_10, 128 : i32
    %add3A_12 = arith.constant 0 : i32
    %add3A_13 = arith.addi %multiple_of3A_11, %add3A_12 : i32
    "tpu.region"() ({
      %run_scoped3A = tpu.sem_alloc : memref<!tpu.dma_semaphore, #tpu.memory_space<semaphore_mem>>
      %dma_start3A = arith.constant 0 : i32
      %dma_start3A_47 = tpu.memref_slice %arg6[%add3A_13, %dma_start3A] : memref<10240x128xf32, #tpu.memory_space<vmem_shared>> -> memref<128x128xf32, #tpu.memory_space<vmem_shared>>
      %dma_start3A_48 = arith.constant 0 : i32
      %dma_start3A_49 = tpu.memref_slice %arg6[%add3A_13, %dma_start3A_48] : memref<10240x128xf32, #tpu.memory_space<vmem_shared>> -> memref<128x128xf32, #tpu.memory_space<vmem_shared>>
      tpu.enqueue_dma source(%arg5 : memref<128x128xf32, #tpu.memory_space<vmem>>) target(%dma_start3A_49 : memref<128x128xf32, #tpu.memory_space<vmem_shared>>) target_semaphore(%run_scoped3A : memref<!tpu.dma_semaphore, #tpu.memory_space<semaphore_mem>>)
      %dma_wait3A = arith.constant 0 : i32
      %dma_wait3A_50 = tpu.memref_slice %arg6[%add3A_13, %dma_wait3A] : memref<10240x128xf32, #tpu.memory_space<vmem_shared>> -> memref<128x128xf32, #tpu.memory_space<vmem_shared>>
      %dma_wait3A_51 = arith.constant 0 : i32
      %dma_wait3A_52 = tpu.memref_slice %arg6[%add3A_13, %dma_wait3A_51] : memref<10240x128xf32, #tpu.memory_space<vmem_shared>> -> memref<128x128xf32, #tpu.memory_space<vmem_shared>>
      tpu.wait_dma2 semaphore(%run_scoped3A : memref<!tpu.dma_semaphore, #tpu.memory_space<semaphore_mem>>) src(%arg5 : memref<128x128xf32, #tpu.memory_space<vmem>>) dst(%dma_wait3A_52 : memref<128x128xf32, #tpu.memory_space<vmem_shared>>)
      tpu.yield
    }) : () -> ()
    %add3A_14 = arith.constant 128 : i32
    %add3A_15 = arith.addi %multiple_of3A_11, %add3A_14 : i32
    "tpu.region"() ({
      %run_scoped3A = tpu.sem_alloc : memref<!tpu.dma_semaphore, #tpu.memory_space<semaphore_mem>>
      %dma_start3A = arith.constant 0 : i32
      %dma_start3A_47 = tpu.memref_slice %arg6[%add3A_15, %dma_start3A] : memref<10240x128xf32, #tpu.memory_space<vmem_shared>> -> memref<128x128xf32, #tpu.memory_space<vmem_shared>>
      %dma_start3A_48 = arith.constant 0 : i32
      %dma_start3A_49 = tpu.memref_slice %arg6[%add3A_15, %dma_start3A_48] : memref<10240x128xf32, #tpu.memory_space<vmem_shared>> -> memref<128x128xf32, #tpu.memory_space<vmem_shared>>
      tpu.enqueue_dma source(%arg5 : memref<128x128xf32, #tpu.memory_space<vmem>>) target(%dma_start3A_49 : memref<128x128xf32, #tpu.memory_space<vmem_shared>>) target_semaphore(%run_scoped3A : memref<!tpu.dma_semaphore, #tpu.memory_space<semaphore_mem>>)
      %dma_wait3A = arith.constant 0 : i32
      %dma_wait3A_50 = tpu.memref_slice %arg6[%add3A_15, %dma_wait3A] : memref<10240x128xf32, #tpu.memory_space<vmem_shared>> -> memref<128x128xf32, #tpu.memory_space<vmem_shared>>
      %dma_wait3A_51 = arith.constant 0 : i32
      %dma_wait3A_52 = tpu.memref_slice %arg6[%add3A_15, %dma_wait3A_51] : memref<10240x128xf32, #tpu.memory_space<vmem_shared>> -> memref<128x128xf32, #tpu.memory_space<vmem_shared>>
      tpu.wait_dma2 semaphore(%run_scoped3A : memref<!tpu.dma_semaphore, #tpu.memory_space<semaphore_mem>>) src(%arg5 : memref<128x128xf32, #tpu.memory_space<vmem>>) dst(%dma_wait3A_52 : memref<128x128xf32, #tpu.memory_space<vmem_shared>>)
      tpu.yield
    }) : () -> ()
    %add3A_16 = arith.constant 256 : i32
    %add3A_17 = arith.addi %multiple_of3A_11, %add3A_16 : i32
    "tpu.region"() ({
      %run_scoped3A = tpu.sem_alloc : memref<!tpu.dma_semaphore, #tpu.memory_space<semaphore_mem>>
      %dma_start3A = arith.constant 0 : i32
      %dma_start3A_47 = tpu.memref_slice %arg6[%add3A_17, %dma_start3A] : memref<10240x128xf32, #tpu.memory_space<vmem_shared>> -> memref<128x128xf32, #tpu.memory_space<vmem_shared>>
      %dma_start3A_48 = arith.constant 0 : i32
      %dma_start3A_49 = tpu.memref_slice %arg6[%add3A_17, %dma_start3A_48] : memref<10240x128xf32, #tpu.memory_space<vmem_shared>> -> memref<128x128xf32, #tpu.memory_space<vmem_shared>>
      tpu.enqueue_dma source(%arg5 : memref<128x128xf32, #tpu.memory_space<vmem>>) target(%dma_start3A_49 : memref<128x128xf32, #tpu.memory_space<vmem_shared>>) target_semaphore(%run_scoped3A : memref<!tpu.dma_semaphore, #tpu.memory_space<semaphore_mem>>)
      %dma_wait3A = arith.constant 0 : i32
      %dma_wait3A_50 = tpu.memref_slice %arg6[%add3A_17, %dma_wait3A] : memref<10240x128xf32, #tpu.memory_space<vmem_shared>> -> memref<128x128xf32, #tpu.memory_space<vmem_shared>>
      %dma_wait3A_51 = arith.constant 0 : i32
      %dma_wait3A_52 = tpu.memref_slice %arg6[%add3A_17, %dma_wait3A_51] : memref<10240x128xf32, #tpu.memory_space<vmem_shared>> -> memref<128x128xf32, #tpu.memory_space<vmem_shared>>
      tpu.wait_dma2 semaphore(%run_scoped3A : memref<!tpu.dma_semaphore, #tpu.memory_space<semaphore_mem>>) src(%arg5 : memref<128x128xf32, #tpu.memory_space<vmem>>) dst(%dma_wait3A_52 : memref<128x128xf32, #tpu.memory_space<vmem_shared>>)
      tpu.yield
    }) : () -> ()
    %add3A_18 = arith.constant 384 : i32
    %add3A_19 = arith.addi %multiple_of3A_11, %add3A_18 : i32
    "tpu.region"() ({
      %run_scoped3A = tpu.sem_alloc : memref<!tpu.dma_semaphore, #tpu.memory_space<semaphore_mem>>
      %dma_start3A = arith.constant 0 : i32
      %dma_start3A_47 = tpu.memref_slice %arg6[%add3A_19, %dma_start3A] : memref<10240x128xf32, #tpu.memory_space<vmem_shared>> -> memref<128x128xf32, #tpu.memory_space<vmem_shared>>
      %dma_start3A_48 = arith.constant 0 : i32
      %dma_start3A_49 = tpu.memref_slice %arg6[%add3A_19, %dma_start3A_48] : memref<10240x128xf32, #tpu.memory_space<vmem_shared>> -> memref<128x128xf32, #tpu.memory_space<vmem_shared>>
      tpu.enqueue_dma source(%arg5 : memref<128x128xf32, #tpu.memory_space<vmem>>) target(%dma_start3A_49 : memref<128x128xf32, #tpu.memory_space<vmem_shared>>) target_semaphore(%run_scoped3A : memref<!tpu.dma_semaphore, #tpu.memory_space<semaphore_mem>>)
      %dma_wait3A = arith.constant 0 : i32
      %dma_wait3A_50 = tpu.memref_slice %arg6[%add3A_19, %dma_wait3A] : memref<10240x128xf32, #tpu.memory_space<vmem_shared>> -> memref<128x128xf32, #tpu.memory_space<vmem_shared>>
      %dma_wait3A_51 = arith.constant 0 : i32
      %dma_wait3A_52 = tpu.memref_slice %arg6[%add3A_19, %dma_wait3A_51] : memref<10240x128xf32, #tpu.memory_space<vmem_shared>> -> memref<128x128xf32, #tpu.memory_space<vmem_shared>>
      tpu.wait_dma2 semaphore(%run_scoped3A : memref<!tpu.dma_semaphore, #tpu.memory_space<semaphore_mem>>) src(%arg5 : memref<128x128xf32, #tpu.memory_space<vmem>>) dst(%dma_wait3A_52 : memref<128x128xf32, #tpu.memory_space<vmem_shared>>)
      tpu.yield
    }) : () -> ()
    %add3A_20 = arith.constant 512 : i32
    %add3A_21 = arith.addi %multiple_of3A_11, %add3A_20 : i32
    "tpu.region"() ({
      %run_scoped3A = tpu.sem_alloc : memref<!tpu.dma_semaphore, #tpu.memory_space<semaphore_mem>>
      %dma_start3A = arith.constant 0 : i32
      %dma_start3A_47 = tpu.memref_slice %arg6[%add3A_21, %dma_start3A] : memref<10240x128xf32, #tpu.memory_space<vmem_shared>> -> memref<128x128xf32, #tpu.memory_space<vmem_shared>>
      %dma_start3A_48 = arith.constant 0 : i32
      %dma_start3A_49 = tpu.memref_slice %arg6[%add3A_21, %dma_start3A_48] : memref<10240x128xf32, #tpu.memory_space<vmem_shared>> -> memref<128x128xf32, #tpu.memory_space<vmem_shared>>
      tpu.enqueue_dma source(%arg5 : memref<128x128xf32, #tpu.memory_space<vmem>>) target(%dma_start3A_49 : memref<128x128xf32, #tpu.memory_space<vmem_shared>>) target_semaphore(%run_scoped3A : memref<!tpu.dma_semaphore, #tpu.memory_space<semaphore_mem>>)
      %dma_wait3A = arith.constant 0 : i32
      %dma_wait3A_50 = tpu.memref_slice %arg6[%add3A_21, %dma_wait3A] : memref<10240x128xf32, #tpu.memory_space<vmem_shared>> -> memref<128x128xf32, #tpu.memory_space<vmem_shared>>
      %dma_wait3A_51 = arith.constant 0 : i32
      %dma_wait3A_52 = tpu.memref_slice %arg6[%add3A_21, %dma_wait3A_51] : memref<10240x128xf32, #tpu.memory_space<vmem_shared>> -> memref<128x128xf32, #tpu.memory_space<vmem_shared>>
      tpu.wait_dma2 semaphore(%run_scoped3A : memref<!tpu.dma_semaphore, #tpu.memory_space<semaphore_mem>>) src(%arg5 : memref<128x128xf32, #tpu.memory_space<vmem>>) dst(%dma_wait3A_52 : memref<128x128xf32, #tpu.memory_space<vmem_shared>>)
      tpu.yield
    }) : () -> ()
    %scan3A_22 = arith.constant 0 : i32
    %scan3A_23 = arith.constant 0 : i32
    %scan3A_24 = arith.constant 1024 : i32
    %scan3A_25 = arith.addi %scan3A_23, %scan3A_24 : i32
    %scan3A_26 = arith.constant 1 : i32
    %scan3A_27 = scf.for %scan3A_47 = %scan3A_23 to %scan3A_25 step %scan3A_26 iter_args(%scan3A_48 = %scan3A_22) -> (i32)  : i32 {
      %jit3A = arith.constant 8 : i32
      %div3A = arith.divsi %scan3A_47, %jit3A : i32
      %sign3A = arith.constant 0 : i32
      %sign3A_49 = arith.cmpi sgt, %scan3A_47, %sign3A : i32
      %sign3A_50 = arith.extui %sign3A_49 : i1 to i32
      %sign3A_51 = arith.constant 0 : i32
      %sign3A_52 = arith.cmpi slt, %scan3A_47, %sign3A_51 : i32
      %sign3A_53 = arith.extui %sign3A_52 : i1 to i32
      %sign3A_54 = arith.subi %sign3A_50, %sign3A_53 : i32
      %sign3A_55 = arith.constant 0 : i32
      %sign3A_56 = arith.cmpi sgt, %jit3A, %sign3A_55 : i32
      %sign3A_57 = arith.extui %sign3A_56 : i1 to i32
      %sign3A_58 = arith.constant 0 : i32
      %sign3A_59 = arith.cmpi slt, %jit3A, %sign3A_58 : i32
      %sign3A_60 = arith.extui %sign3A_59 : i1 to i32
      %sign3A_61 = arith.subi %sign3A_57, %sign3A_60 : i32
      %ne3A = arith.cmpi ne, %sign3A_54, %sign3A_61 : i32
      %rem3A = arith.remsi %scan3A_47, %jit3A : i32
      %ne3A_62 = arith.constant 0 : i32
      %ne3A_63 = arith.cmpi ne, %rem3A, %ne3A_62 : i32
      %and3A = arith.andi %ne3A, %ne3A_63 : i1
      %sub3A = arith.constant 1 : i32
      %sub3A_64 = arith.subi %div3A, %sub3A : i32
      %select_n3A = arith.select %and3A, %sub3A_64, %div3A : i32
      %jit3A_65 = arith.constant 8 : i32
      %eq3A = arith.constant 0 : i32
      %eq3A_66 = arith.cmpi eq, %jit3A_65, %eq3A : i32
      %jit3A_67 = arith.constant 1 : i32
      %select_n3A_68 = arith.select %eq3A_66, %jit3A_67, %jit3A_65 : i32
      %rem3A_69 = arith.remsi %scan3A_47, %select_n3A_68 : i32
      %ne3A_70 = arith.constant 0 : i32
      %ne3A_71 = arith.cmpi ne, %rem3A_69, %ne3A_70 : i32
      %lt3A = arith.constant 0 : i32
      %lt3A_72 = arith.cmpi slt, %rem3A_69, %lt3A : i32
      %lt3A_73 = arith.constant 0 : i32
      %lt3A_74 = arith.cmpi slt, %select_n3A_68, %lt3A_73 : i32
      %ne3A_75 = arith.xori %lt3A_72, %lt3A_74 : i1
      %and3A_76 = arith.andi %ne3A_75, %ne3A_71 : i1
      %add3A_77 = arith.addi %rem3A_69, %select_n3A_68 : i32
      %select_n3A_78 = arith.select %and3A_76, %add3A_77, %rem3A_69 : i32
      %mul3A_79 = arith.constant 16 : i32
      %mul3A_80 = arith.muli %select_n3A_78, %mul3A_79 : i32
      %broadcast_in_dim3A = arith.constant 1.000000e+00 : f32
      %broadcast_in_dim3A_81 = vector.broadcast %broadcast_in_dim3A : f32 to vector<16xf32>
      %swap3A = arith.index_cast %select_n3A : i32 to index
      %swap3A_82 = arith.index_cast %mul3A_80 : i32 to index
      %swap3A_83 = tpu.vector_load %arg5[%swap3A, %swap3A_82] {strides = array<i32>} : memref<128x128xf32, #tpu.memory_space<vmem>>, vector<1x16xf32>,
      %swap3A_84 = vector.shape_cast %swap3A_83 : vector<1x16xf32> to vector<16xf32>
      %swap3A_85 = vector.shape_cast %broadcast_in_dim3A_81 : vector<16xf32> to vector<1x16xf32>
      tpu.vector_store %arg5[%swap3A, %swap3A_82], %swap3A_85 {strides = array<i32>} : memref<128x128xf32, #tpu.memory_space<vmem>>, vector<1x16xf32>,
      %scan3A_86 = arith.constant 0 : i32
      scf.yield %scan3A_86 : i32
    }
    %scan3A_28 = arith.constant 1024 : i32
    %barrier3A = arith.constant 0 : index
    tpu.barrier barrier_id(%barrier3A)
    %scan3A_29 = arith.constant 0 : i32
    %scan3A_30 = arith.constant 0 : i32
    %scan3A_31 = arith.constant 80 : i32
    %scan3A_32 = arith.addi %scan3A_30, %scan3A_31 : i32
    %scan3A_33 = arith.constant 1 : i32
    %scan3A_34 = scf.for %scan3A_47 = %scan3A_30 to %scan3A_32 step %scan3A_33 iter_args(%scan3A_48 = %scan3A_29) -> (i32)  : i32 {
      "tpu.region"() ({
        %run_scoped3A = tpu.sem_alloc : memref<!tpu.dma_semaphore, #tpu.memory_space<semaphore_mem>>
        %dma_start3A = arith.constant 0 : i32
        %dma_start3A_50 = tpu.memref_slice %arg4[%scan3A_47, %dma_start3A] : memref<80x128xi32, #tpu.memory_space<vmem>> -> memref<1x128xi32, #tpu.memory_space<vmem>>
        %dma_start3A_51 = tpu.memref_squeeze %dma_start3A_50 : memref<1x128xi32, #tpu.memory_space<vmem>> -> memref<128xi32, #tpu.memory_space<vmem>>
        %dma_start3A_52 = arith.constant 0 : i32
        %dma_start3A_53 = arith.constant 0 : i32
        %dma_start3A_54 = tpu.memref_slice %arg6[%dma_start3A_52, %dma_start3A_53] : memref<10240x128xf32, #tpu.memory_space<vmem_shared>> -> memref<10240x128xf32, #tpu.memory_space<vmem_shared>>
        tpu.enqueue_indirect_dma source(%arg5 : memref<128x128xf32, #tpu.memory_space<vmem>>) target(%dma_start3A_54 : memref<10240x128xf32, #tpu.memory_space<vmem_shared>>) offsets(%dma_start3A_51 : memref<128xi32, #tpu.memory_space<vmem>>) semaphore(%run_scoped3A : memref<!tpu.dma_semaphore, #tpu.memory_space<semaphore_mem>>) {add = true}
        %dma_wait3A = arith.constant 0 : i32
        %dma_wait3A_55 = tpu.memref_slice %arg4[%scan3A_47, %dma_wait3A] : memref<80x128xi32, #tpu.memory_space<vmem>> -> memref<1x128xi32, #tpu.memory_space<vmem>>
        %dma_wait3A_56 = tpu.memref_squeeze %dma_wait3A_55 : memref<1x128xi32, #tpu.memory_space<vmem>> -> memref<128xi32, #tpu.memory_space<vmem>>
        %dma_wait3A_57 = arith.constant 0 : i32
        %dma_wait3A_58 = arith.constant 0 : i32
        %dma_wait3A_59 = tpu.memref_slice %arg6[%dma_wait3A_57, %dma_wait3A_58] : memref<10240x128xf32, #tpu.memory_space<vmem_shared>> -> memref<10240x128xf32, #tpu.memory_space<vmem_shared>>
        tpu.wait_indirect_dma semaphore(%run_scoped3A : memref<!tpu.dma_semaphore, #tpu.memory_space<semaphore_mem>>) src(%arg5 : memref<128x128xf32, #tpu.memory_space<vmem>>) dst(%dma_wait3A_59 : memref<10240x128xf32, #tpu.memory_space<vmem_shared>>)
        tpu.yield
      }) : () -> ()
      %scan3A_49 = arith.constant 0 : i32
      scf.yield %scan3A_49 : i32
    }
    %scan3A_35 = arith.constant 80 : i32
    %barrier3A_36 = arith.constant 0 : index
    tpu.barrier barrier_id(%barrier3A_36)
    %add3A_37 = arith.constant 0 : i32
    %add3A_38 = arith.addi %multiple_of3A_11, %add3A_37 : i32
    "tpu.region"() ({
      %run_scoped3A = tpu.sem_alloc : memref<!tpu.dma_semaphore, #tpu.memory_space<semaphore_mem>>
      %dma_start3A = arith.constant 0 : i32
      %dma_start3A_47 = tpu.memref_slice %arg3[%arg0, %add3A_38, %dma_start3A] : memref<2x10240x128xf32, #tpu.memory_space<hbm>> -> memref<1x128x128xf32, #tpu.memory_space<hbm>>
      %dma_start3A_48 = tpu.memref_squeeze %dma_start3A_47 : memref<1x128x128xf32, #tpu.memory_space<hbm>> -> memref<128x128xf32, #tpu.memory_space<hbm>>
      %dma_start3A_49 = arith.constant 0 : i32
      %dma_start3A_50 = tpu.memref_slice %arg6[%add3A_38, %dma_start3A_49] : memref<10240x128xf32, #tpu.memory_space<vmem_shared>> -> memref<128x128xf32, #tpu.memory_space<vmem_shared>>
      tpu.enqueue_dma source(%dma_start3A_50 : memref<128x128xf32, #tpu.memory_space<vmem_shared>>) target(%dma_start3A_48 : memref<128x128xf32, #tpu.memory_space<hbm>>) target_semaphore(%run_scoped3A : memref<!tpu.dma_semaphore, #tpu.memory_space<semaphore_mem>>)
      %dma_wait3A = arith.constant 0 : i32
      %dma_wait3A_51 = tpu.memref_slice %arg3[%arg0, %add3A_38, %dma_wait3A] : memref<2x10240x128xf32, #tpu.memory_space<hbm>> -> memref<1x128x128xf32, #tpu.memory_space<hbm>>
      %dma_wait3A_52 = tpu.memref_squeeze %dma_wait3A_51 : memref<1x128x128xf32, #tpu.memory_space<hbm>> -> memref<128x128xf32, #tpu.memory_space<hbm>>
      %dma_wait3A_53 = arith.constant 0 : i32
      %dma_wait3A_54 = tpu.memref_slice %arg6[%add3A_38, %dma_wait3A_53] : memref<10240x128xf32, #tpu.memory_space<vmem_shared>> -> memref<128x128xf32, #tpu.memory_space<vmem_shared>>
      tpu.wait_dma2 semaphore(%run_scoped3A : memref<!tpu.dma_semaphore, #tpu.memory_space<semaphore_mem>>) src(%dma_wait3A_54 : memref<128x128xf32, #tpu.memory_space<vmem_shared>>) dst(%dma_wait3A_52 : memref<128x128xf32, #tpu.memory_space<hbm>>)
      tpu.yield
    }) : () -> ()
    %add3A_39 = arith.constant 128 : i32
    %add3A_40 = arith.addi %multiple_of3A_11, %add3A_39 : i32
    "tpu.region"() ({
      %run_scoped3A = tpu.sem_alloc : memref<!tpu.dma_semaphore, #tpu.memory_space<semaphore_mem>>
      %dma_start3A = arith.constant 0 : i32
      %dma_start3A_47 = tpu.memref_slice %arg3[%arg0, %add3A_40, %dma_start3A] : memref<2x10240x128xf32, #tpu.memory_space<hbm>> -> memref<1x128x128xf32, #tpu.memory_space<hbm>>
      %dma_start3A_48 = tpu.memref_squeeze %dma_start3A_47 : memref<1x128x128xf32, #tpu.memory_space<hbm>> -> memref<128x128xf32, #tpu.memory_space<hbm>>
      %dma_start3A_49 = arith.constant 0 : i32
      %dma_start3A_50 = tpu.memref_slice %arg6[%add3A_40, %dma_start3A_49] : memref<10240x128xf32, #tpu.memory_space<vmem_shared>> -> memref<128x128xf32, #tpu.memory_space<vmem_shared>>
      tpu.enqueue_dma source(%dma_start3A_50 : memref<128x128xf32, #tpu.memory_space<vmem_shared>>) target(%dma_start3A_48 : memref<128x128xf32, #tpu.memory_space<hbm>>) target_semaphore(%run_scoped3A : memref<!tpu.dma_semaphore, #tpu.memory_space<semaphore_mem>>)
      %dma_wait3A = arith.constant 0 : i32
      %dma_wait3A_51 = tpu.memref_slice %arg3[%arg0, %add3A_40, %dma_wait3A] : memref<2x10240x128xf32, #tpu.memory_space<hbm>> -> memref<1x128x128xf32, #tpu.memory_space<hbm>>
      %dma_wait3A_52 = tpu.memref_squeeze %dma_wait3A_51 : memref<1x128x128xf32, #tpu.memory_space<hbm>> -> memref<128x128xf32, #tpu.memory_space<hbm>>
      %dma_wait3A_53 = arith.constant 0 : i32
      %dma_wait3A_54 = tpu.memref_slice %arg6[%add3A_40, %dma_wait3A_53] : memref<10240x128xf32, #tpu.memory_space<vmem_shared>> -> memref<128x128xf32, #tpu.memory_space<vmem_shared>>
      tpu.wait_dma2 semaphore(%run_scoped3A : memref<!tpu.dma_semaphore, #tpu.memory_space<semaphore_mem>>) src(%dma_wait3A_54 : memref<128x128xf32, #tpu.memory_space<vmem_shared>>) dst(%dma_wait3A_52 : memref<128x128xf32, #tpu.memory_space<hbm>>)
      tpu.yield
    }) : () -> ()
    %add3A_41 = arith.constant 256 : i32
    %add3A_42 = arith.addi %multiple_of3A_11, %add3A_41 : i32
    "tpu.region"() ({
      %run_scoped3A = tpu.sem_alloc : memref<!tpu.dma_semaphore, #tpu.memory_space<semaphore_mem>>
      %dma_start3A = arith.constant 0 : i32
      %dma_start3A_47 = tpu.memref_slice %arg3[%arg0, %add3A_42, %dma_start3A] : memref<2x10240x128xf32, #tpu.memory_space<hbm>> -> memref<1x128x128xf32, #tpu.memory_space<hbm>>
      %dma_start3A_48 = tpu.memref_squeeze %dma_start3A_47 : memref<1x128x128xf32, #tpu.memory_space<hbm>> -> memref<128x128xf32, #tpu.memory_space<hbm>>
      %dma_start3A_49 = arith.constant 0 : i32
      %dma_start3A_50 = tpu.memref_slice %arg6[%add3A_42, %dma_start3A_49] : memref<10240x128xf32, #tpu.memory_space<vmem_shared>> -> memref<128x128xf32, #tpu.memory_space<vmem_shared>>
      tpu.enqueue_dma source(%dma_start3A_50 : memref<128x128xf32, #tpu.memory_space<vmem_shared>>) target(%dma_start3A_48 : memref<128x128xf32, #tpu.memory_space<hbm>>) target_semaphore(%run_scoped3A : memref<!tpu.dma_semaphore, #tpu.memory_space<semaphore_mem>>)
      %dma_wait3A = arith.constant 0 : i32
      %dma_wait3A_51 = tpu.memref_slice %arg3[%arg0, %add3A_42, %dma_wait3A] : memref<2x10240x128xf32, #tpu.memory_space<hbm>> -> memref<1x128x128xf32, #tpu.memory_space<hbm>>
      %dma_wait3A_52 = tpu.memref_squeeze %dma_wait3A_51 : memref<1x128x128xf32, #tpu.memory_space<hbm>> -> memref<128x128xf32, #tpu.memory_space<hbm>>
      %dma_wait3A_53 = arith.constant 0 : i32
      %dma_wait3A_54 = tpu.memref_slice %arg6[%add3A_42, %dma_wait3A_53] : memref<10240x128xf32, #tpu.memory_space<vmem_shared>> -> memref<128x128xf32, #tpu.memory_space<vmem_shared>>
      tpu.wait_dma2 semaphore(%run_scoped3A : memref<!tpu.dma_semaphore, #tpu.memory_space<semaphore_mem>>) src(%dma_wait3A_54 : memref<128x128xf32, #tpu.memory_space<vmem_shared>>) dst(%dma_wait3A_52 : memref<128x128xf32, #tpu.memory_space<hbm>>)
      tpu.yield
    }) : () -> ()
    %add3A_43 = arith.constant 384 : i32
    %add3A_44 = arith.addi %multiple_of3A_11, %add3A_43 : i32
    "tpu.region"() ({
      %run_scoped3A = tpu.sem_alloc : memref<!tpu.dma_semaphore, #tpu.memory_space<semaphore_mem>>
      %dma_start3A = arith.constant 0 : i32
      %dma_start3A_47 = tpu.memref_slice %arg3[%arg0, %add3A_44, %dma_start3A] : memref<2x10240x128xf32, #tpu.memory_space<hbm>> -> memref<1x128x128xf32, #tpu.memory_space<hbm>>
      %dma_start3A_48 = tpu.memref_squeeze %dma_start3A_47 : memref<1x128x128xf32, #tpu.memory_space<hbm>> -> memref<128x128xf32, #tpu.memory_space<hbm>>
      %dma_start3A_49 = arith.constant 0 : i32
      %dma_start3A_50 = tpu.memref_slice %arg6[%add3A_44, %dma_start3A_49] : memref<10240x128xf32, #tpu.memory_space<vmem_shared>> -> memref<128x128xf32, #tpu.memory_space<vmem_shared>>
      tpu.enqueue_dma source(%dma_start3A_50 : memref<128x128xf32, #tpu.memory_space<vmem_shared>>) target(%dma_start3A_48 : memref<128x128xf32, #tpu.memory_space<hbm>>) target_semaphore(%run_scoped3A : memref<!tpu.dma_semaphore, #tpu.memory_space<semaphore_mem>>)
      %dma_wait3A = arith.constant 0 : i32
      %dma_wait3A_51 = tpu.memref_slice %arg3[%arg0, %add3A_44, %dma_wait3A] : memref<2x10240x128xf32, #tpu.memory_space<hbm>> -> memref<1x128x128xf32, #tpu.memory_space<hbm>>
      %dma_wait3A_52 = tpu.memref_squeeze %dma_wait3A_51 : memref<1x128x128xf32, #tpu.memory_space<hbm>> -> memref<128x128xf32, #tpu.memory_space<hbm>>
      %dma_wait3A_53 = arith.constant 0 : i32
      %dma_wait3A_54 = tpu.memref_slice %arg6[%add3A_44, %dma_wait3A_53] : memref<10240x128xf32, #tpu.memory_space<vmem_shared>> -> memref<128x128xf32, #tpu.memory_space<vmem_shared>>
      tpu.wait_dma2 semaphore(%run_scoped3A : memref<!tpu.dma_semaphore, #tpu.memory_space<semaphore_mem>>) src(%dma_wait3A_54 : memref<128x128xf32, #tpu.memory_space<vmem_shared>>) dst(%dma_wait3A_52 : memref<128x128xf32, #tpu.memory_space<hbm>>)
      tpu.yield
    }) : () -> ()
    %add3A_45 = arith.constant 512 : i32
    %add3A_46 = arith.addi %multiple_of3A_11, %add3A_45 : i32
    "tpu.region"() ({
      %run_scoped3A = tpu.sem_alloc : memref<!tpu.dma_semaphore, #tpu.memory_space<semaphore_mem>>
      %dma_start3A = arith.constant 0 : i32
      %dma_start3A_47 = tpu.memref_slice %arg3[%arg0, %add3A_46, %dma_start3A] : memref<2x10240x128xf32, #tpu.memory_space<hbm>> -> memref<1x128x128xf32, #tpu.memory_space<hbm>>
      %dma_start3A_48 = tpu.memref_squeeze %dma_start3A_47 : memref<1x128x128xf32, #tpu.memory_space<hbm>> -> memref<128x128xf32, #tpu.memory_space<hbm>>
      %dma_start3A_49 = arith.constant 0 : i32
      %dma_start3A_50 = tpu.memref_slice %arg6[%add3A_46, %dma_start3A_49] : memref<10240x128xf32, #tpu.memory_space<vmem_shared>> -> memref<128x128xf32, #tpu.memory_space<vmem_shared>>
      tpu.enqueue_dma source(%dma_start3A_50 : memref<128x128xf32, #tpu.memory_space<vmem_shared>>) target(%dma_start3A_48 : memref<128x128xf32, #tpu.memory_space<hbm>>) target_semaphore(%run_scoped3A : memref<!tpu.dma_semaphore, #tpu.memory_space<semaphore_mem>>)
      %dma_wait3A = arith.constant 0 : i32
      %dma_wait3A_51 = tpu.memref_slice %arg3[%arg0, %add3A_46, %dma_wait3A] : memref<2x10240x128xf32, #tpu.memory_space<hbm>> -> memref<1x128x128xf32, #tpu.memory_space<hbm>>
      %dma_wait3A_52 = tpu.memref_squeeze %dma_wait3A_51 : memref<1x128x128xf32, #tpu.memory_space<hbm>> -> memref<128x128xf32, #tpu.memory_space<hbm>>
      %dma_wait3A_53 = arith.constant 0 : i32
      %dma_wait3A_54 = tpu.memref_slice %arg6[%add3A_46, %dma_wait3A_53] : memref<10240x128xf32, #tpu.memory_space<vmem_shared>> -> memref<128x128xf32, #tpu.memory_space<vmem_shared>>
      tpu.wait_dma2 semaphore(%run_scoped3A : memref<!tpu.dma_semaphore, #tpu.memory_space<semaphore_mem>>) src(%dma_wait3A_54 : memref<128x128xf32, #tpu.memory_space<vmem_shared>>) dst(%dma_wait3A_52 : memref<128x128xf32, #tpu.memory_space<hbm>>)
      tpu.yield
    }) : () -> ()
    return
  }
}

#map = affine_map<(d0, d1) -> (0, 0)>
#map1 = affine_map<(d0, d1) -> (0, 0, 0)>
module attributes {stable_mosaic.version = 14 : i64} {
  func.func @body(%arg0: i32, %arg1: i32, %arg2: memref<10240x128xf32, #tpu.memory_space<hbm>>, %arg3: memref<2560x128xi32, #tpu.memory_space<hbm>>, %arg4: memref<2560x128xi32, #tpu.memory_space<hbm>>, %arg5: memref<2x10240x128xf32, #tpu.memory_space<hbm>>, %arg6: memref<80x128xi32, #tpu.memory_space<vmem>>, %arg7: memref<128xi32, #tpu.memory_space<vmem>>, %arg8: memref<128xi32, #tpu.memory_space<vmem>>, %arg9: memref<128x128xf32, #tpu.memory_space<vmem>>, %arg10: memref<128x128xf32, #tpu.memory_space<vmem>>, %arg11: memref<10240x128xf32, #tpu.memory_space<vmem_shared>>, %arg12: memref<!tpu.dma_semaphore, #tpu.memory_space<semaphore_mem>>, %arg13: memref<!tpu.dma_semaphore, #tpu.memory_space<semaphore_mem>>) attributes {dimension_semantics = [#tpu.dimension_semantics<core_parallel>, #tpu.dimension_semantics<subcore_parallel>], iteration_bounds = array<i64: 2, 16>, scalar_prefetch = 0 : i64, scratch_operands = 8 : i64, tpu.core_type = #tpu.core_type<sc_vector_subcore>, window_params = [{transform_indices = #map}, {transform_indices = #map}, {transform_indices = #map}, {transform_indices = #map1}]} {
    %mul3A = arith.constant 2 : i32
    %mul3A_0 = arith.muli %arg1, %mul3A : i32
    %add3A = arith.addi %mul3A_0, %arg0 : i32
    %mul3A_1 = arith.constant 80 : i32
    %mul3A_2 = arith.muli %add3A, %mul3A_1 : i32
    %multiple_of3A = tpu.assume_multiple %mul3A_2, 8 : i32
    "tpu.region"() ({
      %run_scoped3A = tpu.sem_alloc : memref<!tpu.dma_semaphore, #tpu.memory_space<semaphore_mem>>
      %dma_start3A_82 = arith.constant 0 : i32
      %dma_start3A_83 = tpu.memref_slice %arg4[%multiple_of3A, %dma_start3A_82] : memref<2560x128xi32, #tpu.memory_space<hbm>> -> memref<80x128xi32, #tpu.memory_space<hbm>>
      %dma_start3A_84 = arith.constant 0 : i32
      %dma_start3A_85 = tpu.memref_slice %arg4[%multiple_of3A, %dma_start3A_84] : memref<2560x128xi32, #tpu.memory_space<hbm>> -> memref<80x128xi32, #tpu.memory_space<hbm>>
      tpu.enqueue_dma source(%dma_start3A_85 : memref<80x128xi32, #tpu.memory_space<hbm>>) target(%arg6 : memref<80x128xi32, #tpu.memory_space<vmem>>) target_semaphore(%run_scoped3A : memref<!tpu.dma_semaphore, #tpu.memory_space<semaphore_mem>>)
      %dma_wait3A_86 = arith.constant 0 : i32
      %dma_wait3A_87 = tpu.memref_slice %arg4[%multiple_of3A, %dma_wait3A_86] : memref<2560x128xi32, #tpu.memory_space<hbm>> -> memref<80x128xi32, #tpu.memory_space<hbm>>
      %dma_wait3A_88 = arith.constant 0 : i32
      %dma_wait3A_89 = tpu.memref_slice %arg4[%multiple_of3A, %dma_wait3A_88] : memref<2560x128xi32, #tpu.memory_space<hbm>> -> memref<80x128xi32, #tpu.memory_space<hbm>>
      tpu.wait_dma2 semaphore(%run_scoped3A : memref<!tpu.dma_semaphore, #tpu.memory_space<semaphore_mem>>) src(%dma_wait3A_89 : memref<80x128xi32, #tpu.memory_space<hbm>>) dst(%arg6 : memref<80x128xi32, #tpu.memory_space<vmem>>)
      tpu.yield
    }) : () -> ()
    %scan3A = arith.constant 0 : i32
    %scan3A_3 = arith.constant 0 : i32
    %scan3A_4 = arith.constant 1024 : i32
    %scan3A_5 = arith.addi %scan3A_3, %scan3A_4 : i32
    %scan3A_6 = arith.constant 1 : i32
    %scan3A_7 = scf.for %scan3A_82 = %scan3A_3 to %scan3A_5 step %scan3A_6 iter_args(%scan3A_83 = %scan3A) -> (i32)  : i32 {
      %jit3A = arith.constant 8 : i32
      %div3A = arith.divsi %scan3A_82, %jit3A : i32
      %sign3A = arith.constant 0 : i32
      %sign3A_84 = arith.cmpi sgt, %scan3A_82, %sign3A : i32
      %sign3A_85 = arith.extui %sign3A_84 : i1 to i32
      %sign3A_86 = arith.constant 0 : i32
      %sign3A_87 = arith.cmpi slt, %scan3A_82, %sign3A_86 : i32
      %sign3A_88 = arith.extui %sign3A_87 : i1 to i32
      %sign3A_89 = arith.subi %sign3A_85, %sign3A_88 : i32
      %sign3A_90 = arith.constant 0 : i32
      %sign3A_91 = arith.cmpi sgt, %jit3A, %sign3A_90 : i32
      %sign3A_92 = arith.extui %sign3A_91 : i1 to i32
      %sign3A_93 = arith.constant 0 : i32
      %sign3A_94 = arith.cmpi slt, %jit3A, %sign3A_93 : i32
      %sign3A_95 = arith.extui %sign3A_94 : i1 to i32
      %sign3A_96 = arith.subi %sign3A_92, %sign3A_95 : i32
      %ne3A = arith.cmpi ne, %sign3A_89, %sign3A_96 : i32
      %rem3A = arith.remsi %scan3A_82, %jit3A : i32
      %ne3A_97 = arith.constant 0 : i32
      %ne3A_98 = arith.cmpi ne, %rem3A, %ne3A_97 : i32
      %and3A = arith.andi %ne3A, %ne3A_98 : i1
      %sub3A = arith.constant 1 : i32
      %sub3A_99 = arith.subi %div3A, %sub3A : i32
      %select_n3A = arith.select %and3A, %sub3A_99, %div3A : i32
      %jit3A_100 = arith.constant 8 : i32
      %eq3A = arith.constant 0 : i32
      %eq3A_101 = arith.cmpi eq, %jit3A_100, %eq3A : i32
      %jit3A_102 = arith.constant 1 : i32
      %select_n3A_103 = arith.select %eq3A_101, %jit3A_102, %jit3A_100 : i32
      %rem3A_104 = arith.remsi %scan3A_82, %select_n3A_103 : i32
      %ne3A_105 = arith.constant 0 : i32
      %ne3A_106 = arith.cmpi ne, %rem3A_104, %ne3A_105 : i32
      %lt3A = arith.constant 0 : i32
      %lt3A_107 = arith.cmpi slt, %rem3A_104, %lt3A : i32
      %lt3A_108 = arith.constant 0 : i32
      %lt3A_109 = arith.cmpi slt, %select_n3A_103, %lt3A_108 : i32
      %ne3A_110 = arith.xori %lt3A_107, %lt3A_109 : i1
      %and3A_111 = arith.andi %ne3A_110, %ne3A_106 : i1
      %add3A_112 = arith.addi %rem3A_104, %select_n3A_103 : i32
      %select_n3A_113 = arith.select %and3A_111, %add3A_112, %rem3A_104 : i32
      %mul3A_114 = arith.constant 16 : i32
      %mul3A_115 = arith.muli %select_n3A_113, %mul3A_114 : i32
      %broadcast_in_dim3A = arith.constant 0.000000e+00 : f32
      %broadcast_in_dim3A_116 = vector.broadcast %broadcast_in_dim3A : f32 to vector<16xf32>
      %swap3A = arith.index_cast %select_n3A : i32 to index
      %swap3A_117 = arith.index_cast %mul3A_115 : i32 to index
      %swap3A_118 = tpu.vector_load %arg9[%swap3A, %swap3A_117] {strides = array<i32>} : memref<128x128xf32, #tpu.memory_space<vmem>>, vector<1x16xf32>,
      %swap3A_119 = vector.shape_cast %swap3A_118 : vector<1x16xf32> to vector<16xf32>
      %swap3A_120 = vector.shape_cast %broadcast_in_dim3A_116 : vector<16xf32> to vector<1x16xf32>
      tpu.vector_store %arg9[%swap3A, %swap3A_117], %swap3A_120 {strides = array<i32>} : memref<128x128xf32, #tpu.memory_space<vmem>>, vector<1x16xf32>,
      %scan3A_121 = arith.constant 0 : i32
      scf.yield %scan3A_121 : i32
    }
    %scan3A_8 = arith.constant 1024 : i32
    %mul3A_9 = arith.constant 640 : i32
    %mul3A_10 = arith.muli %arg1, %mul3A_9 : i32
    %multiple_of3A_11 = tpu.assume_multiple %mul3A_10, 128 : i32
    %add3A_12 = arith.constant 0 : i32
    %add3A_13 = arith.addi %multiple_of3A_11, %add3A_12 : i32
    "tpu.region"() ({
      %run_scoped3A = tpu.sem_alloc : memref<!tpu.dma_semaphore, #tpu.memory_space<semaphore_mem>>
      %dma_start3A_82 = arith.constant 0 : i32
      %dma_start3A_83 = tpu.memref_slice %arg11[%add3A_13, %dma_start3A_82] : memref<10240x128xf32, #tpu.memory_space<vmem_shared>> -> memref<128x128xf32, #tpu.memory_space<vmem_shared>>
      %dma_start3A_84 = arith.constant 0 : i32
      %dma_start3A_85 = tpu.memref_slice %arg11[%add3A_13, %dma_start3A_84] : memref<10240x128xf32, #tpu.memory_space<vmem_shared>> -> memref<128x128xf32, #tpu.memory_space<vmem_shared>>
      tpu.enqueue_dma source(%arg9 : memref<128x128xf32, #tpu.memory_space<vmem>>) target(%dma_start3A_85 : memref<128x128xf32, #tpu.memory_space<vmem_shared>>) target_semaphore(%run_scoped3A : memref<!tpu.dma_semaphore, #tpu.memory_space<semaphore_mem>>)
      %dma_wait3A_86 = arith.constant 0 : i32
      %dma_wait3A_87 = tpu.memref_slice %arg11[%add3A_13, %dma_wait3A_86] : memref<10240x128xf32, #tpu.memory_space<vmem_shared>> -> memref<128x128xf32, #tpu.memory_space<vmem_shared>>
      %dma_wait3A_88 = arith.constant 0 : i32
      %dma_wait3A_89 = tpu.memref_slice %arg11[%add3A_13, %dma_wait3A_88] : memref<10240x128xf32, #tpu.memory_space<vmem_shared>> -> memref<128x128xf32, #tpu.memory_space<vmem_shared>>
      tpu.wait_dma2 semaphore(%run_scoped3A : memref<!tpu.dma_semaphore, #tpu.memory_space<semaphore_mem>>) src(%arg9 : memref<128x128xf32, #tpu.memory_space<vmem>>) dst(%dma_wait3A_89 : memref<128x128xf32, #tpu.memory_space<vmem_shared>>)
      tpu.yield
    }) : () -> ()
    %add3A_14 = arith.constant 128 : i32
    %add3A_15 = arith.addi %multiple_of3A_11, %add3A_14 : i32
    "tpu.region"() ({
      %run_scoped3A = tpu.sem_alloc : memref<!tpu.dma_semaphore, #tpu.memory_space<semaphore_mem>>
      %dma_start3A_82 = arith.constant 0 : i32
      %dma_start3A_83 = tpu.memref_slice %arg11[%add3A_15, %dma_start3A_82] : memref<10240x128xf32, #tpu.memory_space<vmem_shared>> -> memref<128x128xf32, #tpu.memory_space<vmem_shared>>
      %dma_start3A_84 = arith.constant 0 : i32
      %dma_start3A_85 = tpu.memref_slice %arg11[%add3A_15, %dma_start3A_84] : memref<10240x128xf32, #tpu.memory_space<vmem_shared>> -> memref<128x128xf32, #tpu.memory_space<vmem_shared>>
      tpu.enqueue_dma source(%arg9 : memref<128x128xf32, #tpu.memory_space<vmem>>) target(%dma_start3A_85 : memref<128x128xf32, #tpu.memory_space<vmem_shared>>) target_semaphore(%run_scoped3A : memref<!tpu.dma_semaphore, #tpu.memory_space<semaphore_mem>>)
      %dma_wait3A_86 = arith.constant 0 : i32
      %dma_wait3A_87 = tpu.memref_slice %arg11[%add3A_15, %dma_wait3A_86] : memref<10240x128xf32, #tpu.memory_space<vmem_shared>> -> memref<128x128xf32, #tpu.memory_space<vmem_shared>>
      %dma_wait3A_88 = arith.constant 0 : i32
      %dma_wait3A_89 = tpu.memref_slice %arg11[%add3A_15, %dma_wait3A_88] : memref<10240x128xf32, #tpu.memory_space<vmem_shared>> -> memref<128x128xf32, #tpu.memory_space<vmem_shared>>
      tpu.wait_dma2 semaphore(%run_scoped3A : memref<!tpu.dma_semaphore, #tpu.memory_space<semaphore_mem>>) src(%arg9 : memref<128x128xf32, #tpu.memory_space<vmem>>) dst(%dma_wait3A_89 : memref<128x128xf32, #tpu.memory_space<vmem_shared>>)
      tpu.yield
    }) : () -> ()
    %add3A_16 = arith.constant 256 : i32
    %add3A_17 = arith.addi %multiple_of3A_11, %add3A_16 : i32
    "tpu.region"() ({
      %run_scoped3A = tpu.sem_alloc : memref<!tpu.dma_semaphore, #tpu.memory_space<semaphore_mem>>
      %dma_start3A_82 = arith.constant 0 : i32
      %dma_start3A_83 = tpu.memref_slice %arg11[%add3A_17, %dma_start3A_82] : memref<10240x128xf32, #tpu.memory_space<vmem_shared>> -> memref<128x128xf32, #tpu.memory_space<vmem_shared>>
      %dma_start3A_84 = arith.constant 0 : i32
      %dma_start3A_85 = tpu.memref_slice %arg11[%add3A_17, %dma_start3A_84] : memref<10240x128xf32, #tpu.memory_space<vmem_shared>> -> memref<128x128xf32, #tpu.memory_space<vmem_shared>>
      tpu.enqueue_dma source(%arg9 : memref<128x128xf32, #tpu.memory_space<vmem>>) target(%dma_start3A_85 : memref<128x128xf32, #tpu.memory_space<vmem_shared>>) target_semaphore(%run_scoped3A : memref<!tpu.dma_semaphore, #tpu.memory_space<semaphore_mem>>)
      %dma_wait3A_86 = arith.constant 0 : i32
      %dma_wait3A_87 = tpu.memref_slice %arg11[%add3A_17, %dma_wait3A_86] : memref<10240x128xf32, #tpu.memory_space<vmem_shared>> -> memref<128x128xf32, #tpu.memory_space<vmem_shared>>
      %dma_wait3A_88 = arith.constant 0 : i32
      %dma_wait3A_89 = tpu.memref_slice %arg11[%add3A_17, %dma_wait3A_88] : memref<10240x128xf32, #tpu.memory_space<vmem_shared>> -> memref<128x128xf32, #tpu.memory_space<vmem_shared>>
      tpu.wait_dma2 semaphore(%run_scoped3A : memref<!tpu.dma_semaphore, #tpu.memory_space<semaphore_mem>>) src(%arg9 : memref<128x128xf32, #tpu.memory_space<vmem>>) dst(%dma_wait3A_89 : memref<128x128xf32, #tpu.memory_space<vmem_shared>>)
      tpu.yield
    }) : () -> ()
    %add3A_18 = arith.constant 384 : i32
    %add3A_19 = arith.addi %multiple_of3A_11, %add3A_18 : i32
    "tpu.region"() ({
      %run_scoped3A = tpu.sem_alloc : memref<!tpu.dma_semaphore, #tpu.memory_space<semaphore_mem>>
      %dma_start3A_82 = arith.constant 0 : i32
      %dma_start3A_83 = tpu.memref_slice %arg11[%add3A_19, %dma_start3A_82] : memref<10240x128xf32, #tpu.memory_space<vmem_shared>> -> memref<128x128xf32, #tpu.memory_space<vmem_shared>>
      %dma_start3A_84 = arith.constant 0 : i32
      %dma_start3A_85 = tpu.memref_slice %arg11[%add3A_19, %dma_start3A_84] : memref<10240x128xf32, #tpu.memory_space<vmem_shared>> -> memref<128x128xf32, #tpu.memory_space<vmem_shared>>
      tpu.enqueue_dma source(%arg9 : memref<128x128xf32, #tpu.memory_space<vmem>>) target(%dma_start3A_85 : memref<128x128xf32, #tpu.memory_space<vmem_shared>>) target_semaphore(%run_scoped3A : memref<!tpu.dma_semaphore, #tpu.memory_space<semaphore_mem>>)
      %dma_wait3A_86 = arith.constant 0 : i32
      %dma_wait3A_87 = tpu.memref_slice %arg11[%add3A_19, %dma_wait3A_86] : memref<10240x128xf32, #tpu.memory_space<vmem_shared>> -> memref<128x128xf32, #tpu.memory_space<vmem_shared>>
      %dma_wait3A_88 = arith.constant 0 : i32
      %dma_wait3A_89 = tpu.memref_slice %arg11[%add3A_19, %dma_wait3A_88] : memref<10240x128xf32, #tpu.memory_space<vmem_shared>> -> memref<128x128xf32, #tpu.memory_space<vmem_shared>>
      tpu.wait_dma2 semaphore(%run_scoped3A : memref<!tpu.dma_semaphore, #tpu.memory_space<semaphore_mem>>) src(%arg9 : memref<128x128xf32, #tpu.memory_space<vmem>>) dst(%dma_wait3A_89 : memref<128x128xf32, #tpu.memory_space<vmem_shared>>)
      tpu.yield
    }) : () -> ()
    %add3A_20 = arith.constant 512 : i32
    %add3A_21 = arith.addi %multiple_of3A_11, %add3A_20 : i32
    "tpu.region"() ({
      %run_scoped3A = tpu.sem_alloc : memref<!tpu.dma_semaphore, #tpu.memory_space<semaphore_mem>>
      %dma_start3A_82 = arith.constant 0 : i32
      %dma_start3A_83 = tpu.memref_slice %arg11[%add3A_21, %dma_start3A_82] : memref<10240x128xf32, #tpu.memory_space<vmem_shared>> -> memref<128x128xf32, #tpu.memory_space<vmem_shared>>
      %dma_start3A_84 = arith.constant 0 : i32
      %dma_start3A_85 = tpu.memref_slice %arg11[%add3A_21, %dma_start3A_84] : memref<10240x128xf32, #tpu.memory_space<vmem_shared>> -> memref<128x128xf32, #tpu.memory_space<vmem_shared>>
      tpu.enqueue_dma source(%arg9 : memref<128x128xf32, #tpu.memory_space<vmem>>) target(%dma_start3A_85 : memref<128x128xf32, #tpu.memory_space<vmem_shared>>) target_semaphore(%run_scoped3A : memref<!tpu.dma_semaphore, #tpu.memory_space<semaphore_mem>>)
      %dma_wait3A_86 = arith.constant 0 : i32
      %dma_wait3A_87 = tpu.memref_slice %arg11[%add3A_21, %dma_wait3A_86] : memref<10240x128xf32, #tpu.memory_space<vmem_shared>> -> memref<128x128xf32, #tpu.memory_space<vmem_shared>>
      %dma_wait3A_88 = arith.constant 0 : i32
      %dma_wait3A_89 = tpu.memref_slice %arg11[%add3A_21, %dma_wait3A_88] : memref<10240x128xf32, #tpu.memory_space<vmem_shared>> -> memref<128x128xf32, #tpu.memory_space<vmem_shared>>
      tpu.wait_dma2 semaphore(%run_scoped3A : memref<!tpu.dma_semaphore, #tpu.memory_space<semaphore_mem>>) src(%arg9 : memref<128x128xf32, #tpu.memory_space<vmem>>) dst(%dma_wait3A_89 : memref<128x128xf32, #tpu.memory_space<vmem_shared>>)
      tpu.yield
    }) : () -> ()
    %barrier3A = arith.constant 0 : index
    tpu.barrier barrier_id(%barrier3A)
    %add3A_22 = arith.constant 0 : i32
    %add3A_23 = arith.addi %multiple_of3A, %add3A_22 : i32
    "tpu.region"() ({
      %run_scoped3A = tpu.sem_alloc : memref<!tpu.dma_semaphore, #tpu.memory_space<semaphore_mem>>
      %dma_start3A_82 = arith.constant 0 : i32
      %dma_start3A_83 = tpu.memref_slice %arg3[%add3A_23, %dma_start3A_82] : memref<2560x128xi32, #tpu.memory_space<hbm>> -> memref<1x128xi32, #tpu.memory_space<hbm>>
      %dma_start3A_84 = tpu.memref_squeeze %dma_start3A_83 : memref<1x128xi32, #tpu.memory_space<hbm>> -> memref<128xi32, #tpu.memory_space<hbm>>
      %dma_start3A_85 = arith.constant 0 : i32
      %dma_start3A_86 = tpu.memref_slice %arg3[%add3A_23, %dma_start3A_85] : memref<2560x128xi32, #tpu.memory_space<hbm>> -> memref<1x128xi32, #tpu.memory_space<hbm>>
      %dma_start3A_87 = tpu.memref_squeeze %dma_start3A_86 : memref<1x128xi32, #tpu.memory_space<hbm>> -> memref<128xi32, #tpu.memory_space<hbm>>
      tpu.enqueue_dma source(%dma_start3A_87 : memref<128xi32, #tpu.memory_space<hbm>>) target(%arg7 : memref<128xi32, #tpu.memory_space<vmem>>) target_semaphore(%run_scoped3A : memref<!tpu.dma_semaphore, #tpu.memory_space<semaphore_mem>>)
      %dma_wait3A_88 = arith.constant 0 : i32
      %dma_wait3A_89 = tpu.memref_slice %arg3[%add3A_23, %dma_wait3A_88] : memref<2560x128xi32, #tpu.memory_space<hbm>> -> memref<1x128xi32, #tpu.memory_space<hbm>>
      %dma_wait3A_90 = tpu.memref_squeeze %dma_wait3A_89 : memref<1x128xi32, #tpu.memory_space<hbm>> -> memref<128xi32, #tpu.memory_space<hbm>>
      %dma_wait3A_91 = arith.constant 0 : i32
      %dma_wait3A_92 = tpu.memref_slice %arg3[%add3A_23, %dma_wait3A_91] : memref<2560x128xi32, #tpu.memory_space<hbm>> -> memref<1x128xi32, #tpu.memory_space<hbm>>
      %dma_wait3A_93 = tpu.memref_squeeze %dma_wait3A_92 : memref<1x128xi32, #tpu.memory_space<hbm>> -> memref<128xi32, #tpu.memory_space<hbm>>
      tpu.wait_dma2 semaphore(%run_scoped3A : memref<!tpu.dma_semaphore, #tpu.memory_space<semaphore_mem>>) src(%dma_wait3A_93 : memref<128xi32, #tpu.memory_space<hbm>>) dst(%arg7 : memref<128xi32, #tpu.memory_space<vmem>>)
      tpu.yield
    }) : () -> ()
    %dma_start3A = arith.constant 0 : i32
    %dma_start3A_24 = arith.constant 0 : i32
    %dma_start3A_25 = tpu.memref_slice %arg2[%dma_start3A, %dma_start3A_24] : memref<10240x128xf32, #tpu.memory_space<hbm>> -> memref<10240x128xf32, #tpu.memory_space<hbm>>
    tpu.enqueue_indirect_dma source(%dma_start3A_25 : memref<10240x128xf32, #tpu.memory_space<hbm>>) target(%arg9 : memref<128x128xf32, #tpu.memory_space<vmem>>) offsets(%arg7 : memref<128xi32, #tpu.memory_space<vmem>>) semaphore(%arg12 : memref<!tpu.dma_semaphore, #tpu.memory_space<semaphore_mem>>)
    %dma_wait3A = arith.constant 0 : i32
    %dma_wait3A_26 = arith.constant 0 : i32
    %dma_wait3A_27 = tpu.memref_slice %arg2[%dma_wait3A, %dma_wait3A_26] : memref<10240x128xf32, #tpu.memory_space<hbm>> -> memref<10240x128xf32, #tpu.memory_space<hbm>>
    tpu.wait_indirect_dma semaphore(%arg12 : memref<!tpu.dma_semaphore, #tpu.memory_space<semaphore_mem>>) src(%dma_wait3A_27 : memref<10240x128xf32, #tpu.memory_space<hbm>>) dst(%arg9 : memref<128x128xf32, #tpu.memory_space<vmem>>)
    %dma_start3A_28 = arith.constant 0 : i32
    %dma_start3A_29 = arith.constant 0 : i32
    %dma_start3A_30 = tpu.memref_slice %arg6[%dma_start3A_28, %dma_start3A_29] : memref<80x128xi32, #tpu.memory_space<vmem>> -> memref<1x128xi32, #tpu.memory_space<vmem>>
    %dma_start3A_31 = tpu.memref_squeeze %dma_start3A_30 : memref<1x128xi32, #tpu.memory_space<vmem>> -> memref<128xi32, #tpu.memory_space<vmem>>
    %dma_start3A_32 = arith.constant 0 : i32
    %dma_start3A_33 = arith.constant 0 : i32
    %dma_start3A_34 = tpu.memref_slice %arg11[%dma_start3A_32, %dma_start3A_33] : memref<10240x128xf32, #tpu.memory_space<vmem_shared>> -> memref<10240x128xf32, #tpu.memory_space<vmem_shared>>
    tpu.enqueue_indirect_dma source(%arg9 : memref<128x128xf32, #tpu.memory_space<vmem>>) target(%dma_start3A_34 : memref<10240x128xf32, #tpu.memory_space<vmem_shared>>) offsets(%dma_start3A_31 : memref<128xi32, #tpu.memory_space<vmem>>) semaphore(%arg13 : memref<!tpu.dma_semaphore, #tpu.memory_space<semaphore_mem>>) {add = true}
    %add3A_35 = arith.constant 1 : i32
    %add3A_36 = arith.addi %multiple_of3A, %add3A_35 : i32
    "tpu.region"() ({
      %run_scoped3A = tpu.sem_alloc : memref<!tpu.dma_semaphore, #tpu.memory_space<semaphore_mem>>
      %dma_start3A_82 = arith.constant 0 : i32
      %dma_start3A_83 = tpu.memref_slice %arg3[%add3A_36, %dma_start3A_82] : memref<2560x128xi32, #tpu.memory_space<hbm>> -> memref<1x128xi32, #tpu.memory_space<hbm>>
      %dma_start3A_84 = tpu.memref_squeeze %dma_start3A_83 : memref<1x128xi32, #tpu.memory_space<hbm>> -> memref<128xi32, #tpu.memory_space<hbm>>
      %dma_start3A_85 = arith.constant 0 : i32
      %dma_start3A_86 = tpu.memref_slice %arg3[%add3A_36, %dma_start3A_85] : memref<2560x128xi32, #tpu.memory_space<hbm>> -> memref<1x128xi32, #tpu.memory_space<hbm>>
      %dma_start3A_87 = tpu.memref_squeeze %dma_start3A_86 : memref<1x128xi32, #tpu.memory_space<hbm>> -> memref<128xi32, #tpu.memory_space<hbm>>
      tpu.enqueue_dma source(%dma_start3A_87 : memref<128xi32, #tpu.memory_space<hbm>>) target(%arg8 : memref<128xi32, #tpu.memory_space<vmem>>) target_semaphore(%run_scoped3A : memref<!tpu.dma_semaphore, #tpu.memory_space<semaphore_mem>>)
      %dma_wait3A_88 = arith.constant 0 : i32
      %dma_wait3A_89 = tpu.memref_slice %arg3[%add3A_36, %dma_wait3A_88] : memref<2560x128xi32, #tpu.memory_space<hbm>> -> memref<1x128xi32, #tpu.memory_space<hbm>>
      %dma_wait3A_90 = tpu.memref_squeeze %dma_wait3A_89 : memref<1x128xi32, #tpu.memory_space<hbm>> -> memref<128xi32, #tpu.memory_space<hbm>>
      %dma_wait3A_91 = arith.constant 0 : i32
      %dma_wait3A_92 = tpu.memref_slice %arg3[%add3A_36, %dma_wait3A_91] : memref<2560x128xi32, #tpu.memory_space<hbm>> -> memref<1x128xi32, #tpu.memory_space<hbm>>
      %dma_wait3A_93 = tpu.memref_squeeze %dma_wait3A_92 : memref<1x128xi32, #tpu.memory_space<hbm>> -> memref<128xi32, #tpu.memory_space<hbm>>
      tpu.wait_dma2 semaphore(%run_scoped3A : memref<!tpu.dma_semaphore, #tpu.memory_space<semaphore_mem>>) src(%dma_wait3A_93 : memref<128xi32, #tpu.memory_space<hbm>>) dst(%arg8 : memref<128xi32, #tpu.memory_space<vmem>>)
      tpu.yield
    }) : () -> ()
    %dma_start3A_37 = arith.constant 0 : i32
    %dma_start3A_38 = arith.constant 0 : i32
    %dma_start3A_39 = tpu.memref_slice %arg2[%dma_start3A_37, %dma_start3A_38] : memref<10240x128xf32, #tpu.memory_space<hbm>> -> memref<10240x128xf32, #tpu.memory_space<hbm>>
    tpu.enqueue_indirect_dma source(%dma_start3A_39 : memref<10240x128xf32, #tpu.memory_space<hbm>>) target(%arg10 : memref<128x128xf32, #tpu.memory_space<vmem>>) offsets(%arg8 : memref<128xi32, #tpu.memory_space<vmem>>) semaphore(%arg12 : memref<!tpu.dma_semaphore, #tpu.memory_space<semaphore_mem>>)
    %scan3A_40 = arith.constant 0 : i32
    %scan3A_41 = arith.constant 0 : i32
    %scan3A_42 = arith.constant 39 : i32
    %scan3A_43 = arith.addi %scan3A_41, %scan3A_42 : i32
    %scan3A_44 = arith.constant 1 : i32
    %scan3A_45 = scf.for %scan3A_82 = %scan3A_41 to %scan3A_43 step %scan3A_44 iter_args(%scan3A_83 = %scan3A_40) -> (i32)  : i32 {
      %mul3A_84 = arith.constant 2 : i32
      %mul3A_85 = arith.muli %mul3A_84, %scan3A_82 : i32
      %add3A_86 = arith.constant 1 : i32
      %add3A_87 = arith.addi %mul3A_85, %add3A_86 : i32
      %dma_wait3A_88 = arith.constant 0 : i32
      %dma_wait3A_89 = arith.constant 0 : i32
      %dma_wait3A_90 = tpu.memref_slice %arg2[%dma_wait3A_88, %dma_wait3A_89] : memref<10240x128xf32, #tpu.memory_space<hbm>> -> memref<10240x128xf32, #tpu.memory_space<hbm>>
      tpu.wait_indirect_dma semaphore(%arg12 : memref<!tpu.dma_semaphore, #tpu.memory_space<semaphore_mem>>) src(%dma_wait3A_90 : memref<10240x128xf32, #tpu.memory_space<hbm>>) dst(%arg10 : memref<128x128xf32, #tpu.memory_space<vmem>>)
      %dma_start3A_91 = arith.constant 0 : i32
      %dma_start3A_92 = tpu.memref_slice %arg6[%add3A_87, %dma_start3A_91] : memref<80x128xi32, #tpu.memory_space<vmem>> -> memref<1x128xi32, #tpu.memory_space<vmem>>
      %dma_start3A_93 = tpu.memref_squeeze %dma_start3A_92 : memref<1x128xi32, #tpu.memory_space<vmem>> -> memref<128xi32, #tpu.memory_space<vmem>>
      %dma_start3A_94 = arith.constant 0 : i32
      %dma_start3A_95 = arith.constant 0 : i32
      %dma_start3A_96 = tpu.memref_slice %arg11[%dma_start3A_94, %dma_start3A_95] : memref<10240x128xf32, #tpu.memory_space<vmem_shared>> -> memref<10240x128xf32, #tpu.memory_space<vmem_shared>>
      tpu.enqueue_indirect_dma source(%arg10 : memref<128x128xf32, #tpu.memory_space<vmem>>) target(%dma_start3A_96 : memref<10240x128xf32, #tpu.memory_space<vmem_shared>>) offsets(%dma_start3A_93 : memref<128xi32, #tpu.memory_space<vmem>>) semaphore(%arg13 : memref<!tpu.dma_semaphore, #tpu.memory_space<semaphore_mem>>) {add = true}
      %dma_wait3A_97 = arith.constant 0 : i32
      %dma_wait3A_98 = arith.constant 0 : i32
      %dma_wait3A_99 = tpu.memref_slice %arg6[%dma_wait3A_97, %dma_wait3A_98] : memref<80x128xi32, #tpu.memory_space<vmem>> -> memref<1x128xi32, #tpu.memory_space<vmem>>
      %dma_wait3A_100 = tpu.memref_squeeze %dma_wait3A_99 : memref<1x128xi32, #tpu.memory_space<vmem>> -> memref<128xi32, #tpu.memory_space<vmem>>
      %dma_wait3A_101 = arith.constant 0 : i32
      %dma_wait3A_102 = arith.constant 0 : i32
      %dma_wait3A_103 = tpu.memref_slice %arg11[%dma_wait3A_101, %dma_wait3A_102] : memref<10240x128xf32, #tpu.memory_space<vmem_shared>> -> memref<10240x128xf32, #tpu.memory_space<vmem_shared>>
      tpu.wait_indirect_dma semaphore(%arg13 : memref<!tpu.dma_semaphore, #tpu.memory_space<semaphore_mem>>) src(%arg9 : memref<128x128xf32, #tpu.memory_space<vmem>>) dst(%dma_wait3A_103 : memref<10240x128xf32, #tpu.memory_space<vmem_shared>>)
      %add3A_104 = arith.constant 1 : i32
      %add3A_105 = arith.addi %add3A_87, %add3A_104 : i32
      %add3A_106 = arith.addi %multiple_of3A, %add3A_105 : i32
      "tpu.region"() ({
        %run_scoped3A = tpu.sem_alloc : memref<!tpu.dma_semaphore, #tpu.memory_space<semaphore_mem>>
        %dma_start3A_135 = arith.constant 0 : i32
        %dma_start3A_136 = tpu.memref_slice %arg3[%add3A_106, %dma_start3A_135] : memref<2560x128xi32, #tpu.memory_space<hbm>> -> memref<1x128xi32, #tpu.memory_space<hbm>>
        %dma_start3A_137 = tpu.memref_squeeze %dma_start3A_136 : memref<1x128xi32, #tpu.memory_space<hbm>> -> memref<128xi32, #tpu.memory_space<hbm>>
        %dma_start3A_138 = arith.constant 0 : i32
        %dma_start3A_139 = tpu.memref_slice %arg3[%add3A_106, %dma_start3A_138] : memref<2560x128xi32, #tpu.memory_space<hbm>> -> memref<1x128xi32, #tpu.memory_space<hbm>>
        %dma_start3A_140 = tpu.memref_squeeze %dma_start3A_139 : memref<1x128xi32, #tpu.memory_space<hbm>> -> memref<128xi32, #tpu.memory_space<hbm>>
        tpu.enqueue_dma source(%dma_start3A_140 : memref<128xi32, #tpu.memory_space<hbm>>) target(%arg7 : memref<128xi32, #tpu.memory_space<vmem>>) target_semaphore(%run_scoped3A : memref<!tpu.dma_semaphore, #tpu.memory_space<semaphore_mem>>)
        %dma_wait3A_141 = arith.constant 0 : i32
        %dma_wait3A_142 = tpu.memref_slice %arg3[%add3A_106, %dma_wait3A_141] : memref<2560x128xi32, #tpu.memory_space<hbm>> -> memref<1x128xi32, #tpu.memory_space<hbm>>
        %dma_wait3A_143 = tpu.memref_squeeze %dma_wait3A_142 : memref<1x128xi32, #tpu.memory_space<hbm>> -> memref<128xi32, #tpu.memory_space<hbm>>
        %dma_wait3A_144 = arith.constant 0 : i32
        %dma_wait3A_145 = tpu.memref_slice %arg3[%add3A_106, %dma_wait3A_144] : memref<2560x128xi32, #tpu.memory_space<hbm>> -> memref<1x128xi32, #tpu.memory_space<hbm>>
        %dma_wait3A_146 = tpu.memref_squeeze %dma_wait3A_145 : memref<1x128xi32, #tpu.memory_space<hbm>> -> memref<128xi32, #tpu.memory_space<hbm>>
        tpu.wait_dma2 semaphore(%run_scoped3A : memref<!tpu.dma_semaphore, #tpu.memory_space<semaphore_mem>>) src(%dma_wait3A_146 : memref<128xi32, #tpu.memory_space<hbm>>) dst(%arg7 : memref<128xi32, #tpu.memory_space<vmem>>)
        tpu.yield
      }) : () -> ()
      %dma_start3A_107 = arith.constant 0 : i32
      %dma_start3A_108 = arith.constant 0 : i32
      %dma_start3A_109 = tpu.memref_slice %arg2[%dma_start3A_107, %dma_start3A_108] : memref<10240x128xf32, #tpu.memory_space<hbm>> -> memref<10240x128xf32, #tpu.memory_space<hbm>>
      tpu.enqueue_indirect_dma source(%dma_start3A_109 : memref<10240x128xf32, #tpu.memory_space<hbm>>) target(%arg9 : memref<128x128xf32, #tpu.memory_space<vmem>>) offsets(%arg7 : memref<128xi32, #tpu.memory_space<vmem>>) semaphore(%arg12 : memref<!tpu.dma_semaphore, #tpu.memory_space<semaphore_mem>>)
      %dma_wait3A_110 = arith.constant 0 : i32
      %dma_wait3A_111 = arith.constant 0 : i32
      %dma_wait3A_112 = tpu.memref_slice %arg2[%dma_wait3A_110, %dma_wait3A_111] : memref<10240x128xf32, #tpu.memory_space<hbm>> -> memref<10240x128xf32, #tpu.memory_space<hbm>>
      tpu.wait_indirect_dma semaphore(%arg12 : memref<!tpu.dma_semaphore, #tpu.memory_space<semaphore_mem>>) src(%dma_wait3A_112 : memref<10240x128xf32, #tpu.memory_space<hbm>>) dst(%arg9 : memref<128x128xf32, #tpu.memory_space<vmem>>)
      %add3A_113 = arith.constant 1 : i32
      %add3A_114 = arith.addi %add3A_87, %add3A_113 : i32
      %dma_start3A_115 = arith.constant 0 : i32
      %dma_start3A_116 = tpu.memref_slice %arg6[%add3A_114, %dma_start3A_115] : memref<80x128xi32, #tpu.memory_space<vmem>> -> memref<1x128xi32, #tpu.memory_space<vmem>>
      %dma_start3A_117 = tpu.memref_squeeze %dma_start3A_116 : memref<1x128xi32, #tpu.memory_space<vmem>> -> memref<128xi32, #tpu.memory_space<vmem>>
      %dma_start3A_118 = arith.constant 0 : i32
      %dma_start3A_119 = arith.constant 0 : i32
      %dma_start3A_120 = tpu.memref_slice %arg11[%dma_start3A_118, %dma_start3A_119] : memref<10240x128xf32, #tpu.memory_space<vmem_shared>> -> memref<10240x128xf32, #tpu.memory_space<vmem_shared>>
      tpu.enqueue_indirect_dma source(%arg9 : memref<128x128xf32, #tpu.memory_space<vmem>>) target(%dma_start3A_120 : memref<10240x128xf32, #tpu.memory_space<vmem_shared>>) offsets(%dma_start3A_117 : memref<128xi32, #tpu.memory_space<vmem>>) semaphore(%arg13 : memref<!tpu.dma_semaphore, #tpu.memory_space<semaphore_mem>>) {add = true}
      %dma_wait3A_121 = arith.constant 0 : i32
      %dma_wait3A_122 = arith.constant 0 : i32
      %dma_wait3A_123 = tpu.memref_slice %arg6[%dma_wait3A_121, %dma_wait3A_122] : memref<80x128xi32, #tpu.memory_space<vmem>> -> memref<1x128xi32, #tpu.memory_space<vmem>>
      %dma_wait3A_124 = tpu.memref_squeeze %dma_wait3A_123 : memref<1x128xi32, #tpu.memory_space<vmem>> -> memref<128xi32, #tpu.memory_space<vmem>>
      %dma_wait3A_125 = arith.constant 0 : i32
      %dma_wait3A_126 = arith.constant 0 : i32
      %dma_wait3A_127 = tpu.memref_slice %arg11[%dma_wait3A_125, %dma_wait3A_126] : memref<10240x128xf32, #tpu.memory_space<vmem_shared>> -> memref<10240x128xf32, #tpu.memory_space<vmem_shared>>
      tpu.wait_indirect_dma semaphore(%arg13 : memref<!tpu.dma_semaphore, #tpu.memory_space<semaphore_mem>>) src(%arg10 : memref<128x128xf32, #tpu.memory_space<vmem>>) dst(%dma_wait3A_127 : memref<10240x128xf32, #tpu.memory_space<vmem_shared>>)
      %add3A_128 = arith.constant 2 : i32
      %add3A_129 = arith.addi %add3A_87, %add3A_128 : i32
      %add3A_130 = arith.addi %multiple_of3A, %add3A_129 : i32
      "tpu.region"() ({
        %run_scoped3A = tpu.sem_alloc : memref<!tpu.dma_semaphore, #tpu.memory_space<semaphore_mem>>
        %dma_start3A_135 = arith.constant 0 : i32
        %dma_start3A_136 = tpu.memref_slice %arg3[%add3A_130, %dma_start3A_135] : memref<2560x128xi32, #tpu.memory_space<hbm>> -> memref<1x128xi32, #tpu.memory_space<hbm>>
        %dma_start3A_137 = tpu.memref_squeeze %dma_start3A_136 : memref<1x128xi32, #tpu.memory_space<hbm>> -> memref<128xi32, #tpu.memory_space<hbm>>
        %dma_start3A_138 = arith.constant 0 : i32
        %dma_start3A_139 = tpu.memref_slice %arg3[%add3A_130, %dma_start3A_138] : memref<2560x128xi32, #tpu.memory_space<hbm>> -> memref<1x128xi32, #tpu.memory_space<hbm>>
        %dma_start3A_140 = tpu.memref_squeeze %dma_start3A_139 : memref<1x128xi32, #tpu.memory_space<hbm>> -> memref<128xi32, #tpu.memory_space<hbm>>
        tpu.enqueue_dma source(%dma_start3A_140 : memref<128xi32, #tpu.memory_space<hbm>>) target(%arg8 : memref<128xi32, #tpu.memory_space<vmem>>) target_semaphore(%run_scoped3A : memref<!tpu.dma_semaphore, #tpu.memory_space<semaphore_mem>>)
        %dma_wait3A_141 = arith.constant 0 : i32
        %dma_wait3A_142 = tpu.memref_slice %arg3[%add3A_130, %dma_wait3A_141] : memref<2560x128xi32, #tpu.memory_space<hbm>> -> memref<1x128xi32, #tpu.memory_space<hbm>>
        %dma_wait3A_143 = tpu.memref_squeeze %dma_wait3A_142 : memref<1x128xi32, #tpu.memory_space<hbm>> -> memref<128xi32, #tpu.memory_space<hbm>>
        %dma_wait3A_144 = arith.constant 0 : i32
        %dma_wait3A_145 = tpu.memref_slice %arg3[%add3A_130, %dma_wait3A_144] : memref<2560x128xi32, #tpu.memory_space<hbm>> -> memref<1x128xi32, #tpu.memory_space<hbm>>
        %dma_wait3A_146 = tpu.memref_squeeze %dma_wait3A_145 : memref<1x128xi32, #tpu.memory_space<hbm>> -> memref<128xi32, #tpu.memory_space<hbm>>
        tpu.wait_dma2 semaphore(%run_scoped3A : memref<!tpu.dma_semaphore, #tpu.memory_space<semaphore_mem>>) src(%dma_wait3A_146 : memref<128xi32, #tpu.memory_space<hbm>>) dst(%arg8 : memref<128xi32, #tpu.memory_space<vmem>>)
        tpu.yield
      }) : () -> ()
      %dma_start3A_131 = arith.constant 0 : i32
      %dma_start3A_132 = arith.constant 0 : i32
      %dma_start3A_133 = tpu.memref_slice %arg2[%dma_start3A_131, %dma_start3A_132] : memref<10240x128xf32, #tpu.memory_space<hbm>> -> memref<10240x128xf32, #tpu.memory_space<hbm>>
      tpu.enqueue_indirect_dma source(%dma_start3A_133 : memref<10240x128xf32, #tpu.memory_space<hbm>>) target(%arg10 : memref<128x128xf32, #tpu.memory_space<vmem>>) offsets(%arg8 : memref<128xi32, #tpu.memory_space<vmem>>) semaphore(%arg12 : memref<!tpu.dma_semaphore, #tpu.memory_space<semaphore_mem>>)
      %scan3A_134 = arith.constant 0 : i32
      scf.yield %scan3A_134 : i32
    }
    %scan3A_46 = arith.constant 39 : i32
    %dma_wait3A_47 = arith.constant 0 : i32
    %dma_wait3A_48 = arith.constant 0 : i32
    %dma_wait3A_49 = tpu.memref_slice %arg2[%dma_wait3A_47, %dma_wait3A_48] : memref<10240x128xf32, #tpu.memory_space<hbm>> -> memref<10240x128xf32, #tpu.memory_space<hbm>>
    tpu.wait_indirect_dma semaphore(%arg12 : memref<!tpu.dma_semaphore, #tpu.memory_space<semaphore_mem>>) src(%dma_wait3A_49 : memref<10240x128xf32, #tpu.memory_space<hbm>>) dst(%arg10 : memref<128x128xf32, #tpu.memory_space<vmem>>)
    %dma_start3A_50 = arith.constant 79 : i32
    %dma_start3A_51 = arith.constant 0 : i32
    %dma_start3A_52 = tpu.memref_slice %arg6[%dma_start3A_50, %dma_start3A_51] : memref<80x128xi32, #tpu.memory_space<vmem>> -> memref<1x128xi32, #tpu.memory_space<vmem>>
    %dma_start3A_53 = tpu.memref_squeeze %dma_start3A_52 : memref<1x128xi32, #tpu.memory_space<vmem>> -> memref<128xi32, #tpu.memory_space<vmem>>
    %dma_start3A_54 = arith.constant 0 : i32
    %dma_start3A_55 = arith.constant 0 : i32
    %dma_start3A_56 = tpu.memref_slice %arg11[%dma_start3A_54, %dma_start3A_55] : memref<10240x128xf32, #tpu.memory_space<vmem_shared>> -> memref<10240x128xf32, #tpu.memory_space<vmem_shared>>
    tpu.enqueue_indirect_dma source(%arg10 : memref<128x128xf32, #tpu.memory_space<vmem>>) target(%dma_start3A_56 : memref<10240x128xf32, #tpu.memory_space<vmem_shared>>) offsets(%dma_start3A_53 : memref<128xi32, #tpu.memory_space<vmem>>) semaphore(%arg13 : memref<!tpu.dma_semaphore, #tpu.memory_space<semaphore_mem>>) {add = true}
    %dma_wait3A_57 = arith.constant 0 : i32
    %dma_wait3A_58 = arith.constant 0 : i32
    %dma_wait3A_59 = tpu.memref_slice %arg6[%dma_wait3A_57, %dma_wait3A_58] : memref<80x128xi32, #tpu.memory_space<vmem>> -> memref<1x128xi32, #tpu.memory_space<vmem>>
    %dma_wait3A_60 = tpu.memref_squeeze %dma_wait3A_59 : memref<1x128xi32, #tpu.memory_space<vmem>> -> memref<128xi32, #tpu.memory_space<vmem>>
    %dma_wait3A_61 = arith.constant 0 : i32
    %dma_wait3A_62 = arith.constant 0 : i32
    %dma_wait3A_63 = tpu.memref_slice %arg11[%dma_wait3A_61, %dma_wait3A_62] : memref<10240x128xf32, #tpu.memory_space<vmem_shared>> -> memref<10240x128xf32, #tpu.memory_space<vmem_shared>>
    tpu.wait_indirect_dma semaphore(%arg13 : memref<!tpu.dma_semaphore, #tpu.memory_space<semaphore_mem>>) src(%arg9 : memref<128x128xf32, #tpu.memory_space<vmem>>) dst(%dma_wait3A_63 : memref<10240x128xf32, #tpu.memory_space<vmem_shared>>)
    %dma_wait3A_64 = arith.constant 0 : i32
    %dma_wait3A_65 = arith.constant 0 : i32
    %dma_wait3A_66 = tpu.memref_slice %arg6[%dma_wait3A_64, %dma_wait3A_65] : memref<80x128xi32, #tpu.memory_space<vmem>> -> memref<1x128xi32, #tpu.memory_space<vmem>>
    %dma_wait3A_67 = tpu.memref_squeeze %dma_wait3A_66 : memref<1x128xi32, #tpu.memory_space<vmem>> -> memref<128xi32, #tpu.memory_space<vmem>>
    %dma_wait3A_68 = arith.constant 0 : i32
    %dma_wait3A_69 = arith.constant 0 : i32
    %dma_wait3A_70 = tpu.memref_slice %arg11[%dma_wait3A_68, %dma_wait3A_69] : memref<10240x128xf32, #tpu.memory_space<vmem_shared>> -> memref<10240x128xf32, #tpu.memory_space<vmem_shared>>
    tpu.wait_indirect_dma semaphore(%arg13 : memref<!tpu.dma_semaphore, #tpu.memory_space<semaphore_mem>>) src(%arg10 : memref<128x128xf32, #tpu.memory_space<vmem>>) dst(%dma_wait3A_70 : memref<10240x128xf32, #tpu.memory_space<vmem_shared>>)
    %barrier3A_71 = arith.constant 0 : index
    tpu.barrier barrier_id(%barrier3A_71)
    %add3A_72 = arith.constant 0 : i32
    %add3A_73 = arith.addi %multiple_of3A_11, %add3A_72 : i32
    "tpu.region"() ({
      %run_scoped3A = tpu.sem_alloc : memref<!tpu.dma_semaphore, #tpu.memory_space<semaphore_mem>>
      %dma_start3A_82 = arith.constant 0 : i32
      %dma_start3A_83 = tpu.memref_slice %arg5[%arg0, %add3A_73, %dma_start3A_82] : memref<2x10240x128xf32, #tpu.memory_space<hbm>> -> memref<1x128x128xf32, #tpu.memory_space<hbm>>
      %dma_start3A_84 = tpu.memref_squeeze %dma_start3A_83 : memref<1x128x128xf32, #tpu.memory_space<hbm>> -> memref<128x128xf32, #tpu.memory_space<hbm>>
      %dma_start3A_85 = arith.constant 0 : i32
      %dma_start3A_86 = tpu.memref_slice %arg11[%add3A_73, %dma_start3A_85] : memref<10240x128xf32, #tpu.memory_space<vmem_shared>> -> memref<128x128xf32, #tpu.memory_space<vmem_shared>>
      tpu.enqueue_dma source(%dma_start3A_86 : memref<128x128xf32, #tpu.memory_space<vmem_shared>>) target(%dma_start3A_84 : memref<128x128xf32, #tpu.memory_space<hbm>>) target_semaphore(%run_scoped3A : memref<!tpu.dma_semaphore, #tpu.memory_space<semaphore_mem>>)
      %dma_wait3A_87 = arith.constant 0 : i32
      %dma_wait3A_88 = tpu.memref_slice %arg5[%arg0, %add3A_73, %dma_wait3A_87] : memref<2x10240x128xf32, #tpu.memory_space<hbm>> -> memref<1x128x128xf32, #tpu.memory_space<hbm>>
      %dma_wait3A_89 = tpu.memref_squeeze %dma_wait3A_88 : memref<1x128x128xf32, #tpu.memory_space<hbm>> -> memref<128x128xf32, #tpu.memory_space<hbm>>
      %dma_wait3A_90 = arith.constant 0 : i32
      %dma_wait3A_91 = tpu.memref_slice %arg11[%add3A_73, %dma_wait3A_90] : memref<10240x128xf32, #tpu.memory_space<vmem_shared>> -> memref<128x128xf32, #tpu.memory_space<vmem_shared>>
      tpu.wait_dma2 semaphore(%run_scoped3A : memref<!tpu.dma_semaphore, #tpu.memory_space<semaphore_mem>>) src(%dma_wait3A_91 : memref<128x128xf32, #tpu.memory_space<vmem_shared>>) dst(%dma_wait3A_89 : memref<128x128xf32, #tpu.memory_space<hbm>>)
      tpu.yield
    }) : () -> ()
    %add3A_74 = arith.constant 128 : i32
    %add3A_75 = arith.addi %multiple_of3A_11, %add3A_74 : i32
    "tpu.region"() ({
      %run_scoped3A = tpu.sem_alloc : memref<!tpu.dma_semaphore, #tpu.memory_space<semaphore_mem>>
      %dma_start3A_82 = arith.constant 0 : i32
      %dma_start3A_83 = tpu.memref_slice %arg5[%arg0, %add3A_75, %dma_start3A_82] : memref<2x10240x128xf32, #tpu.memory_space<hbm>> -> memref<1x128x128xf32, #tpu.memory_space<hbm>>
      %dma_start3A_84 = tpu.memref_squeeze %dma_start3A_83 : memref<1x128x128xf32, #tpu.memory_space<hbm>> -> memref<128x128xf32, #tpu.memory_space<hbm>>
      %dma_start3A_85 = arith.constant 0 : i32
      %dma_start3A_86 = tpu.memref_slice %arg11[%add3A_75, %dma_start3A_85] : memref<10240x128xf32, #tpu.memory_space<vmem_shared>> -> memref<128x128xf32, #tpu.memory_space<vmem_shared>>
      tpu.enqueue_dma source(%dma_start3A_86 : memref<128x128xf32, #tpu.memory_space<vmem_shared>>) target(%dma_start3A_84 : memref<128x128xf32, #tpu.memory_space<hbm>>) target_semaphore(%run_scoped3A : memref<!tpu.dma_semaphore, #tpu.memory_space<semaphore_mem>>)
      %dma_wait3A_87 = arith.constant 0 : i32
      %dma_wait3A_88 = tpu.memref_slice %arg5[%arg0, %add3A_75, %dma_wait3A_87] : memref<2x10240x128xf32, #tpu.memory_space<hbm>> -> memref<1x128x128xf32, #tpu.memory_space<hbm>>
      %dma_wait3A_89 = tpu.memref_squeeze %dma_wait3A_88 : memref<1x128x128xf32, #tpu.memory_space<hbm>> -> memref<128x128xf32, #tpu.memory_space<hbm>>
      %dma_wait3A_90 = arith.constant 0 : i32
      %dma_wait3A_91 = tpu.memref_slice %arg11[%add3A_75, %dma_wait3A_90] : memref<10240x128xf32, #tpu.memory_space<vmem_shared>> -> memref<128x128xf32, #tpu.memory_space<vmem_shared>>
      tpu.wait_dma2 semaphore(%run_scoped3A : memref<!tpu.dma_semaphore, #tpu.memory_space<semaphore_mem>>) src(%dma_wait3A_91 : memref<128x128xf32, #tpu.memory_space<vmem_shared>>) dst(%dma_wait3A_89 : memref<128x128xf32, #tpu.memory_space<hbm>>)
      tpu.yield
    }) : () -> ()
    %add3A_76 = arith.constant 256 : i32
    %add3A_77 = arith.addi %multiple_of3A_11, %add3A_76 : i32
    "tpu.region"() ({
      %run_scoped3A = tpu.sem_alloc : memref<!tpu.dma_semaphore, #tpu.memory_space<semaphore_mem>>
      %dma_start3A_82 = arith.constant 0 : i32
      %dma_start3A_83 = tpu.memref_slice %arg5[%arg0, %add3A_77, %dma_start3A_82] : memref<2x10240x128xf32, #tpu.memory_space<hbm>> -> memref<1x128x128xf32, #tpu.memory_space<hbm>>
      %dma_start3A_84 = tpu.memref_squeeze %dma_start3A_83 : memref<1x128x128xf32, #tpu.memory_space<hbm>> -> memref<128x128xf32, #tpu.memory_space<hbm>>
      %dma_start3A_85 = arith.constant 0 : i32
      %dma_start3A_86 = tpu.memref_slice %arg11[%add3A_77, %dma_start3A_85] : memref<10240x128xf32, #tpu.memory_space<vmem_shared>> -> memref<128x128xf32, #tpu.memory_space<vmem_shared>>
      tpu.enqueue_dma source(%dma_start3A_86 : memref<128x128xf32, #tpu.memory_space<vmem_shared>>) target(%dma_start3A_84 : memref<128x128xf32, #tpu.memory_space<hbm>>) target_semaphore(%run_scoped3A : memref<!tpu.dma_semaphore, #tpu.memory_space<semaphore_mem>>)
      %dma_wait3A_87 = arith.constant 0 : i32
      %dma_wait3A_88 = tpu.memref_slice %arg5[%arg0, %add3A_77, %dma_wait3A_87] : memref<2x10240x128xf32, #tpu.memory_space<hbm>> -> memref<1x128x128xf32, #tpu.memory_space<hbm>>
      %dma_wait3A_89 = tpu.memref_squeeze %dma_wait3A_88 : memref<1x128x128xf32, #tpu.memory_space<hbm>> -> memref<128x128xf32, #tpu.memory_space<hbm>>
      %dma_wait3A_90 = arith.constant 0 : i32
      %dma_wait3A_91 = tpu.memref_slice %arg11[%add3A_77, %dma_wait3A_90] : memref<10240x128xf32, #tpu.memory_space<vmem_shared>> -> memref<128x128xf32, #tpu.memory_space<vmem_shared>>
      tpu.wait_dma2 semaphore(%run_scoped3A : memref<!tpu.dma_semaphore, #tpu.memory_space<semaphore_mem>>) src(%dma_wait3A_91 : memref<128x128xf32, #tpu.memory_space<vmem_shared>>) dst(%dma_wait3A_89 : memref<128x128xf32, #tpu.memory_space<hbm>>)
      tpu.yield
    }) : () -> ()
    %add3A_78 = arith.constant 384 : i32
    %add3A_79 = arith.addi %multiple_of3A_11, %add3A_78 : i32
    "tpu.region"() ({
      %run_scoped3A = tpu.sem_alloc : memref<!tpu.dma_semaphore, #tpu.memory_space<semaphore_mem>>
      %dma_start3A_82 = arith.constant 0 : i32
      %dma_start3A_83 = tpu.memref_slice %arg5[%arg0, %add3A_79, %dma_start3A_82] : memref<2x10240x128xf32, #tpu.memory_space<hbm>> -> memref<1x128x128xf32, #tpu.memory_space<hbm>>
      %dma_start3A_84 = tpu.memref_squeeze %dma_start3A_83 : memref<1x128x128xf32, #tpu.memory_space<hbm>> -> memref<128x128xf32, #tpu.memory_space<hbm>>
      %dma_start3A_85 = arith.constant 0 : i32
      %dma_start3A_86 = tpu.memref_slice %arg11[%add3A_79, %dma_start3A_85] : memref<10240x128xf32, #tpu.memory_space<vmem_shared>> -> memref<128x128xf32, #tpu.memory_space<vmem_shared>>
      tpu.enqueue_dma source(%dma_start3A_86 : memref<128x128xf32, #tpu.memory_space<vmem_shared>>) target(%dma_start3A_84 : memref<128x128xf32, #tpu.memory_space<hbm>>) target_semaphore(%run_scoped3A : memref<!tpu.dma_semaphore, #tpu.memory_space<semaphore_mem>>)
      %dma_wait3A_87 = arith.constant 0 : i32
      %dma_wait3A_88 = tpu.memref_slice %arg5[%arg0, %add3A_79, %dma_wait3A_87] : memref<2x10240x128xf32, #tpu.memory_space<hbm>> -> memref<1x128x128xf32, #tpu.memory_space<hbm>>
      %dma_wait3A_89 = tpu.memref_squeeze %dma_wait3A_88 : memref<1x128x128xf32, #tpu.memory_space<hbm>> -> memref<128x128xf32, #tpu.memory_space<hbm>>
      %dma_wait3A_90 = arith.constant 0 : i32
      %dma_wait3A_91 = tpu.memref_slice %arg11[%add3A_79, %dma_wait3A_90] : memref<10240x128xf32, #tpu.memory_space<vmem_shared>> -> memref<128x128xf32, #tpu.memory_space<vmem_shared>>
      tpu.wait_dma2 semaphore(%run_scoped3A : memref<!tpu.dma_semaphore, #tpu.memory_space<semaphore_mem>>) src(%dma_wait3A_91 : memref<128x128xf32, #tpu.memory_space<vmem_shared>>) dst(%dma_wait3A_89 : memref<128x128xf32, #tpu.memory_space<hbm>>)
      tpu.yield
    }) : () -> ()
    %add3A_80 = arith.constant 512 : i32
    %add3A_81 = arith.addi %multiple_of3A_11, %add3A_80 : i32
    "tpu.region"() ({
      %run_scoped3A = tpu.sem_alloc : memref<!tpu.dma_semaphore, #tpu.memory_space<semaphore_mem>>
      %dma_start3A_82 = arith.constant 0 : i32
      %dma_start3A_83 = tpu.memref_slice %arg5[%arg0, %add3A_81, %dma_start3A_82] : memref<2x10240x128xf32, #tpu.memory_space<hbm>> -> memref<1x128x128xf32, #tpu.memory_space<hbm>>
      %dma_start3A_84 = tpu.memref_squeeze %dma_start3A_83 : memref<1x128x128xf32, #tpu.memory_space<hbm>> -> memref<128x128xf32, #tpu.memory_space<hbm>>
      %dma_start3A_85 = arith.constant 0 : i32
      %dma_start3A_86 = tpu.memref_slice %arg11[%add3A_81, %dma_start3A_85] : memref<10240x128xf32, #tpu.memory_space<vmem_shared>> -> memref<128x128xf32, #tpu.memory_space<vmem_shared>>
      tpu.enqueue_dma source(%dma_start3A_86 : memref<128x128xf32, #tpu.memory_space<vmem_shared>>) target(%dma_start3A_84 : memref<128x128xf32, #tpu.memory_space<hbm>>) target_semaphore(%run_scoped3A : memref<!tpu.dma_semaphore, #tpu.memory_space<semaphore_mem>>)
      %dma_wait3A_87 = arith.constant 0 : i32
      %dma_wait3A_88 = tpu.memref_slice %arg5[%arg0, %add3A_81, %dma_wait3A_87] : memref<2x10240x128xf32, #tpu.memory_space<hbm>> -> memref<1x128x128xf32, #tpu.memory_space<hbm>>
      %dma_wait3A_89 = tpu.memref_squeeze %dma_wait3A_88 : memref<1x128x128xf32, #tpu.memory_space<hbm>> -> memref<128x128xf32, #tpu.memory_space<hbm>>
      %dma_wait3A_90 = arith.constant 0 : i32
      %dma_wait3A_91 = tpu.memref_slice %arg11[%add3A_81, %dma_wait3A_90] : memref<10240x128xf32, #tpu.memory_space<vmem_shared>> -> memref<128x128xf32, #tpu.memory_space<vmem_shared>>
      tpu.wait_dma2 semaphore(%run_scoped3A : memref<!tpu.dma_semaphore, #tpu.memory_space<semaphore_mem>>) src(%dma_wait3A_91 : memref<128x128xf32, #tpu.memory_space<vmem_shared>>) dst(%dma_wait3A_89 : memref<128x128xf32, #tpu.memory_space<hbm>>)
      tpu.yield
    }) : () -> ()
    return
  }
}

#map = affine_map<(d0, d1) -> (0, 0)>
#map1 = affine_map<(d0, d1) -> (0, 0, 0)>
module attributes {stable_mosaic.version = 14 : i64} {
  func.func @body(%arg0: i32, %arg1: i32, %arg2: memref<10240x128xf32, #tpu.memory_space<hbm>>, %arg3: memref<2560x128xi32, #tpu.memory_space<hbm>>, %arg4: memref<2560x128xi32, #tpu.memory_space<hbm>>, %arg5: memref<2x10240x128xf32, #tpu.memory_space<hbm>>, %arg6: memref<80x128xi32, #tpu.memory_space<vmem>>, %arg7: memref<128xi32, #tpu.memory_space<vmem>>, %arg8: memref<128xi32, #tpu.memory_space<vmem>>, %arg9: memref<128x128xf32, #tpu.memory_space<vmem>>, %arg10: memref<128x128xf32, #tpu.memory_space<vmem>>, %arg11: memref<10240x128xf32, #tpu.memory_space<vmem_shared>>, %arg12: memref<!tpu.dma_semaphore, #tpu.memory_space<semaphore_mem>>, %arg13: memref<!tpu.dma_semaphore, #tpu.memory_space<semaphore_mem>>) attributes {dimension_semantics = [#tpu.dimension_semantics<core_parallel>, #tpu.dimension_semantics<subcore_parallel>], iteration_bounds = array<i64: 2, 16>, scalar_prefetch = 0 : i64, scratch_operands = 8 : i64, tpu.core_type = #tpu.core_type<sc_vector_subcore>, window_params = [{transform_indices = #map}, {transform_indices = #map}, {transform_indices = #map}, {transform_indices = #map1}]} {
    %mul3A = arith.constant 2 : i32
    %mul3A_0 = arith.muli %arg1, %mul3A : i32
    %add3A = arith.addi %mul3A_0, %arg0 : i32
    %mul3A_1 = arith.constant 80 : i32
    %mul3A_2 = arith.muli %add3A, %mul3A_1 : i32
    %multiple_of3A = tpu.assume_multiple %mul3A_2, 8 : i32
    "tpu.region"() ({
      %run_scoped3A = tpu.sem_alloc : memref<!tpu.dma_semaphore, #tpu.memory_space<semaphore_mem>>
      %dma_start3A_82 = arith.constant 0 : i32
      %dma_start3A_83 = tpu.memref_slice %arg4[%multiple_of3A, %dma_start3A_82] : memref<2560x128xi32, #tpu.memory_space<hbm>> -> memref<80x128xi32, #tpu.memory_space<hbm>>
      %dma_start3A_84 = arith.constant 0 : i32
      %dma_start3A_85 = tpu.memref_slice %arg4[%multiple_of3A, %dma_start3A_84] : memref<2560x128xi32, #tpu.memory_space<hbm>> -> memref<80x128xi32, #tpu.memory_space<hbm>>
      tpu.enqueue_dma source(%dma_start3A_85 : memref<80x128xi32, #tpu.memory_space<hbm>>) target(%arg6 : memref<80x128xi32, #tpu.memory_space<vmem>>) target_semaphore(%run_scoped3A : memref<!tpu.dma_semaphore, #tpu.memory_space<semaphore_mem>>)
      %dma_wait3A_86 = arith.constant 0 : i32
      %dma_wait3A_87 = tpu.memref_slice %arg4[%multiple_of3A, %dma_wait3A_86] : memref<2560x128xi32, #tpu.memory_space<hbm>> -> memref<80x128xi32, #tpu.memory_space<hbm>>
      %dma_wait3A_88 = arith.constant 0 : i32
      %dma_wait3A_89 = tpu.memref_slice %arg4[%multiple_of3A, %dma_wait3A_88] : memref<2560x128xi32, #tpu.memory_space<hbm>> -> memref<80x128xi32, #tpu.memory_space<hbm>>
      tpu.wait_dma2 semaphore(%run_scoped3A : memref<!tpu.dma_semaphore, #tpu.memory_space<semaphore_mem>>) src(%dma_wait3A_89 : memref<80x128xi32, #tpu.memory_space<hbm>>) dst(%arg6 : memref<80x128xi32, #tpu.memory_space<vmem>>)
      tpu.yield
    }) : () -> ()
    %scan3A = arith.constant 0 : i32
    %scan3A_3 = arith.constant 0 : i32
    %scan3A_4 = arith.constant 1024 : i32
    %scan3A_5 = arith.addi %scan3A_3, %scan3A_4 : i32
    %scan3A_6 = arith.constant 1 : i32
    %scan3A_7 = scf.for %scan3A_82 = %scan3A_3 to %scan3A_5 step %scan3A_6 iter_args(%scan3A_83 = %scan3A) -> (i32)  : i32 {
      %jit3A = arith.constant 8 : i32
      %div3A = arith.divsi %scan3A_82, %jit3A : i32
      %sign3A = arith.constant 0 : i32
      %sign3A_84 = arith.cmpi sgt, %scan3A_82, %sign3A : i32
      %sign3A_85 = arith.extui %sign3A_84 : i1 to i32
      %sign3A_86 = arith.constant 0 : i32
      %sign3A_87 = arith.cmpi slt, %scan3A_82, %sign3A_86 : i32
      %sign3A_88 = arith.extui %sign3A_87 : i1 to i32
      %sign3A_89 = arith.subi %sign3A_85, %sign3A_88 : i32
      %sign3A_90 = arith.constant 0 : i32
      %sign3A_91 = arith.cmpi sgt, %jit3A, %sign3A_90 : i32
      %sign3A_92 = arith.extui %sign3A_91 : i1 to i32
      %sign3A_93 = arith.constant 0 : i32
      %sign3A_94 = arith.cmpi slt, %jit3A, %sign3A_93 : i32
      %sign3A_95 = arith.extui %sign3A_94 : i1 to i32
      %sign3A_96 = arith.subi %sign3A_92, %sign3A_95 : i32
      %ne3A = arith.cmpi ne, %sign3A_89, %sign3A_96 : i32
      %rem3A = arith.remsi %scan3A_82, %jit3A : i32
      %ne3A_97 = arith.constant 0 : i32
      %ne3A_98 = arith.cmpi ne, %rem3A, %ne3A_97 : i32
      %and3A = arith.andi %ne3A, %ne3A_98 : i1
      %sub3A = arith.constant 1 : i32
      %sub3A_99 = arith.subi %div3A, %sub3A : i32
      %select_n3A = arith.select %and3A, %sub3A_99, %div3A : i32
      %jit3A_100 = arith.constant 8 : i32
      %eq3A = arith.constant 0 : i32
      %eq3A_101 = arith.cmpi eq, %jit3A_100, %eq3A : i32
      %jit3A_102 = arith.constant 1 : i32
      %select_n3A_103 = arith.select %eq3A_101, %jit3A_102, %jit3A_100 : i32
      %rem3A_104 = arith.remsi %scan3A_82, %select_n3A_103 : i32
      %ne3A_105 = arith.constant 0 : i32
      %ne3A_106 = arith.cmpi ne, %rem3A_104, %ne3A_105 : i32
      %lt3A = arith.constant 0 : i32
      %lt3A_107 = arith.cmpi slt, %rem3A_104, %lt3A : i32
      %lt3A_108 = arith.constant 0 : i32
      %lt3A_109 = arith.cmpi slt, %select_n3A_103, %lt3A_108 : i32
      %ne3A_110 = arith.xori %lt3A_107, %lt3A_109 : i1
      %and3A_111 = arith.andi %ne3A_110, %ne3A_106 : i1
      %add3A_112 = arith.addi %rem3A_104, %select_n3A_103 : i32
      %select_n3A_113 = arith.select %and3A_111, %add3A_112, %rem3A_104 : i32
      %mul3A_114 = arith.constant 16 : i32
      %mul3A_115 = arith.muli %select_n3A_113, %mul3A_114 : i32
      %broadcast_in_dim3A = arith.constant 0.000000e+00 : f32
      %broadcast_in_dim3A_116 = vector.broadcast %broadcast_in_dim3A : f32 to vector<16xf32>
      %swap3A = arith.index_cast %select_n3A : i32 to index
      %swap3A_117 = arith.index_cast %mul3A_115 : i32 to index
      %swap3A_118 = tpu.vector_load %arg9[%swap3A, %swap3A_117] {strides = array<i32>} : memref<128x128xf32, #tpu.memory_space<vmem>>, vector<1x16xf32>,
      %swap3A_119 = vector.shape_cast %swap3A_118 : vector<1x16xf32> to vector<16xf32>
      %swap3A_120 = vector.shape_cast %broadcast_in_dim3A_116 : vector<16xf32> to vector<1x16xf32>
      tpu.vector_store %arg9[%swap3A, %swap3A_117], %swap3A_120 {strides = array<i32>} : memref<128x128xf32, #tpu.memory_space<vmem>>, vector<1x16xf32>,
      %scan3A_121 = arith.constant 0 : i32
      scf.yield %scan3A_121 : i32
    }
    %scan3A_8 = arith.constant 1024 : i32
    %mul3A_9 = arith.constant 640 : i32
    %mul3A_10 = arith.muli %arg1, %mul3A_9 : i32
    %multiple_of3A_11 = tpu.assume_multiple %mul3A_10, 128 : i32
    %add3A_12 = arith.constant 0 : i32
    %add3A_13 = arith.addi %multiple_of3A_11, %add3A_12 : i32
    "tpu.region"() ({
      %run_scoped3A = tpu.sem_alloc : memref<!tpu.dma_semaphore, #tpu.memory_space<semaphore_mem>>
      %dma_start3A_82 = arith.constant 0 : i32
      %dma_start3A_83 = tpu.memref_slice %arg11[%add3A_13, %dma_start3A_82] : memref<10240x128xf32, #tpu.memory_space<vmem_shared>> -> memref<128x128xf32, #tpu.memory_space<vmem_shared>>
      %dma_start3A_84 = arith.constant 0 : i32
      %dma_start3A_85 = tpu.memref_slice %arg11[%add3A_13, %dma_start3A_84] : memref<10240x128xf32, #tpu.memory_space<vmem_shared>> -> memref<128x128xf32, #tpu.memory_space<vmem_shared>>
      tpu.enqueue_dma source(%arg9 : memref<128x128xf32, #tpu.memory_space<vmem>>) target(%dma_start3A_85 : memref<128x128xf32, #tpu.memory_space<vmem_shared>>) target_semaphore(%run_scoped3A : memref<!tpu.dma_semaphore, #tpu.memory_space<semaphore_mem>>)
      %dma_wait3A_86 = arith.constant 0 : i32
      %dma_wait3A_87 = tpu.memref_slice %arg11[%add3A_13, %dma_wait3A_86] : memref<10240x128xf32, #tpu.memory_space<vmem_shared>> -> memref<128x128xf32, #tpu.memory_space<vmem_shared>>
      %dma_wait3A_88 = arith.constant 0 : i32
      %dma_wait3A_89 = tpu.memref_slice %arg11[%add3A_13, %dma_wait3A_88] : memref<10240x128xf32, #tpu.memory_space<vmem_shared>> -> memref<128x128xf32, #tpu.memory_space<vmem_shared>>
      tpu.wait_dma2 semaphore(%run_scoped3A : memref<!tpu.dma_semaphore, #tpu.memory_space<semaphore_mem>>) src(%arg9 : memref<128x128xf32, #tpu.memory_space<vmem>>) dst(%dma_wait3A_89 : memref<128x128xf32, #tpu.memory_space<vmem_shared>>)
      tpu.yield
    }) : () -> ()
    %add3A_14 = arith.constant 128 : i32
    %add3A_15 = arith.addi %multiple_of3A_11, %add3A_14 : i32
    "tpu.region"() ({
      %run_scoped3A = tpu.sem_alloc : memref<!tpu.dma_semaphore, #tpu.memory_space<semaphore_mem>>
      %dma_start3A_82 = arith.constant 0 : i32
      %dma_start3A_83 = tpu.memref_slice %arg11[%add3A_15, %dma_start3A_82] : memref<10240x128xf32, #tpu.memory_space<vmem_shared>> -> memref<128x128xf32, #tpu.memory_space<vmem_shared>>
      %dma_start3A_84 = arith.constant 0 : i32
      %dma_start3A_85 = tpu.memref_slice %arg11[%add3A_15, %dma_start3A_84] : memref<10240x128xf32, #tpu.memory_space<vmem_shared>> -> memref<128x128xf32, #tpu.memory_space<vmem_shared>>
      tpu.enqueue_dma source(%arg9 : memref<128x128xf32, #tpu.memory_space<vmem>>) target(%dma_start3A_85 : memref<128x128xf32, #tpu.memory_space<vmem_shared>>) target_semaphore(%run_scoped3A : memref<!tpu.dma_semaphore, #tpu.memory_space<semaphore_mem>>)
      %dma_wait3A_86 = arith.constant 0 : i32
      %dma_wait3A_87 = tpu.memref_slice %arg11[%add3A_15, %dma_wait3A_86] : memref<10240x128xf32, #tpu.memory_space<vmem_shared>> -> memref<128x128xf32, #tpu.memory_space<vmem_shared>>
      %dma_wait3A_88 = arith.constant 0 : i32
      %dma_wait3A_89 = tpu.memref_slice %arg11[%add3A_15, %dma_wait3A_88] : memref<10240x128xf32, #tpu.memory_space<vmem_shared>> -> memref<128x128xf32, #tpu.memory_space<vmem_shared>>
      tpu.wait_dma2 semaphore(%run_scoped3A : memref<!tpu.dma_semaphore, #tpu.memory_space<semaphore_mem>>) src(%arg9 : memref<128x128xf32, #tpu.memory_space<vmem>>) dst(%dma_wait3A_89 : memref<128x128xf32, #tpu.memory_space<vmem_shared>>)
      tpu.yield
    }) : () -> ()
    %add3A_16 = arith.constant 256 : i32
    %add3A_17 = arith.addi %multiple_of3A_11, %add3A_16 : i32
    "tpu.region"() ({
      %run_scoped3A = tpu.sem_alloc : memref<!tpu.dma_semaphore, #tpu.memory_space<semaphore_mem>>
      %dma_start3A_82 = arith.constant 0 : i32
      %dma_start3A_83 = tpu.memref_slice %arg11[%add3A_17, %dma_start3A_82] : memref<10240x128xf32, #tpu.memory_space<vmem_shared>> -> memref<128x128xf32, #tpu.memory_space<vmem_shared>>
      %dma_start3A_84 = arith.constant 0 : i32
      %dma_start3A_85 = tpu.memref_slice %arg11[%add3A_17, %dma_start3A_84] : memref<10240x128xf32, #tpu.memory_space<vmem_shared>> -> memref<128x128xf32, #tpu.memory_space<vmem_shared>>
      tpu.enqueue_dma source(%arg9 : memref<128x128xf32, #tpu.memory_space<vmem>>) target(%dma_start3A_85 : memref<128x128xf32, #tpu.memory_space<vmem_shared>>) target_semaphore(%run_scoped3A : memref<!tpu.dma_semaphore, #tpu.memory_space<semaphore_mem>>)
      %dma_wait3A_86 = arith.constant 0 : i32
      %dma_wait3A_87 = tpu.memref_slice %arg11[%add3A_17, %dma_wait3A_86] : memref<10240x128xf32, #tpu.memory_space<vmem_shared>> -> memref<128x128xf32, #tpu.memory_space<vmem_shared>>
      %dma_wait3A_88 = arith.constant 0 : i32
      %dma_wait3A_89 = tpu.memref_slice %arg11[%add3A_17, %dma_wait3A_88] : memref<10240x128xf32, #tpu.memory_space<vmem_shared>> -> memref<128x128xf32, #tpu.memory_space<vmem_shared>>
      tpu.wait_dma2 semaphore(%run_scoped3A : memref<!tpu.dma_semaphore, #tpu.memory_space<semaphore_mem>>) src(%arg9 : memref<128x128xf32, #tpu.memory_space<vmem>>) dst(%dma_wait3A_89 : memref<128x128xf32, #tpu.memory_space<vmem_shared>>)
      tpu.yield
    }) : () -> ()
    %add3A_18 = arith.constant 384 : i32
    %add3A_19 = arith.addi %multiple_of3A_11, %add3A_18 : i32
    "tpu.region"() ({
      %run_scoped3A = tpu.sem_alloc : memref<!tpu.dma_semaphore, #tpu.memory_space<semaphore_mem>>
      %dma_start3A_82 = arith.constant 0 : i32
      %dma_start3A_83 = tpu.memref_slice %arg11[%add3A_19, %dma_start3A_82] : memref<10240x128xf32, #tpu.memory_space<vmem_shared>> -> memref<128x128xf32, #tpu.memory_space<vmem_shared>>
      %dma_start3A_84 = arith.constant 0 : i32
      %dma_start3A_85 = tpu.memref_slice %arg11[%add3A_19, %dma_start3A_84] : memref<10240x128xf32, #tpu.memory_space<vmem_shared>> -> memref<128x128xf32, #tpu.memory_space<vmem_shared>>
      tpu.enqueue_dma source(%arg9 : memref<128x128xf32, #tpu.memory_space<vmem>>) target(%dma_start3A_85 : memref<128x128xf32, #tpu.memory_space<vmem_shared>>) target_semaphore(%run_scoped3A : memref<!tpu.dma_semaphore, #tpu.memory_space<semaphore_mem>>)
      %dma_wait3A_86 = arith.constant 0 : i32
      %dma_wait3A_87 = tpu.memref_slice %arg11[%add3A_19, %dma_wait3A_86] : memref<10240x128xf32, #tpu.memory_space<vmem_shared>> -> memref<128x128xf32, #tpu.memory_space<vmem_shared>>
      %dma_wait3A_88 = arith.constant 0 : i32
      %dma_wait3A_89 = tpu.memref_slice %arg11[%add3A_19, %dma_wait3A_88] : memref<10240x128xf32, #tpu.memory_space<vmem_shared>> -> memref<128x128xf32, #tpu.memory_space<vmem_shared>>
      tpu.wait_dma2 semaphore(%run_scoped3A : memref<!tpu.dma_semaphore, #tpu.memory_space<semaphore_mem>>) src(%arg9 : memref<128x128xf32, #tpu.memory_space<vmem>>) dst(%dma_wait3A_89 : memref<128x128xf32, #tpu.memory_space<vmem_shared>>)
      tpu.yield
    }) : () -> ()
    %add3A_20 = arith.constant 512 : i32
    %add3A_21 = arith.addi %multiple_of3A_11, %add3A_20 : i32
    "tpu.region"() ({
      %run_scoped3A = tpu.sem_alloc : memref<!tpu.dma_semaphore, #tpu.memory_space<semaphore_mem>>
      %dma_start3A_82 = arith.constant 0 : i32
      %dma_start3A_83 = tpu.memref_slice %arg11[%add3A_21, %dma_start3A_82] : memref<10240x128xf32, #tpu.memory_space<vmem_shared>> -> memref<128x128xf32, #tpu.memory_space<vmem_shared>>
      %dma_start3A_84 = arith.constant 0 : i32
      %dma_start3A_85 = tpu.memref_slice %arg11[%add3A_21, %dma_start3A_84] : memref<10240x128xf32, #tpu.memory_space<vmem_shared>> -> memref<128x128xf32, #tpu.memory_space<vmem_shared>>
      tpu.enqueue_dma source(%arg9 : memref<128x128xf32, #tpu.memory_space<vmem>>) target(%dma_start3A_85 : memref<128x128xf32, #tpu.memory_space<vmem_shared>>) target_semaphore(%run_scoped3A : memref<!tpu.dma_semaphore, #tpu.memory_space<semaphore_mem>>)
      %dma_wait3A_86 = arith.constant 0 : i32
      %dma_wait3A_87 = tpu.memref_slice %arg11[%add3A_21, %dma_wait3A_86] : memref<10240x128xf32, #tpu.memory_space<vmem_shared>> -> memref<128x128xf32, #tpu.memory_space<vmem_shared>>
      %dma_wait3A_88 = arith.constant 0 : i32
      %dma_wait3A_89 = tpu.memref_slice %arg11[%add3A_21, %dma_wait3A_88] : memref<10240x128xf32, #tpu.memory_space<vmem_shared>> -> memref<128x128xf32, #tpu.memory_space<vmem_shared>>
      tpu.wait_dma2 semaphore(%run_scoped3A : memref<!tpu.dma_semaphore, #tpu.memory_space<semaphore_mem>>) src(%arg9 : memref<128x128xf32, #tpu.memory_space<vmem>>) dst(%dma_wait3A_89 : memref<128x128xf32, #tpu.memory_space<vmem_shared>>)
      tpu.yield
    }) : () -> ()
    %barrier3A = arith.constant 0 : index
    tpu.barrier barrier_id(%barrier3A)
    %add3A_22 = arith.constant 0 : i32
    %add3A_23 = arith.addi %multiple_of3A, %add3A_22 : i32
    "tpu.region"() ({
      %run_scoped3A = tpu.sem_alloc : memref<!tpu.dma_semaphore, #tpu.memory_space<semaphore_mem>>
      %dma_start3A_82 = arith.constant 0 : i32
      %dma_start3A_83 = tpu.memref_slice %arg3[%add3A_23, %dma_start3A_82] : memref<2560x128xi32, #tpu.memory_space<hbm>> -> memref<1x128xi32, #tpu.memory_space<hbm>>
      %dma_start3A_84 = tpu.memref_squeeze %dma_start3A_83 : memref<1x128xi32, #tpu.memory_space<hbm>> -> memref<128xi32, #tpu.memory_space<hbm>>
      %dma_start3A_85 = arith.constant 0 : i32
      %dma_start3A_86 = tpu.memref_slice %arg3[%add3A_23, %dma_start3A_85] : memref<2560x128xi32, #tpu.memory_space<hbm>> -> memref<1x128xi32, #tpu.memory_space<hbm>>
      %dma_start3A_87 = tpu.memref_squeeze %dma_start3A_86 : memref<1x128xi32, #tpu.memory_space<hbm>> -> memref<128xi32, #tpu.memory_space<hbm>>
      tpu.enqueue_dma source(%dma_start3A_87 : memref<128xi32, #tpu.memory_space<hbm>>) target(%arg7 : memref<128xi32, #tpu.memory_space<vmem>>) target_semaphore(%run_scoped3A : memref<!tpu.dma_semaphore, #tpu.memory_space<semaphore_mem>>)
      %dma_wait3A_88 = arith.constant 0 : i32
      %dma_wait3A_89 = tpu.memref_slice %arg3[%add3A_23, %dma_wait3A_88] : memref<2560x128xi32, #tpu.memory_space<hbm>> -> memref<1x128xi32, #tpu.memory_space<hbm>>
      %dma_wait3A_90 = tpu.memref_squeeze %dma_wait3A_89 : memref<1x128xi32, #tpu.memory_space<hbm>> -> memref<128xi32, #tpu.memory_space<hbm>>
      %dma_wait3A_91 = arith.constant 0 : i32
      %dma_wait3A_92 = tpu.memref_slice %arg3[%add3A_23, %dma_wait3A_91] : memref<2560x128xi32, #tpu.memory_space<hbm>> -> memref<1x128xi32, #tpu.memory_space<hbm>>
      %dma_wait3A_93 = tpu.memref_squeeze %dma_wait3A_92 : memref<1x128xi32, #tpu.memory_space<hbm>> -> memref<128xi32, #tpu.memory_space<hbm>>
      tpu.wait_dma2 semaphore(%run_scoped3A : memref<!tpu.dma_semaphore, #tpu.memory_space<semaphore_mem>>) src(%dma_wait3A_93 : memref<128xi32, #tpu.memory_space<hbm>>) dst(%arg7 : memref<128xi32, #tpu.memory_space<vmem>>)
      tpu.yield
    }) : () -> ()
    %dma_start3A = arith.constant 0 : i32
    %dma_start3A_24 = arith.constant 0 : i32
    %dma_start3A_25 = tpu.memref_slice %arg2[%dma_start3A, %dma_start3A_24] : memref<10240x128xf32, #tpu.memory_space<hbm>> -> memref<10240x128xf32, #tpu.memory_space<hbm>>
    tpu.enqueue_indirect_dma source(%dma_start3A_25 : memref<10240x128xf32, #tpu.memory_space<hbm>>) target(%arg9 : memref<128x128xf32, #tpu.memory_space<vmem>>) offsets(%arg7 : memref<128xi32, #tpu.memory_space<vmem>>) semaphore(%arg12 : memref<!tpu.dma_semaphore, #tpu.memory_space<semaphore_mem>>)
    %dma_wait3A = arith.constant 0 : i32
    %dma_wait3A_26 = arith.constant 0 : i32
    %dma_wait3A_27 = tpu.memref_slice %arg2[%dma_wait3A, %dma_wait3A_26] : memref<10240x128xf32, #tpu.memory_space<hbm>> -> memref<10240x128xf32, #tpu.memory_space<hbm>>
    tpu.wait_indirect_dma semaphore(%arg12 : memref<!tpu.dma_semaphore, #tpu.memory_space<semaphore_mem>>) src(%dma_wait3A_27 : memref<10240x128xf32, #tpu.memory_space<hbm>>) dst(%arg9 : memref<128x128xf32, #tpu.memory_space<vmem>>)
    %dma_start3A_28 = arith.constant 0 : i32
    %dma_start3A_29 = arith.constant 0 : i32
    %dma_start3A_30 = tpu.memref_slice %arg6[%dma_start3A_28, %dma_start3A_29] : memref<80x128xi32, #tpu.memory_space<vmem>> -> memref<1x128xi32, #tpu.memory_space<vmem>>
    %dma_start3A_31 = tpu.memref_squeeze %dma_start3A_30 : memref<1x128xi32, #tpu.memory_space<vmem>> -> memref<128xi32, #tpu.memory_space<vmem>>
    %dma_start3A_32 = arith.constant 0 : i32
    %dma_start3A_33 = arith.constant 0 : i32
    %dma_start3A_34 = tpu.memref_slice %arg11[%dma_start3A_32, %dma_start3A_33] : memref<10240x128xf32, #tpu.memory_space<vmem_shared>> -> memref<10240x128xf32, #tpu.memory_space<vmem_shared>>
    tpu.enqueue_indirect_dma source(%arg9 : memref<128x128xf32, #tpu.memory_space<vmem>>) target(%dma_start3A_34 : memref<10240x128xf32, #tpu.memory_space<vmem_shared>>) offsets(%dma_start3A_31 : memref<128xi32, #tpu.memory_space<vmem>>) semaphore(%arg13 : memref<!tpu.dma_semaphore, #tpu.memory_space<semaphore_mem>>) {add = true}
    %add3A_35 = arith.constant 1 : i32
    %add3A_36 = arith.addi %multiple_of3A, %add3A_35 : i32
    "tpu.region"() ({
      %run_scoped3A = tpu.sem_alloc : memref<!tpu.dma_semaphore, #tpu.memory_space<semaphore_mem>>
      %dma_start3A_82 = arith.constant 0 : i32
      %dma_start3A_83 = tpu.memref_slice %arg3[%add3A_36, %dma_start3A_82] : memref<2560x128xi32, #tpu.memory_space<hbm>> -> memref<1x128xi32, #tpu.memory_space<hbm>>
      %dma_start3A_84 = tpu.memref_squeeze %dma_start3A_83 : memref<1x128xi32, #tpu.memory_space<hbm>> -> memref<128xi32, #tpu.memory_space<hbm>>
      %dma_start3A_85 = arith.constant 0 : i32
      %dma_start3A_86 = tpu.memref_slice %arg3[%add3A_36, %dma_start3A_85] : memref<2560x128xi32, #tpu.memory_space<hbm>> -> memref<1x128xi32, #tpu.memory_space<hbm>>
      %dma_start3A_87 = tpu.memref_squeeze %dma_start3A_86 : memref<1x128xi32, #tpu.memory_space<hbm>> -> memref<128xi32, #tpu.memory_space<hbm>>
      tpu.enqueue_dma source(%dma_start3A_87 : memref<128xi32, #tpu.memory_space<hbm>>) target(%arg8 : memref<128xi32, #tpu.memory_space<vmem>>) target_semaphore(%run_scoped3A : memref<!tpu.dma_semaphore, #tpu.memory_space<semaphore_mem>>)
      %dma_wait3A_88 = arith.constant 0 : i32
      %dma_wait3A_89 = tpu.memref_slice %arg3[%add3A_36, %dma_wait3A_88] : memref<2560x128xi32, #tpu.memory_space<hbm>> -> memref<1x128xi32, #tpu.memory_space<hbm>>
      %dma_wait3A_90 = tpu.memref_squeeze %dma_wait3A_89 : memref<1x128xi32, #tpu.memory_space<hbm>> -> memref<128xi32, #tpu.memory_space<hbm>>
      %dma_wait3A_91 = arith.constant 0 : i32
      %dma_wait3A_92 = tpu.memref_slice %arg3[%add3A_36, %dma_wait3A_91] : memref<2560x128xi32, #tpu.memory_space<hbm>> -> memref<1x128xi32, #tpu.memory_space<hbm>>
      %dma_wait3A_93 = tpu.memref_squeeze %dma_wait3A_92 : memref<1x128xi32, #tpu.memory_space<hbm>> -> memref<128xi32, #tpu.memory_space<hbm>>
      tpu.wait_dma2 semaphore(%run_scoped3A : memref<!tpu.dma_semaphore, #tpu.memory_space<semaphore_mem>>) src(%dma_wait3A_93 : memref<128xi32, #tpu.memory_space<hbm>>) dst(%arg8 : memref<128xi32, #tpu.memory_space<vmem>>)
      tpu.yield
    }) : () -> ()
    %dma_start3A_37 = arith.constant 0 : i32
    %dma_start3A_38 = arith.constant 0 : i32
    %dma_start3A_39 = tpu.memref_slice %arg2[%dma_start3A_37, %dma_start3A_38] : memref<10240x128xf32, #tpu.memory_space<hbm>> -> memref<10240x128xf32, #tpu.memory_space<hbm>>
    tpu.enqueue_indirect_dma source(%dma_start3A_39 : memref<10240x128xf32, #tpu.memory_space<hbm>>) target(%arg10 : memref<128x128xf32, #tpu.memory_space<vmem>>) offsets(%arg8 : memref<128xi32, #tpu.memory_space<vmem>>) semaphore(%arg12 : memref<!tpu.dma_semaphore, #tpu.memory_space<semaphore_mem>>)
    %scan3A_40 = arith.constant 0 : i32
    %scan3A_41 = arith.constant 0 : i32
    %scan3A_42 = arith.constant 39 : i32
    %scan3A_43 = arith.addi %scan3A_41, %scan3A_42 : i32
    %scan3A_44 = arith.constant 1 : i32
    %scan3A_45 = scf.for %scan3A_82 = %scan3A_41 to %scan3A_43 step %scan3A_44 iter_args(%scan3A_83 = %scan3A_40) -> (i32)  : i32 {
      %mul3A_84 = arith.constant 2 : i32
      %mul3A_85 = arith.muli %mul3A_84, %scan3A_82 : i32
      %add3A_86 = arith.constant 1 : i32
      %add3A_87 = arith.addi %mul3A_85, %add3A_86 : i32
      %dma_wait3A_88 = arith.constant 0 : i32
      %dma_wait3A_89 = arith.constant 0 : i32
      %dma_wait3A_90 = tpu.memref_slice %arg2[%dma_wait3A_88, %dma_wait3A_89] : memref<10240x128xf32, #tpu.memory_space<hbm>> -> memref<10240x128xf32, #tpu.memory_space<hbm>>
      tpu.wait_indirect_dma semaphore(%arg12 : memref<!tpu.dma_semaphore, #tpu.memory_space<semaphore_mem>>) src(%dma_wait3A_90 : memref<10240x128xf32, #tpu.memory_space<hbm>>) dst(%arg10 : memref<128x128xf32, #tpu.memory_space<vmem>>)
      %dma_start3A_91 = arith.constant 0 : i32
      %dma_start3A_92 = tpu.memref_slice %arg6[%add3A_87, %dma_start3A_91] : memref<80x128xi32, #tpu.memory_space<vmem>> -> memref<1x128xi32, #tpu.memory_space<vmem>>
      %dma_start3A_93 = tpu.memref_squeeze %dma_start3A_92 : memref<1x128xi32, #tpu.memory_space<vmem>> -> memref<128xi32, #tpu.memory_space<vmem>>
      %dma_start3A_94 = arith.constant 0 : i32
      %dma_start3A_95 = arith.constant 0 : i32
      %dma_start3A_96 = tpu.memref_slice %arg11[%dma_start3A_94, %dma_start3A_95] : memref<10240x128xf32, #tpu.memory_space<vmem_shared>> -> memref<10240x128xf32, #tpu.memory_space<vmem_shared>>
      tpu.enqueue_indirect_dma source(%arg10 : memref<128x128xf32, #tpu.memory_space<vmem>>) target(%dma_start3A_96 : memref<10240x128xf32, #tpu.memory_space<vmem_shared>>) offsets(%dma_start3A_93 : memref<128xi32, #tpu.memory_space<vmem>>) semaphore(%arg13 : memref<!tpu.dma_semaphore, #tpu.memory_space<semaphore_mem>>) {add = true}
      %dma_wait3A_97 = arith.constant 0 : i32
      %dma_wait3A_98 = arith.constant 0 : i32
      %dma_wait3A_99 = tpu.memref_slice %arg6[%dma_wait3A_97, %dma_wait3A_98] : memref<80x128xi32, #tpu.memory_space<vmem>> -> memref<1x128xi32, #tpu.memory_space<vmem>>
      %dma_wait3A_100 = tpu.memref_squeeze %dma_wait3A_99 : memref<1x128xi32, #tpu.memory_space<vmem>> -> memref<128xi32, #tpu.memory_space<vmem>>
      %dma_wait3A_101 = arith.constant 0 : i32
      %dma_wait3A_102 = arith.constant 0 : i32
      %dma_wait3A_103 = tpu.memref_slice %arg11[%dma_wait3A_101, %dma_wait3A_102] : memref<10240x128xf32, #tpu.memory_space<vmem_shared>> -> memref<10240x128xf32, #tpu.memory_space<vmem_shared>>
      tpu.wait_indirect_dma semaphore(%arg13 : memref<!tpu.dma_semaphore, #tpu.memory_space<semaphore_mem>>) src(%arg9 : memref<128x128xf32, #tpu.memory_space<vmem>>) dst(%dma_wait3A_103 : memref<10240x128xf32, #tpu.memory_space<vmem_shared>>)
      %add3A_104 = arith.constant 1 : i32
      %add3A_105 = arith.addi %add3A_87, %add3A_104 : i32
      %add3A_106 = arith.addi %multiple_of3A, %add3A_105 : i32
      "tpu.region"() ({
        %run_scoped3A = tpu.sem_alloc : memref<!tpu.dma_semaphore, #tpu.memory_space<semaphore_mem>>
        %dma_start3A_135 = arith.constant 0 : i32
        %dma_start3A_136 = tpu.memref_slice %arg3[%add3A_106, %dma_start3A_135] : memref<2560x128xi32, #tpu.memory_space<hbm>> -> memref<1x128xi32, #tpu.memory_space<hbm>>
        %dma_start3A_137 = tpu.memref_squeeze %dma_start3A_136 : memref<1x128xi32, #tpu.memory_space<hbm>> -> memref<128xi32, #tpu.memory_space<hbm>>
        %dma_start3A_138 = arith.constant 0 : i32
        %dma_start3A_139 = tpu.memref_slice %arg3[%add3A_106, %dma_start3A_138] : memref<2560x128xi32, #tpu.memory_space<hbm>> -> memref<1x128xi32, #tpu.memory_space<hbm>>
        %dma_start3A_140 = tpu.memref_squeeze %dma_start3A_139 : memref<1x128xi32, #tpu.memory_space<hbm>> -> memref<128xi32, #tpu.memory_space<hbm>>
        tpu.enqueue_dma source(%dma_start3A_140 : memref<128xi32, #tpu.memory_space<hbm>>) target(%arg7 : memref<128xi32, #tpu.memory_space<vmem>>) target_semaphore(%run_scoped3A : memref<!tpu.dma_semaphore, #tpu.memory_space<semaphore_mem>>)
        %dma_wait3A_141 = arith.constant 0 : i32
        %dma_wait3A_142 = tpu.memref_slice %arg3[%add3A_106, %dma_wait3A_141] : memref<2560x128xi32, #tpu.memory_space<hbm>> -> memref<1x128xi32, #tpu.memory_space<hbm>>
        %dma_wait3A_143 = tpu.memref_squeeze %dma_wait3A_142 : memref<1x128xi32, #tpu.memory_space<hbm>> -> memref<128xi32, #tpu.memory_space<hbm>>
        %dma_wait3A_144 = arith.constant 0 : i32
        %dma_wait3A_145 = tpu.memref_slice %arg3[%add3A_106, %dma_wait3A_144] : memref<2560x128xi32, #tpu.memory_space<hbm>> -> memref<1x128xi32, #tpu.memory_space<hbm>>
        %dma_wait3A_146 = tpu.memref_squeeze %dma_wait3A_145 : memref<1x128xi32, #tpu.memory_space<hbm>> -> memref<128xi32, #tpu.memory_space<hbm>>
        tpu.wait_dma2 semaphore(%run_scoped3A : memref<!tpu.dma_semaphore, #tpu.memory_space<semaphore_mem>>) src(%dma_wait3A_146 : memref<128xi32, #tpu.memory_space<hbm>>) dst(%arg7 : memref<128xi32, #tpu.memory_space<vmem>>)
        tpu.yield
      }) : () -> ()
      %dma_start3A_107 = arith.constant 0 : i32
      %dma_start3A_108 = arith.constant 0 : i32
      %dma_start3A_109 = tpu.memref_slice %arg2[%dma_start3A_107, %dma_start3A_108] : memref<10240x128xf32, #tpu.memory_space<hbm>> -> memref<10240x128xf32, #tpu.memory_space<hbm>>
      tpu.enqueue_indirect_dma source(%dma_start3A_109 : memref<10240x128xf32, #tpu.memory_space<hbm>>) target(%arg9 : memref<128x128xf32, #tpu.memory_space<vmem>>) offsets(%arg7 : memref<128xi32, #tpu.memory_space<vmem>>) semaphore(%arg12 : memref<!tpu.dma_semaphore, #tpu.memory_space<semaphore_mem>>)
      %dma_wait3A_110 = arith.constant 0 : i32
      %dma_wait3A_111 = arith.constant 0 : i32
      %dma_wait3A_112 = tpu.memref_slice %arg2[%dma_wait3A_110, %dma_wait3A_111] : memref<10240x128xf32, #tpu.memory_space<hbm>> -> memref<10240x128xf32, #tpu.memory_space<hbm>>
      tpu.wait_indirect_dma semaphore(%arg12 : memref<!tpu.dma_semaphore, #tpu.memory_space<semaphore_mem>>) src(%dma_wait3A_112 : memref<10240x128xf32, #tpu.memory_space<hbm>>) dst(%arg9 : memref<128x128xf32, #tpu.memory_space<vmem>>)
      %add3A_113 = arith.constant 1 : i32
      %add3A_114 = arith.addi %add3A_87, %add3A_113 : i32
      %dma_start3A_115 = arith.constant 0 : i32
      %dma_start3A_116 = tpu.memref_slice %arg6[%add3A_114, %dma_start3A_115] : memref<80x128xi32, #tpu.memory_space<vmem>> -> memref<1x128xi32, #tpu.memory_space<vmem>>
      %dma_start3A_117 = tpu.memref_squeeze %dma_start3A_116 : memref<1x128xi32, #tpu.memory_space<vmem>> -> memref<128xi32, #tpu.memory_space<vmem>>
      %dma_start3A_118 = arith.constant 0 : i32
      %dma_start3A_119 = arith.constant 0 : i32
      %dma_start3A_120 = tpu.memref_slice %arg11[%dma_start3A_118, %dma_start3A_119] : memref<10240x128xf32, #tpu.memory_space<vmem_shared>> -> memref<10240x128xf32, #tpu.memory_space<vmem_shared>>
      tpu.enqueue_indirect_dma source(%arg9 : memref<128x128xf32, #tpu.memory_space<vmem>>) target(%dma_start3A_120 : memref<10240x128xf32, #tpu.memory_space<vmem_shared>>) offsets(%dma_start3A_117 : memref<128xi32, #tpu.memory_space<vmem>>) semaphore(%arg13 : memref<!tpu.dma_semaphore, #tpu.memory_space<semaphore_mem>>) {add = true}
      %dma_wait3A_121 = arith.constant 0 : i32
      %dma_wait3A_122 = arith.constant 0 : i32
      %dma_wait3A_123 = tpu.memref_slice %arg6[%dma_wait3A_121, %dma_wait3A_122] : memref<80x128xi32, #tpu.memory_space<vmem>> -> memref<1x128xi32, #tpu.memory_space<vmem>>
      %dma_wait3A_124 = tpu.memref_squeeze %dma_wait3A_123 : memref<1x128xi32, #tpu.memory_space<vmem>> -> memref<128xi32, #tpu.memory_space<vmem>>
      %dma_wait3A_125 = arith.constant 0 : i32
      %dma_wait3A_126 = arith.constant 0 : i32
      %dma_wait3A_127 = tpu.memref_slice %arg11[%dma_wait3A_125, %dma_wait3A_126] : memref<10240x128xf32, #tpu.memory_space<vmem_shared>> -> memref<10240x128xf32, #tpu.memory_space<vmem_shared>>
      tpu.wait_indirect_dma semaphore(%arg13 : memref<!tpu.dma_semaphore, #tpu.memory_space<semaphore_mem>>) src(%arg10 : memref<128x128xf32, #tpu.memory_space<vmem>>) dst(%dma_wait3A_127 : memref<10240x128xf32, #tpu.memory_space<vmem_shared>>)
      %add3A_128 = arith.constant 2 : i32
      %add3A_129 = arith.addi %add3A_87, %add3A_128 : i32
      %add3A_130 = arith.addi %multiple_of3A, %add3A_129 : i32
      "tpu.region"() ({
        %run_scoped3A = tpu.sem_alloc : memref<!tpu.dma_semaphore, #tpu.memory_space<semaphore_mem>>
        %dma_start3A_135 = arith.constant 0 : i32
        %dma_start3A_136 = tpu.memref_slice %arg3[%add3A_130, %dma_start3A_135] : memref<2560x128xi32, #tpu.memory_space<hbm>> -> memref<1x128xi32, #tpu.memory_space<hbm>>
        %dma_start3A_137 = tpu.memref_squeeze %dma_start3A_136 : memref<1x128xi32, #tpu.memory_space<hbm>> -> memref<128xi32, #tpu.memory_space<hbm>>
        %dma_start3A_138 = arith.constant 0 : i32
        %dma_start3A_139 = tpu.memref_slice %arg3[%add3A_130, %dma_start3A_138] : memref<2560x128xi32, #tpu.memory_space<hbm>> -> memref<1x128xi32, #tpu.memory_space<hbm>>
        %dma_start3A_140 = tpu.memref_squeeze %dma_start3A_139 : memref<1x128xi32, #tpu.memory_space<hbm>> -> memref<128xi32, #tpu.memory_space<hbm>>
        tpu.enqueue_dma source(%dma_start3A_140 : memref<128xi32, #tpu.memory_space<hbm>>) target(%arg8 : memref<128xi32, #tpu.memory_space<vmem>>) target_semaphore(%run_scoped3A : memref<!tpu.dma_semaphore, #tpu.memory_space<semaphore_mem>>)
        %dma_wait3A_141 = arith.constant 0 : i32
        %dma_wait3A_142 = tpu.memref_slice %arg3[%add3A_130, %dma_wait3A_141] : memref<2560x128xi32, #tpu.memory_space<hbm>> -> memref<1x128xi32, #tpu.memory_space<hbm>>
        %dma_wait3A_143 = tpu.memref_squeeze %dma_wait3A_142 : memref<1x128xi32, #tpu.memory_space<hbm>> -> memref<128xi32, #tpu.memory_space<hbm>>
        %dma_wait3A_144 = arith.constant 0 : i32
        %dma_wait3A_145 = tpu.memref_slice %arg3[%add3A_130, %dma_wait3A_144] : memref<2560x128xi32, #tpu.memory_space<hbm>> -> memref<1x128xi32, #tpu.memory_space<hbm>>
        %dma_wait3A_146 = tpu.memref_squeeze %dma_wait3A_145 : memref<1x128xi32, #tpu.memory_space<hbm>> -> memref<128xi32, #tpu.memory_space<hbm>>
        tpu.wait_dma2 semaphore(%run_scoped3A : memref<!tpu.dma_semaphore, #tpu.memory_space<semaphore_mem>>) src(%dma_wait3A_146 : memref<128xi32, #tpu.memory_space<hbm>>) dst(%arg8 : memref<128xi32, #tpu.memory_space<vmem>>)
        tpu.yield
      }) : () -> ()
      %dma_start3A_131 = arith.constant 0 : i32
      %dma_start3A_132 = arith.constant 0 : i32
      %dma_start3A_133 = tpu.memref_slice %arg2[%dma_start3A_131, %dma_start3A_132] : memref<10240x128xf32, #tpu.memory_space<hbm>> -> memref<10240x128xf32, #tpu.memory_space<hbm>>
      tpu.enqueue_indirect_dma source(%dma_start3A_133 : memref<10240x128xf32, #tpu.memory_space<hbm>>) target(%arg10 : memref<128x128xf32, #tpu.memory_space<vmem>>) offsets(%arg8 : memref<128xi32, #tpu.memory_space<vmem>>) semaphore(%arg12 : memref<!tpu.dma_semaphore, #tpu.memory_space<semaphore_mem>>)
      %scan3A_134 = arith.constant 0 : i32
      scf.yield %scan3A_134 : i32
    }
    %scan3A_46 = arith.constant 39 : i32
    %dma_wait3A_47 = arith.constant 0 : i32
    %dma_wait3A_48 = arith.constant 0 : i32
    %dma_wait3A_49 = tpu.memref_slice %arg2[%dma_wait3A_47, %dma_wait3A_48] : memref<10240x128xf32, #tpu.memory_space<hbm>> -> memref<10240x128xf32, #tpu.memory_space<hbm>>
    tpu.wait_indirect_dma semaphore(%arg12 : memref<!tpu.dma_semaphore, #tpu.memory_space<semaphore_mem>>) src(%dma_wait3A_49 : memref<10240x128xf32, #tpu.memory_space<hbm>>) dst(%arg10 : memref<128x128xf32, #tpu.memory_space<vmem>>)
    %dma_start3A_50 = arith.constant 79 : i32
    %dma_start3A_51 = arith.constant 0 : i32
    %dma_start3A_52 = tpu.memref_slice %arg6[%dma_start3A_50, %dma_start3A_51] : memref<80x128xi32, #tpu.memory_space<vmem>> -> memref<1x128xi32, #tpu.memory_space<vmem>>
    %dma_start3A_53 = tpu.memref_squeeze %dma_start3A_52 : memref<1x128xi32, #tpu.memory_space<vmem>> -> memref<128xi32, #tpu.memory_space<vmem>>
    %dma_start3A_54 = arith.constant 0 : i32
    %dma_start3A_55 = arith.constant 0 : i32
    %dma_start3A_56 = tpu.memref_slice %arg11[%dma_start3A_54, %dma_start3A_55] : memref<10240x128xf32, #tpu.memory_space<vmem_shared>> -> memref<10240x128xf32, #tpu.memory_space<vmem_shared>>
    tpu.enqueue_indirect_dma source(%arg10 : memref<128x128xf32, #tpu.memory_space<vmem>>) target(%dma_start3A_56 : memref<10240x128xf32, #tpu.memory_space<vmem_shared>>) offsets(%dma_start3A_53 : memref<128xi32, #tpu.memory_space<vmem>>) semaphore(%arg13 : memref<!tpu.dma_semaphore, #tpu.memory_space<semaphore_mem>>) {add = true}
    %dma_wait3A_57 = arith.constant 0 : i32
    %dma_wait3A_58 = arith.constant 0 : i32
    %dma_wait3A_59 = tpu.memref_slice %arg6[%dma_wait3A_57, %dma_wait3A_58] : memref<80x128xi32, #tpu.memory_space<vmem>> -> memref<1x128xi32, #tpu.memory_space<vmem>>
    %dma_wait3A_60 = tpu.memref_squeeze %dma_wait3A_59 : memref<1x128xi32, #tpu.memory_space<vmem>> -> memref<128xi32, #tpu.memory_space<vmem>>
    %dma_wait3A_61 = arith.constant 0 : i32
    %dma_wait3A_62 = arith.constant 0 : i32
    %dma_wait3A_63 = tpu.memref_slice %arg11[%dma_wait3A_61, %dma_wait3A_62] : memref<10240x128xf32, #tpu.memory_space<vmem_shared>> -> memref<10240x128xf32, #tpu.memory_space<vmem_shared>>
    tpu.wait_indirect_dma semaphore(%arg13 : memref<!tpu.dma_semaphore, #tpu.memory_space<semaphore_mem>>) src(%arg9 : memref<128x128xf32, #tpu.memory_space<vmem>>) dst(%dma_wait3A_63 : memref<10240x128xf32, #tpu.memory_space<vmem_shared>>)
    %dma_wait3A_64 = arith.constant 0 : i32
    %dma_wait3A_65 = arith.constant 0 : i32
    %dma_wait3A_66 = tpu.memref_slice %arg6[%dma_wait3A_64, %dma_wait3A_65] : memref<80x128xi32, #tpu.memory_space<vmem>> -> memref<1x128xi32, #tpu.memory_space<vmem>>
    %dma_wait3A_67 = tpu.memref_squeeze %dma_wait3A_66 : memref<1x128xi32, #tpu.memory_space<vmem>> -> memref<128xi32, #tpu.memory_space<vmem>>
    %dma_wait3A_68 = arith.constant 0 : i32
    %dma_wait3A_69 = arith.constant 0 : i32
    %dma_wait3A_70 = tpu.memref_slice %arg11[%dma_wait3A_68, %dma_wait3A_69] : memref<10240x128xf32, #tpu.memory_space<vmem_shared>> -> memref<10240x128xf32, #tpu.memory_space<vmem_shared>>
    tpu.wait_indirect_dma semaphore(%arg13 : memref<!tpu.dma_semaphore, #tpu.memory_space<semaphore_mem>>) src(%arg10 : memref<128x128xf32, #tpu.memory_space<vmem>>) dst(%dma_wait3A_70 : memref<10240x128xf32, #tpu.memory_space<vmem_shared>>)
    %barrier3A_71 = arith.constant 0 : index
    tpu.barrier barrier_id(%barrier3A_71)
    %add3A_72 = arith.constant 0 : i32
    %add3A_73 = arith.addi %multiple_of3A_11, %add3A_72 : i32
    "tpu.region"() ({
      %run_scoped3A = tpu.sem_alloc : memref<!tpu.dma_semaphore, #tpu.memory_space<semaphore_mem>>
      %dma_start3A_82 = arith.constant 0 : i32
      %dma_start3A_83 = tpu.memref_slice %arg5[%arg0, %add3A_73, %dma_start3A_82] : memref<2x10240x128xf32, #tpu.memory_space<hbm>> -> memref<1x128x128xf32, #tpu.memory_space<hbm>>
      %dma_start3A_84 = tpu.memref_squeeze %dma_start3A_83 : memref<1x128x128xf32, #tpu.memory_space<hbm>> -> memref<128x128xf32, #tpu.memory_space<hbm>>
      %dma_start3A_85 = arith.constant 0 : i32
      %dma_start3A_86 = tpu.memref_slice %arg11[%add3A_73, %dma_start3A_85] : memref<10240x128xf32, #tpu.memory_space<vmem_shared>> -> memref<128x128xf32, #tpu.memory_space<vmem_shared>>
      tpu.enqueue_dma source(%dma_start3A_86 : memref<128x128xf32, #tpu.memory_space<vmem_shared>>) target(%dma_start3A_84 : memref<128x128xf32, #tpu.memory_space<hbm>>) target_semaphore(%run_scoped3A : memref<!tpu.dma_semaphore, #tpu.memory_space<semaphore_mem>>)
      %dma_wait3A_87 = arith.constant 0 : i32
      %dma_wait3A_88 = tpu.memref_slice %arg5[%arg0, %add3A_73, %dma_wait3A_87] : memref<2x10240x128xf32, #tpu.memory_space<hbm>> -> memref<1x128x128xf32, #tpu.memory_space<hbm>>
      %dma_wait3A_89 = tpu.memref_squeeze %dma_wait3A_88 : memref<1x128x128xf32, #tpu.memory_space<hbm>> -> memref<128x128xf32, #tpu.memory_space<hbm>>
      %dma_wait3A_90 = arith.constant 0 : i32
      %dma_wait3A_91 = tpu.memref_slice %arg11[%add3A_73, %dma_wait3A_90] : memref<10240x128xf32, #tpu.memory_space<vmem_shared>> -> memref<128x128xf32, #tpu.memory_space<vmem_shared>>
      tpu.wait_dma2 semaphore(%run_scoped3A : memref<!tpu.dma_semaphore, #tpu.memory_space<semaphore_mem>>) src(%dma_wait3A_91 : memref<128x128xf32, #tpu.memory_space<vmem_shared>>) dst(%dma_wait3A_89 : memref<128x128xf32, #tpu.memory_space<hbm>>)
      tpu.yield
    }) : () -> ()
    %add3A_74 = arith.constant 128 : i32
    %add3A_75 = arith.addi %multiple_of3A_11, %add3A_74 : i32
    "tpu.region"() ({
      %run_scoped3A = tpu.sem_alloc : memref<!tpu.dma_semaphore, #tpu.memory_space<semaphore_mem>>
      %dma_start3A_82 = arith.constant 0 : i32
      %dma_start3A_83 = tpu.memref_slice %arg5[%arg0, %add3A_75, %dma_start3A_82] : memref<2x10240x128xf32, #tpu.memory_space<hbm>> -> memref<1x128x128xf32, #tpu.memory_space<hbm>>
      %dma_start3A_84 = tpu.memref_squeeze %dma_start3A_83 : memref<1x128x128xf32, #tpu.memory_space<hbm>> -> memref<128x128xf32, #tpu.memory_space<hbm>>
      %dma_start3A_85 = arith.constant 0 : i32
      %dma_start3A_86 = tpu.memref_slice %arg11[%add3A_75, %dma_start3A_85] : memref<10240x128xf32, #tpu.memory_space<vmem_shared>> -> memref<128x128xf32, #tpu.memory_space<vmem_shared>>
      tpu.enqueue_dma source(%dma_start3A_86 : memref<128x128xf32, #tpu.memory_space<vmem_shared>>) target(%dma_start3A_84 : memref<128x128xf32, #tpu.memory_space<hbm>>) target_semaphore(%run_scoped3A : memref<!tpu.dma_semaphore, #tpu.memory_space<semaphore_mem>>)
      %dma_wait3A_87 = arith.constant 0 : i32
      %dma_wait3A_88 = tpu.memref_slice %arg5[%arg0, %add3A_75, %dma_wait3A_87] : memref<2x10240x128xf32, #tpu.memory_space<hbm>> -> memref<1x128x128xf32, #tpu.memory_space<hbm>>
      %dma_wait3A_89 = tpu.memref_squeeze %dma_wait3A_88 : memref<1x128x128xf32, #tpu.memory_space<hbm>> -> memref<128x128xf32, #tpu.memory_space<hbm>>
      %dma_wait3A_90 = arith.constant 0 : i32
      %dma_wait3A_91 = tpu.memref_slice %arg11[%add3A_75, %dma_wait3A_90] : memref<10240x128xf32, #tpu.memory_space<vmem_shared>> -> memref<128x128xf32, #tpu.memory_space<vmem_shared>>
      tpu.wait_dma2 semaphore(%run_scoped3A : memref<!tpu.dma_semaphore, #tpu.memory_space<semaphore_mem>>) src(%dma_wait3A_91 : memref<128x128xf32, #tpu.memory_space<vmem_shared>>) dst(%dma_wait3A_89 : memref<128x128xf32, #tpu.memory_space<hbm>>)
      tpu.yield
    }) : () -> ()
    %add3A_76 = arith.constant 256 : i32
    %add3A_77 = arith.addi %multiple_of3A_11, %add3A_76 : i32
    "tpu.region"() ({
      %run_scoped3A = tpu.sem_alloc : memref<!tpu.dma_semaphore, #tpu.memory_space<semaphore_mem>>
      %dma_start3A_82 = arith.constant 0 : i32
      %dma_start3A_83 = tpu.memref_slice %arg5[%arg0, %add3A_77, %dma_start3A_82] : memref<2x10240x128xf32, #tpu.memory_space<hbm>> -> memref<1x128x128xf32, #tpu.memory_space<hbm>>
      %dma_start3A_84 = tpu.memref_squeeze %dma_start3A_83 : memref<1x128x128xf32, #tpu.memory_space<hbm>> -> memref<128x128xf32, #tpu.memory_space<hbm>>
      %dma_start3A_85 = arith.constant 0 : i32
      %dma_start3A_86 = tpu.memref_slice %arg11[%add3A_77, %dma_start3A_85] : memref<10240x128xf32, #tpu.memory_space<vmem_shared>> -> memref<128x128xf32, #tpu.memory_space<vmem_shared>>
      tpu.enqueue_dma source(%dma_start3A_86 : memref<128x128xf32, #tpu.memory_space<vmem_shared>>) target(%dma_start3A_84 : memref<128x128xf32, #tpu.memory_space<hbm>>) target_semaphore(%run_scoped3A : memref<!tpu.dma_semaphore, #tpu.memory_space<semaphore_mem>>)
      %dma_wait3A_87 = arith.constant 0 : i32
      %dma_wait3A_88 = tpu.memref_slice %arg5[%arg0, %add3A_77, %dma_wait3A_87] : memref<2x10240x128xf32, #tpu.memory_space<hbm>> -> memref<1x128x128xf32, #tpu.memory_space<hbm>>
      %dma_wait3A_89 = tpu.memref_squeeze %dma_wait3A_88 : memref<1x128x128xf32, #tpu.memory_space<hbm>> -> memref<128x128xf32, #tpu.memory_space<hbm>>
      %dma_wait3A_90 = arith.constant 0 : i32
      %dma_wait3A_91 = tpu.memref_slice %arg11[%add3A_77, %dma_wait3A_90] : memref<10240x128xf32, #tpu.memory_space<vmem_shared>> -> memref<128x128xf32, #tpu.memory_space<vmem_shared>>
      tpu.wait_dma2 semaphore(%run_scoped3A : memref<!tpu.dma_semaphore, #tpu.memory_space<semaphore_mem>>) src(%dma_wait3A_91 : memref<128x128xf32, #tpu.memory_space<vmem_shared>>) dst(%dma_wait3A_89 : memref<128x128xf32, #tpu.memory_space<hbm>>)
      tpu.yield
    }) : () -> ()
    %add3A_78 = arith.constant 384 : i32
    %add3A_79 = arith.addi %multiple_of3A_11, %add3A_78 : i32
    "tpu.region"() ({
      %run_scoped3A = tpu.sem_alloc : memref<!tpu.dma_semaphore, #tpu.memory_space<semaphore_mem>>
      %dma_start3A_82 = arith.constant 0 : i32
      %dma_start3A_83 = tpu.memref_slice %arg5[%arg0, %add3A_79, %dma_start3A_82] : memref<2x10240x128xf32, #tpu.memory_space<hbm>> -> memref<1x128x128xf32, #tpu.memory_space<hbm>>
      %dma_start3A_84 = tpu.memref_squeeze %dma_start3A_83 : memref<1x128x128xf32, #tpu.memory_space<hbm>> -> memref<128x128xf32, #tpu.memory_space<hbm>>
      %dma_start3A_85 = arith.constant 0 : i32
      %dma_start3A_86 = tpu.memref_slice %arg11[%add3A_79, %dma_start3A_85] : memref<10240x128xf32, #tpu.memory_space<vmem_shared>> -> memref<128x128xf32, #tpu.memory_space<vmem_shared>>
      tpu.enqueue_dma source(%dma_start3A_86 : memref<128x128xf32, #tpu.memory_space<vmem_shared>>) target(%dma_start3A_84 : memref<128x128xf32, #tpu.memory_space<hbm>>) target_semaphore(%run_scoped3A : memref<!tpu.dma_semaphore, #tpu.memory_space<semaphore_mem>>)
      %dma_wait3A_87 = arith.constant 0 : i32
      %dma_wait3A_88 = tpu.memref_slice %arg5[%arg0, %add3A_79, %dma_wait3A_87] : memref<2x10240x128xf32, #tpu.memory_space<hbm>> -> memref<1x128x128xf32, #tpu.memory_space<hbm>>
      %dma_wait3A_89 = tpu.memref_squeeze %dma_wait3A_88 : memref<1x128x128xf32, #tpu.memory_space<hbm>> -> memref<128x128xf32, #tpu.memory_space<hbm>>
      %dma_wait3A_90 = arith.constant 0 : i32
      %dma_wait3A_91 = tpu.memref_slice %arg11[%add3A_79, %dma_wait3A_90] : memref<10240x128xf32, #tpu.memory_space<vmem_shared>> -> memref<128x128xf32, #tpu.memory_space<vmem_shared>>
      tpu.wait_dma2 semaphore(%run_scoped3A : memref<!tpu.dma_semaphore, #tpu.memory_space<semaphore_mem>>) src(%dma_wait3A_91 : memref<128x128xf32, #tpu.memory_space<vmem_shared>>) dst(%dma_wait3A_89 : memref<128x128xf32, #tpu.memory_space<hbm>>)
      tpu.yield
    }) : () -> ()
    %add3A_80 = arith.constant 512 : i32
    %add3A_81 = arith.addi %multiple_of3A_11, %add3A_80 : i32
    "tpu.region"() ({
      %run_scoped3A = tpu.sem_alloc : memref<!tpu.dma_semaphore, #tpu.memory_space<semaphore_mem>>
      %dma_start3A_82 = arith.constant 0 : i32
      %dma_start3A_83 = tpu.memref_slice %arg5[%arg0, %add3A_81, %dma_start3A_82] : memref<2x10240x128xf32, #tpu.memory_space<hbm>> -> memref<1x128x128xf32, #tpu.memory_space<hbm>>
      %dma_start3A_84 = tpu.memref_squeeze %dma_start3A_83 : memref<1x128x128xf32, #tpu.memory_space<hbm>> -> memref<128x128xf32, #tpu.memory_space<hbm>>
      %dma_start3A_85 = arith.constant 0 : i32
      %dma_start3A_86 = tpu.memref_slice %arg11[%add3A_81, %dma_start3A_85] : memref<10240x128xf32, #tpu.memory_space<vmem_shared>> -> memref<128x128xf32, #tpu.memory_space<vmem_shared>>
      tpu.enqueue_dma source(%dma_start3A_86 : memref<128x128xf32, #tpu.memory_space<vmem_shared>>) target(%dma_start3A_84 : memref<128x128xf32, #tpu.memory_space<hbm>>) target_semaphore(%run_scoped3A : memref<!tpu.dma_semaphore, #tpu.memory_space<semaphore_mem>>)
      %dma_wait3A_87 = arith.constant 0 : i32
      %dma_wait3A_88 = tpu.memref_slice %arg5[%arg0, %add3A_81, %dma_wait3A_87] : memref<2x10240x128xf32, #tpu.memory_space<hbm>> -> memref<1x128x128xf32, #tpu.memory_space<hbm>>
      %dma_wait3A_89 = tpu.memref_squeeze %dma_wait3A_88 : memref<1x128x128xf32, #tpu.memory_space<hbm>> -> memref<128x128xf32, #tpu.memory_space<hbm>>
      %dma_wait3A_90 = arith.constant 0 : i32
      %dma_wait3A_91 = tpu.memref_slice %arg11[%add3A_81, %dma_wait3A_90] : memref<10240x128xf32, #tpu.memory_space<vmem_shared>> -> memref<128x128xf32, #tpu.memory_space<vmem_shared>>
      tpu.wait_dma2 semaphore(%run_scoped3A : memref<!tpu.dma_semaphore, #tpu.memory_space<semaphore_mem>>) src(%dma_wait3A_91 : memref<128x128xf32, #tpu.memory_space<vmem_shared>>) dst(%dma_wait3A_89 : memref<128x128xf32, #tpu.memory_space<hbm>>)
      tpu.yield
    }) : () -> ()
    return
  }
}

module attributes {stable_mosaic.version = 14 : i64} {
  func.func @_pre_body(%arg0: i32, %arg1: memref<1280x128xf32, #tpu.memory_space<vmem>>, %arg2: memref<128x128xf32, #tpu.memory_space<vmem>>, %arg3: memref<128x128xf32, #tpu.memory_space<vmem>>, %arg4: memref<1280x128xf32, #tpu.memory_space<vmem>>, %arg5: memref<1280x128xf32, #tpu.memory_space<vmem>>) attributes {dimension_semantics = [#tpu.dimension_semantics<arbitrary>], iteration_bounds = array<i64: 8>, scalar_prefetch = 0 : i64, scratch_operands = 0 : i64, tpu.core_type = #tpu.core_type<tc>, window_params = [{transform_indices = @transform_0, window_bounds = array<i64: 1280, 128>}, {pipeline_mode = #tpu.pipeline_mode<synchronous>, transform_indices = @transform_1, window_bounds = array<i64: 128, 128>}, {pipeline_mode = #tpu.pipeline_mode<synchronous>, transform_indices = @transform_2, window_bounds = array<i64: 128, 128>}, {transform_indices = @transform_3, window_bounds = array<i64: 1280, 128>}, {transform_indices = @transform_4, window_bounds = array<i64: 1280, 128>}]} {
    %get3A = arith.constant 0 : index
    %get3A_0 = arith.constant 0 : index
    %get3A_1 = vector.load %arg1[%get3A, %get3A_0] : memref<1280x128xf32, #tpu.memory_space<vmem>>, vector<1280x128xf32>
    %get3A_2 = arith.constant 0 : index
    %get3A_3 = arith.constant 0 : index
    %get3A_4 = vector.load %arg2[%get3A_2, %get3A_3] : memref<128x128xf32, #tpu.memory_space<vmem>>, vector<128x128xf32>
    %dot_general3A = arith.constant dense<0.000000e+00> : vector<1280x128xf32>
    %dot_general3A_5 = tpu.matmul %get3A_1, %get3A_4, %dot_general3A {dimension_numbers = #tpu.dot_dimension_numbers<[1], [0], [0], [1], [0, 0, 1, 1], [], []>, transpose_lhs_hint = false} : vector<1280x128xf32>, vector<128x128xf32>, vector<1280x128xf32> -> vector<1280x128xf32>
    %swap3A = arith.constant 0 : index
    %swap3A_6 = arith.constant 0 : index
    %swap3A_7 = vector.load %arg4[%swap3A, %swap3A_6] : memref<1280x128xf32, #tpu.memory_space<vmem>>, vector<1280x128xf32>
    tpu.vector_store %arg4[%swap3A, %swap3A_6], %dot_general3A_5 {strides = array<i32>} : memref<1280x128xf32, #tpu.memory_space<vmem>>, vector<1280x128xf32>,
    %get3A_8 = arith.constant 0 : index
    %get3A_9 = arith.constant 0 : index
    %get3A_10 = vector.load %arg3[%get3A_8, %get3A_9] : memref<128x128xf32, #tpu.memory_space<vmem>>, vector<128x128xf32>
    %dot_general3A_11 = arith.constant dense<0.000000e+00> : vector<1280x128xf32>
    %dot_general3A_12 = tpu.matmul %get3A_1, %get3A_10, %dot_general3A_11 {dimension_numbers = #tpu.dot_dimension_numbers<[1], [0], [0], [1], [0, 0, 1, 1], [], []>, transpose_lhs_hint = false} : vector<1280x128xf32>, vector<128x128xf32>, vector<1280x128xf32> -> vector<1280x128xf32>
    %swap3A_13 = arith.constant 0 : index
    %swap3A_14 = arith.constant 0 : index
    %swap3A_15 = vector.load %arg5[%swap3A_13, %swap3A_14] : memref<1280x128xf32, #tpu.memory_space<vmem>>, vector<1280x128xf32>
    tpu.vector_store %arg5[%swap3A_13, %swap3A_14], %dot_general3A_12 {strides = array<i32>} : memref<1280x128xf32, #tpu.memory_space<vmem>>, vector<1280x128xf32>,
    return
  }
  func.func @transform_0(%arg0: i32) -> (i32, i32) {
    %c0_i32 = arith.constant 0 : i32
    %c0_i32_0 = arith.constant 0 : i32
    return %arg0, %c0_i32 : i32, i32
  }
  func.func @transform_1(%arg0: i32) -> (i32, i32) {
    %c0_i32 = arith.constant 0 : i32
    %c0_i32_0 = arith.constant 0 : i32
    %c0_i32_1 = arith.constant 0 : i32
    return %c0_i32, %c0_i32_0 : i32, i32
  }
  func.func @transform_2(%arg0: i32) -> (i32, i32) {
    %c0_i32 = arith.constant 0 : i32
    %c0_i32_0 = arith.constant 0 : i32
    %c0_i32_1 = arith.constant 0 : i32
    return %c0_i32, %c0_i32_0 : i32, i32
  }
  func.func @transform_3(%arg0: i32) -> (i32, i32) {
    %c0_i32 = arith.constant 0 : i32
    %c0_i32_0 = arith.constant 0 : i32
    return %arg0, %c0_i32 : i32, i32
  }
  func.func @transform_4(%arg0: i32) -> (i32, i32) {
    %c0_i32 = arith.constant 0 : i32
    %c0_i32_0 = arith.constant 0 : i32
    return %arg0, %c0_i32 : i32, i32
  }
}

module attributes {stable_mosaic.version = 14 : i64} {
  func.func @_comb1_body(%arg0: i32, %arg1: memref<1280x128xf32, #tpu.memory_space<vmem>>, %arg2: memref<1280x128xf32, #tpu.memory_space<vmem>>, %arg3: memref<1280x128xf32, #tpu.memory_space<vmem>>, %arg4: memref<1280x128xf32, #tpu.memory_space<vmem>>, %arg5: memref<1x128xf32, #tpu.memory_space<vmem>>, %arg6: memref<1280x128xf32, #tpu.memory_space<vmem>>, %arg7: memref<128x128xf32, #tpu.memory_space<vmem>>, %arg8: memref<128x128xf32, #tpu.memory_space<vmem>>, %arg9: memref<1280x128xf32, #tpu.memory_space<vmem>>, %arg10: memref<1280x128xf32, #tpu.memory_space<vmem>>, %arg11: memref<1280x128xf32, #tpu.memory_space<vmem>>) attributes {dimension_semantics = [#tpu.dimension_semantics<arbitrary>], iteration_bounds = array<i64: 8>, scalar_prefetch = 0 : i64, scratch_operands = 0 : i64, tpu.core_type = #tpu.core_type<tc>, window_params = [{transform_indices = @transform_0, window_bounds = array<i64: 1280, 128>}, {transform_indices = @transform_1, window_bounds = array<i64: 1280, 128>}, {transform_indices = @transform_2, window_bounds = array<i64: 1280, 128>}, {transform_indices = @transform_3, window_bounds = array<i64: 1280, 128>}, {pipeline_mode = #tpu.pipeline_mode<synchronous>, transform_indices = @transform_4, window_bounds = array<i64: 1, 128>}, {transform_indices = @transform_5, window_bounds = array<i64: 1280, 128>}, {pipeline_mode = #tpu.pipeline_mode<synchronous>, transform_indices = @transform_6, window_bounds = array<i64: 128, 128>}, {pipeline_mode = #tpu.pipeline_mode<synchronous>, transform_indices = @transform_7, window_bounds = array<i64: 128, 128>}, {transform_indices = @transform_8, window_bounds = array<i64: 1280, 128>}, {transform_indices = @transform_9, window_bounds = array<i64: 1280, 128>}, {transform_indices = @transform_10, window_bounds = array<i64: 1280, 128>}]} {
    %get3A = arith.constant 0 : index
    %get3A_0 = arith.constant 0 : index
    %get3A_1 = vector.load %arg3[%get3A, %get3A_0] : memref<1280x128xf32, #tpu.memory_space<vmem>>, vector<1280x128xf32>
    %slice3A = vector.extract_strided_slice %get3A_1 {offsets = [0, 0], sizes = [1280, 1], strides = [1, 1]} : vector<1280x128xf32> to vector<1280x1xf32>
    %get3A_2 = arith.constant 0 : index
    %get3A_3 = arith.constant 0 : index
    %get3A_4 = vector.load %arg4[%get3A_2, %get3A_3] : memref<1280x128xf32, #tpu.memory_space<vmem>>, vector<1280x128xf32>
    %slice3A_5 = vector.extract_strided_slice %get3A_4 {offsets = [0, 0], sizes = [1280, 1], strides = [1, 1]} : vector<1280x128xf32> to vector<1280x1xf32>
    %add3A = arith.addf %slice3A, %slice3A_5 : vector<1280x1xf32>
    %max3A = arith.constant 1.000000e+00 : f32
    %max3A_6 = vector.broadcast %max3A : f32 to vector<1280x1xf32>
    %max3A_7 = arith.maximumf %add3A, %max3A_6 : vector<1280x1xf32>
    %div3A = arith.constant 1.000000e+00 : f32
    %div3A_8 = vector.broadcast %div3A : f32 to vector<1280x1xf32>
    %div3A_9 = arith.divf %div3A_8, %max3A_7 : vector<1280x1xf32>
    %get3A_10 = arith.constant 0 : index
    %get3A_11 = arith.constant 0 : index
    %get3A_12 = vector.load %arg1[%get3A_10, %get3A_11] : memref<1280x128xf32, #tpu.memory_space<vmem>>, vector<1280x128xf32>
    %get3A_13 = arith.constant 0 : index
    %get3A_14 = arith.constant 0 : index
    %get3A_15 = vector.load %arg2[%get3A_13, %get3A_14] : memref<1280x128xf32, #tpu.memory_space<vmem>>, vector<1280x128xf32>
    %add3A_16 = arith.addf %get3A_12, %get3A_15 : vector<1280x128xf32>
    %mul3A = vector.broadcast %div3A_9 : vector<1280x1xf32> to vector<1280x128xf32>
    %mul3A_17 = arith.mulf %add3A_16, %mul3A : vector<1280x128xf32>
    %get3A_18 = arith.constant 0 : index
    %get3A_19 = arith.constant 0 : index
    %get3A_20 = vector.load %arg5[%get3A_18, %get3A_19] : memref<1x128xf32, #tpu.memory_space<vmem>>, vector<1x128xf32>
    %add3A_21 = vector.broadcast %get3A_20 : vector<1x128xf32> to vector<1280x128xf32>
    %add3A_22 = arith.addf %mul3A_17, %add3A_21 : vector<1280x128xf32>
    %get3A_23 = arith.constant 0 : index
    %get3A_24 = arith.constant 0 : index
    %get3A_25 = vector.load %arg6[%get3A_23, %get3A_24] : memref<1280x128xf32, #tpu.memory_space<vmem>>, vector<1280x128xf32>
    %add3A_26 = arith.addf %add3A_22, %get3A_25 : vector<1280x128xf32>
    %max3A_27 = arith.constant 0.000000e+00 : f32
    %max3A_28 = vector.broadcast %max3A_27 : f32 to vector<1280x128xf32>
    %max3A_29 = arith.maximumf %add3A_26, %max3A_28 : vector<1280x128xf32>
    %get3A_30 = arith.constant 0 : index
    %get3A_31 = arith.constant 0 : index
    %get3A_32 = vector.load %arg7[%get3A_30, %get3A_31] : memref<128x128xf32, #tpu.memory_space<vmem>>, vector<128x128xf32>
    %dot_general3A = arith.constant dense<0.000000e+00> : vector<1280x128xf32>
    %dot_general3A_33 = tpu.matmul %max3A_29, %get3A_32, %dot_general3A {dimension_numbers = #tpu.dot_dimension_numbers<[1], [0], [0], [1], [0, 0, 1, 1], [], []>, transpose_lhs_hint = false} : vector<1280x128xf32>, vector<128x128xf32>, vector<1280x128xf32> -> vector<1280x128xf32>
    %swap3A = arith.constant 0 : index
    %swap3A_34 = arith.constant 0 : index
    %swap3A_35 = vector.load %arg9[%swap3A, %swap3A_34] : memref<1280x128xf32, #tpu.memory_space<vmem>>, vector<1280x128xf32>
    tpu.vector_store %arg9[%swap3A, %swap3A_34], %dot_general3A_33 {strides = array<i32>} : memref<1280x128xf32, #tpu.memory_space<vmem>>, vector<1280x128xf32>,
    %get3A_36 = arith.constant 0 : index
    %get3A_37 = arith.constant 0 : index
    %get3A_38 = vector.load %arg8[%get3A_36, %get3A_37] : memref<128x128xf32, #tpu.memory_space<vmem>>, vector<128x128xf32>
    %dot_general3A_39 = arith.constant dense<0.000000e+00> : vector<1280x128xf32>
    %dot_general3A_40 = tpu.matmul %max3A_29, %get3A_38, %dot_general3A_39 {dimension_numbers = #tpu.dot_dimension_numbers<[1], [0], [0], [1], [0, 0, 1, 1], [], []>, transpose_lhs_hint = false} : vector<1280x128xf32>, vector<128x128xf32>, vector<1280x128xf32> -> vector<1280x128xf32>
    %swap3A_41 = arith.constant 0 : index
    %swap3A_42 = arith.constant 0 : index
    %swap3A_43 = vector.load %arg10[%swap3A_41, %swap3A_42] : memref<1280x128xf32, #tpu.memory_space<vmem>>, vector<1280x128xf32>
    tpu.vector_store %arg10[%swap3A_41, %swap3A_42], %dot_general3A_40 {strides = array<i32>} : memref<1280x128xf32, #tpu.memory_space<vmem>>, vector<1280x128xf32>,
    %broadcast_in_dim3A = vector.shape_cast %div3A_9 : vector<1280x1xf32> to vector<1280x1xf32>
    %broadcast_in_dim3A_44 = vector.broadcast %broadcast_in_dim3A : vector<1280x1xf32> to vector<1280x128xf32>
    %swap3A_45 = arith.constant 0 : index
    %swap3A_46 = arith.constant 0 : index
    %swap3A_47 = vector.load %arg11[%swap3A_45, %swap3A_46] : memref<1280x128xf32, #tpu.memory_space<vmem>>, vector<1280x128xf32>
    tpu.vector_store %arg11[%swap3A_45, %swap3A_46], %broadcast_in_dim3A_44 {strides = array<i32>} : memref<1280x128xf32, #tpu.memory_space<vmem>>, vector<1280x128xf32>,
    return
  }
  func.func @transform_0(%arg0: i32) -> (i32, i32) {
    %c0_i32 = arith.constant 0 : i32
    %c0_i32_0 = arith.constant 0 : i32
    return %arg0, %c0_i32 : i32, i32
  }
  func.func @transform_1(%arg0: i32) -> (i32, i32) {
    %c0_i32 = arith.constant 0 : i32
    %c0_i32_0 = arith.constant 0 : i32
    return %arg0, %c0_i32 : i32, i32
  }
  func.func @transform_2(%arg0: i32) -> (i32, i32) {
    %c0_i32 = arith.constant 0 : i32
    %c0_i32_0 = arith.constant 0 : i32
    return %arg0, %c0_i32 : i32, i32
  }
  func.func @transform_3(%arg0: i32) -> (i32, i32) {
    %c0_i32 = arith.constant 0 : i32
    %c0_i32_0 = arith.constant 0 : i32
    return %arg0, %c0_i32 : i32, i32
  }
  func.func @transform_4(%arg0: i32) -> (i32, i32) {
    %c0_i32 = arith.constant 0 : i32
    %c0_i32_0 = arith.constant 0 : i32
    %c0_i32_1 = arith.constant 0 : i32
    return %c0_i32, %c0_i32_0 : i32, i32
  }
  func.func @transform_5(%arg0: i32) -> (i32, i32) {
    %c0_i32 = arith.constant 0 : i32
    %c0_i32_0 = arith.constant 0 : i32
    return %arg0, %c0_i32 : i32, i32
  }
  func.func @transform_6(%arg0: i32) -> (i32, i32) {
    %c0_i32 = arith.constant 0 : i32
    %c0_i32_0 = arith.constant 0 : i32
    %c0_i32_1 = arith.constant 0 : i32
    return %c0_i32, %c0_i32_0 : i32, i32
  }
  func.func @transform_7(%arg0: i32) -> (i32, i32) {
    %c0_i32 = arith.constant 0 : i32
    %c0_i32_0 = arith.constant 0 : i32
    %c0_i32_1 = arith.constant 0 : i32
    return %c0_i32, %c0_i32_0 : i32, i32
  }
  func.func @transform_8(%arg0: i32) -> (i32, i32) {
    %c0_i32 = arith.constant 0 : i32
    %c0_i32_0 = arith.constant 0 : i32
    return %arg0, %c0_i32 : i32, i32
  }
  func.func @transform_9(%arg0: i32) -> (i32, i32) {
    %c0_i32 = arith.constant 0 : i32
    %c0_i32_0 = arith.constant 0 : i32
    return %arg0, %c0_i32 : i32, i32
  }
  func.func @transform_10(%arg0: i32) -> (i32, i32) {
    %c0_i32 = arith.constant 0 : i32
    %c0_i32_0 = arith.constant 0 : i32
    return %arg0, %c0_i32 : i32, i32
  }
}

module attributes {stable_mosaic.version = 14 : i64} {
  func.func @_comb2_body(%arg0: i32, %arg1: memref<1280x128xf32, #tpu.memory_space<vmem>>, %arg2: memref<1280x128xf32, #tpu.memory_space<vmem>>, %arg3: memref<1280x128xf32, #tpu.memory_space<vmem>>, %arg4: memref<1x128xf32, #tpu.memory_space<vmem>>, %arg5: memref<1280x128xf32, #tpu.memory_space<vmem>>, %arg6: memref<1280x128xf32, #tpu.memory_space<vmem>>) attributes {dimension_semantics = [#tpu.dimension_semantics<arbitrary>], iteration_bounds = array<i64: 8>, scalar_prefetch = 0 : i64, scratch_operands = 0 : i64, tpu.core_type = #tpu.core_type<tc>, window_params = [{transform_indices = @transform_0, window_bounds = array<i64: 1280, 128>}, {transform_indices = @transform_1, window_bounds = array<i64: 1280, 128>}, {transform_indices = @transform_2, window_bounds = array<i64: 1280, 128>}, {pipeline_mode = #tpu.pipeline_mode<synchronous>, transform_indices = @transform_3, window_bounds = array<i64: 1, 128>}, {transform_indices = @transform_4, window_bounds = array<i64: 1280, 128>}, {transform_indices = @transform_5, window_bounds = array<i64: 1280, 128>}]} {
    %get3A = arith.constant 0 : index
    %get3A_0 = arith.constant 0 : index
    %get3A_1 = vector.load %arg1[%get3A, %get3A_0] : memref<1280x128xf32, #tpu.memory_space<vmem>>, vector<1280x128xf32>
    %get3A_2 = arith.constant 0 : index
    %get3A_3 = arith.constant 0 : index
    %get3A_4 = vector.load %arg2[%get3A_2, %get3A_3] : memref<1280x128xf32, #tpu.memory_space<vmem>>, vector<1280x128xf32>
    %add3A = arith.addf %get3A_1, %get3A_4 : vector<1280x128xf32>
    %get3A_5 = arith.constant 0 : index
    %get3A_6 = arith.constant 0 : index
    %get3A_7 = vector.load %arg3[%get3A_5, %get3A_6] : memref<1280x128xf32, #tpu.memory_space<vmem>>, vector<1280x128xf32>
    %mul3A = arith.mulf %add3A, %get3A_7 : vector<1280x128xf32>
    %get3A_8 = arith.constant 0 : index
    %get3A_9 = arith.constant 0 : index
    %get3A_10 = vector.load %arg4[%get3A_8, %get3A_9] : memref<1x128xf32, #tpu.memory_space<vmem>>, vector<1x128xf32>
    %add3A_11 = vector.broadcast %get3A_10 : vector<1x128xf32> to vector<1280x128xf32>
    %add3A_12 = arith.addf %mul3A, %add3A_11 : vector<1280x128xf32>
    %get3A_13 = arith.constant 0 : index
    %get3A_14 = arith.constant 0 : index
    %get3A_15 = vector.load %arg5[%get3A_13, %get3A_14] : memref<1280x128xf32, #tpu.memory_space<vmem>>, vector<1280x128xf32>
    %add3A_16 = arith.addf %add3A_12, %get3A_15 : vector<1280x128xf32>
    %max3A = arith.constant 0.000000e+00 : f32
    %max3A_17 = vector.broadcast %max3A : f32 to vector<1280x128xf32>
    %max3A_18 = arith.maximumf %add3A_16, %max3A_17 : vector<1280x128xf32>
    %swap3A = arith.constant 0 : index
    %swap3A_19 = arith.constant 0 : index
    %swap3A_20 = vector.load %arg6[%swap3A, %swap3A_19] : memref<1280x128xf32, #tpu.memory_space<vmem>>, vector<1280x128xf32>
    tpu.vector_store %arg6[%swap3A, %swap3A_19], %max3A_18 {strides = array<i32>} : memref<1280x128xf32, #tpu.memory_space<vmem>>, vector<1280x128xf32>,
    return
  }
  func.func @transform_0(%arg0: i32) -> (i32, i32) {
    %c0_i32 = arith.constant 0 : i32
    %c0_i32_0 = arith.constant 0 : i32
    return %arg0, %c0_i32 : i32, i32
  }
  func.func @transform_1(%arg0: i32) -> (i32, i32) {
    %c0_i32 = arith.constant 0 : i32
    %c0_i32_0 = arith.constant 0 : i32
    return %arg0, %c0_i32 : i32, i32
  }
  func.func @transform_2(%arg0: i32) -> (i32, i32) {
    %c0_i32 = arith.constant 0 : i32
    %c0_i32_0 = arith.constant 0 : i32
    return %arg0, %c0_i32 : i32, i32
  }
  func.func @transform_3(%arg0: i32) -> (i32, i32) {
    %c0_i32 = arith.constant 0 : i32
    %c0_i32_0 = arith.constant 0 : i32
    %c0_i32_1 = arith.constant 0 : i32
    return %c0_i32, %c0_i32_0 : i32, i32
  }
  func.func @transform_4(%arg0: i32) -> (i32, i32) {
    %c0_i32 = arith.constant 0 : i32
    %c0_i32_0 = arith.constant 0 : i32
    return %arg0, %c0_i32 : i32, i32
  }
  func.func @transform_5(%arg0: i32) -> (i32, i32) {
    %c0_i32 = arith.constant 0 : i32
    %c0_i32_0 = arith.constant 0 : i32
    return %arg0, %c0_i32 : i32, i32
  }
}

module attributes {stable_mosaic.version = 14 : i64} {
  func.func @_comb3_body(%arg0: i32, %arg1: memref<1280x128xf32, #tpu.memory_space<vmem>>, %arg2: memref<1280x128xf32, #tpu.memory_space<vmem>>, %arg3: memref<1280x128xf32, #tpu.memory_space<vmem>>, %arg4: memref<1x64xf32, #tpu.memory_space<vmem>>, %arg5: memref<1280x128xf32, #tpu.memory_space<vmem>>, %arg6: memref<128x64xf32, #tpu.memory_space<vmem>>, %arg7: memref<128x64xf32, #tpu.memory_space<vmem>>, %arg8: memref<1280x64xf32, #tpu.memory_space<vmem>>) attributes {dimension_semantics = [#tpu.dimension_semantics<arbitrary>], iteration_bounds = array<i64: 8>, scalar_prefetch = 0 : i64, scratch_operands = 0 : i64, tpu.core_type = #tpu.core_type<tc>, window_params = [{transform_indices = @transform_0, window_bounds = array<i64: 1280, 128>}, {transform_indices = @transform_1, window_bounds = array<i64: 1280, 128>}, {transform_indices = @transform_2, window_bounds = array<i64: 1280, 128>}, {pipeline_mode = #tpu.pipeline_mode<synchronous>, transform_indices = @transform_3, window_bounds = array<i64: 1, 64>}, {transform_indices = @transform_4, window_bounds = array<i64: 1280, 128>}, {pipeline_mode = #tpu.pipeline_mode<synchronous>, transform_indices = @transform_5, window_bounds = array<i64: 128, 64>}, {pipeline_mode = #tpu.pipeline_mode<synchronous>, transform_indices = @transform_6, window_bounds = array<i64: 128, 64>}, {transform_indices = @transform_7, window_bounds = array<i64: 1280, 64>}]} {
    %get3A = arith.constant 0 : index
    %get3A_0 = arith.constant 0 : index
    %get3A_1 = vector.load %arg1[%get3A, %get3A_0] : memref<1280x128xf32, #tpu.memory_space<vmem>>, vector<1280x128xf32>
    %get3A_2 = arith.constant 0 : index
    %get3A_3 = arith.constant 0 : index
    %get3A_4 = vector.load %arg2[%get3A_2, %get3A_3] : memref<1280x128xf32, #tpu.memory_space<vmem>>, vector<1280x128xf32>
    %add3A = arith.addf %get3A_1, %get3A_4 : vector<1280x128xf32>
    %get3A_5 = arith.constant 0 : index
    %get3A_6 = arith.constant 0 : index
    %get3A_7 = vector.load %arg3[%get3A_5, %get3A_6] : memref<1280x128xf32, #tpu.memory_space<vmem>>, vector<1280x128xf32>
    %mul3A = arith.mulf %add3A, %get3A_7 : vector<1280x128xf32>
    %get3A_8 = arith.constant 0 : index
    %get3A_9 = arith.constant 0 : index
    %get3A_10 = vector.load %arg6[%get3A_8, %get3A_9] : memref<128x64xf32, #tpu.memory_space<vmem>>, vector<128x64xf32>
    %dot_general3A = arith.constant dense<0.000000e+00> : vector<1280x64xf32>
    %dot_general3A_11 = tpu.matmul %mul3A, %get3A_10, %dot_general3A {dimension_numbers = #tpu.dot_dimension_numbers<[1], [0], [0], [1], [0, 0, 1, 1], [], []>, transpose_lhs_hint = false} : vector<1280x128xf32>, vector<128x64xf32>, vector<1280x64xf32> -> vector<1280x64xf32>
    %get3A_12 = arith.constant 0 : index
    %get3A_13 = arith.constant 0 : index
    %get3A_14 = vector.load %arg4[%get3A_12, %get3A_13] : memref<1x64xf32, #tpu.memory_space<vmem>>, vector<1x64xf32>
    %add3A_15 = vector.broadcast %get3A_14 : vector<1x64xf32> to vector<1280x64xf32>
    %add3A_16 = arith.addf %dot_general3A_11, %add3A_15 : vector<1280x64xf32>
    %get3A_17 = arith.constant 0 : index
    %get3A_18 = arith.constant 0 : index
    %get3A_19 = vector.load %arg5[%get3A_17, %get3A_18] : memref<1280x128xf32, #tpu.memory_space<vmem>>, vector<1280x128xf32>
    %get3A_20 = arith.constant 0 : index
    %get3A_21 = arith.constant 0 : index
    %get3A_22 = vector.load %arg7[%get3A_20, %get3A_21] : memref<128x64xf32, #tpu.memory_space<vmem>>, vector<128x64xf32>
    %dot_general3A_23 = arith.constant dense<0.000000e+00> : vector<1280x64xf32>
    %dot_general3A_24 = tpu.matmul %get3A_19, %get3A_22, %dot_general3A_23 {dimension_numbers = #tpu.dot_dimension_numbers<[1], [0], [0], [1], [0, 0, 1, 1], [], []>, transpose_lhs_hint = false} : vector<1280x128xf32>, vector<128x64xf32>, vector<1280x64xf32> -> vector<1280x64xf32>
    %add3A_25 = arith.addf %add3A_16, %dot_general3A_24 : vector<1280x64xf32>
    %max3A = arith.constant 0.000000e+00 : f32
    %max3A_26 = vector.broadcast %max3A : f32 to vector<1280x64xf32>
    %max3A_27 = arith.maximumf %add3A_25, %max3A_26 : vector<1280x64xf32>
    %swap3A = arith.constant 0 : index
    %swap3A_28 = arith.constant 0 : index
    %swap3A_29 = vector.load %arg8[%swap3A, %swap3A_28] : memref<1280x64xf32, #tpu.memory_space<vmem>>, vector<1280x64xf32>
    tpu.vector_store %arg8[%swap3A, %swap3A_28], %max3A_27 {strides = array<i32>} : memref<1280x64xf32, #tpu.memory_space<vmem>>, vector<1280x64xf32>,
    return
  }
  func.func @transform_0(%arg0: i32) -> (i32, i32) {
    %c0_i32 = arith.constant 0 : i32
    %c0_i32_0 = arith.constant 0 : i32
    return %arg0, %c0_i32 : i32, i32
  }
  func.func @transform_1(%arg0: i32) -> (i32, i32) {
    %c0_i32 = arith.constant 0 : i32
    %c0_i32_0 = arith.constant 0 : i32
    return %arg0, %c0_i32 : i32, i32
  }
  func.func @transform_2(%arg0: i32) -> (i32, i32) {
    %c0_i32 = arith.constant 0 : i32
    %c0_i32_0 = arith.constant 0 : i32
    return %arg0, %c0_i32 : i32, i32
  }
  func.func @transform_3(%arg0: i32) -> (i32, i32) {
    %c0_i32 = arith.constant 0 : i32
    %c0_i32_0 = arith.constant 0 : i32
    %c0_i32_1 = arith.constant 0 : i32
    return %c0_i32, %c0_i32_0 : i32, i32
  }
  func.func @transform_4(%arg0: i32) -> (i32, i32) {
    %c0_i32 = arith.constant 0 : i32
    %c0_i32_0 = arith.constant 0 : i32
    return %arg0, %c0_i32 : i32, i32
  }
  func.func @transform_5(%arg0: i32) -> (i32, i32) {
    %c0_i32 = arith.constant 0 : i32
    %c0_i32_0 = arith.constant 0 : i32
    %c0_i32_1 = arith.constant 0 : i32
    return %c0_i32, %c0_i32_0 : i32, i32
  }
  func.func @transform_6(%arg0: i32) -> (i32, i32) {
    %c0_i32 = arith.constant 0 : i32
    %c0_i32_0 = arith.constant 0 : i32
    %c0_i32_1 = arith.constant 0 : i32
    return %c0_i32, %c0_i32_0 : i32, i32
  }
  func.func @transform_7(%arg0: i32) -> (i32, i32) {
    %c0_i32 = arith.constant 0 : i32
    %c0_i32_0 = arith.constant 0 : i32
    return %arg0, %c0_i32 : i32, i32
  }
}

</mosaic_0001>

<sc_bundles>
// kernel: kernel.10.cloned.1.call-start
scs
__scs_entry_jumppad:
0x0: {  	(pc) =	sbr.rel $0x88, $3  }
0x1: {  	(tag) =	ssettag $0x0;
	lr =	simm.s32 $0x1  }
0x2: {  	[smem:$0x3F96] =	sst lr;
	_ =	strace $0xD0000000  }
0x3: {  	_ = 	snop  }
0x4: {  	_ = 	snop  }
0x5: {  	_ = 	snop  }
0x6: {  	_ = 	snop  }
0x7: {  	_ = 	snop  }
__scs_overlays_trampoline_lowered:
0x8: {  	[smem:$0x3FA5] =	sst s0  }
0x9: {  	[smem:$0x3FA6] =	sst s1  }
0xa: {  	[smem:$0x3FA7] =	sst s2  }
0xb: {  	[smem:$0x3FA8] =	sst s3  }
0xc: {  	[smem:$0x3FA9] =	sst s4  }
0xd: {  	[smem:$0x3FAA] =	sst s5  }
0xe: {  	[smem:$0x3FAB] =	sst s6  }
0xf: {  	[smem:$0x3FAC] =	sst s7  }
0x10: {  	[smem:$0x3FAD] =	sst s8  }
0x11: {  	[smem:$0x3FAE] =	sst s9;
	s0 =	simm.s32 @!p0 $0x0  }
0x12: {  	s1 =	sld [smem:$0x3F94];
	s0 =	simm.s32 @p0 $0x1  }
0x13: {  	[smem:$0x3FAF] =	sst s0;
	s0 =	simm.s32 @!p1 $0x0  }
0x14: {  	s2 =	sld [smem:$0x3F93];
	s0 =	simm.s32 @p1 $0x1  }
0x15: {  	[smem:$0x3FB0] =	sst s0;
	s0 =	simm.s32 @!p2 $0x0  }
0x16: {  	s3 =	sld [smem:$0x3FDB];
	s0 =	simm.s32 @p2 $0x1  }
0x17: {  	s4 =	simm.s32 $0x1BF5;
	[smem:$0x3FB2] =	sst s0  }
0x18: {  	s0 =	sld [smem:$0x3F95];
	_ =	swait.ge [sflag:s4], $0x0  }
0x19: {  	s7 =	sld [smem:$0x3F96]  }
0x1a: {  	s8 =	sadd.s32 $0xFFFFE003, lr  }
0x1b: {  	s9 =	sadd.s32 $0xFFFFFEF7, lr;
	s5 =	simm.s32 $0xFFFFFFFF;
	p2 =	slt.u32 s8, $0xFFFFF086  }
0x1c: {  	p1 =	slt.u32 s9, $0xF7A;
	s5 =	simm.s32 @!p2 $0x0  }
0x1d: {  	s5 =	simm.s32 @p1 $0x1;
	p0 =	seq.s32 s7, s2  }
0x1e: {  	s7 =	smul.u32 @!p0 $0xF7A, s2;
	p2 =	seq.s32 @!p0 s5, $0x0  }
0x1f: {  	s9 =	smul.u32 $0xF7A, s1;
	s8 =	simm.s32 @!p0 $0x1BF5;
	p2 =	por !p2, p0  }
0x20: {  	[sflag:s8] =	ssyncset.s32 @!p0 $0xFFFFF086;
	s6 =	sadd.s32 @!p0 s3, s7;
	s7 =	simm.s32 @!p0 $0x108  }
0x21: {  	s3 =	sadd.s32 s3, s9;
	s6 =	sadd.s32 @!p0 $0x88, s6;
	s7 =	simm.s32 @p2 $0x1082  }
0x22: {  	[simem:s7], [sflag:s8] =	dma.local @!p0 [hbm:s6], $0xF7A  }
0x23: {  	s9 =	sor.u32 $0xD0000000, s2;
	s6 =	simm.s32 $0x108;
	_ =	swait.ge @!p0 [sflag:s8], $0x0  }
0x24: {  	s3 =	sadd.s32 $0x88, s3;
	s6 =	simm.s32 @!p1 $0x1082;
	[sflag:s4] =	ssyncset.s32 $0xFFFFF086  }
0x25: {  	[simem:s6], [sflag:s4] =	dma.local [hbm:s3], $0xF7A  }
0x26: {  	[smem:$0x3F96] =	sst s1;
	(tag) =	ssettag s2;
	_ =	strace s9  }
0x27: {  	s1 =	sld [smem:$0x3FA6]  }
0x28: {  	s2 =	sld [smem:$0x3FA7]  }
0x29: {  	s4 =	sld [smem:$0x3FA9]  }
0x2a: {  	p0 =	seq.s32 s5, $0x0;
	s5 =	sld [smem:$0x3FAA]  }
0x2b: {  	s6 =	sld [smem:$0x3FAB]  }
0x2c: {  	s7 =	sld [smem:$0x3FAC]  }
0x2d: {  	s3 =	simm.s32 $0x108;
	s8 =	sld [smem:$0x3FAD]  }
0x2e: {  	s3 =	simm.s32 @!p0 $0x1082;
	s9 =	sld [smem:$0x3FAE]  }
0x2f: {  	lr =	sadd.s32 s0, s3;
	s0 =	sld [smem:$0x3FA5]  }
0x30: {  	s3 =	sld [smem:$0x3FA8]  }
0x31: {  	[smem:$0x3FB1] =	sst s10  }
0x32: {  	s10 =	sld [smem:$0x3FAF];
	_ =	sdelay $0x3  }
0x33: {  	p0 =	seq.s32 s10, $0x1;
	s10 =	sld [smem:$0x3FB1];
	_ =	sdelay $0x3  }
0x34: {  	[smem:$0x3FB1] =	sst s10  }
0x35: {  	s10 =	sld [smem:$0x3FB0];
	_ =	sdelay $0x3  }
0x36: {  	p1 =	seq.s32 s10, $0x1;
	s10 =	sld [smem:$0x3FB1];
	_ =	sdelay $0x3  }
0x37: {  	[smem:$0x3FB1] =	sst s10  }
0x38: {  	s10 =	sld [smem:$0x3FB2]  }
0x39: {  	_ = 	snop;
	(pc) =	sbr.ind lr, $3  }
0x3a: {  	_ = 	snop  }
0x3b: {  	_ = 	snop  }
0x3c: {  	p2 =	seq.s32 s10, $0x1;
	s10 =	sld [smem:$0x3FB1]  }
0x3d: {  	_ =	shalt  }
0x3e: {  	_ =	shalt  }
0x3f: {  	_ =	shalt  }
0x40: {  	_ =	shalt  }
0x41: {  	_ =	shalt  }
0x42: {  	_ =	shalt  }
0x43: {  	_ =	shalt  }
0x44: {  	_ =	shalt  }
0x45: {  	_ =	shalt  }
0x46: {  	_ =	shalt  }
0x47: {  	_ =	shalt  }
0x48: {  	_ =	shalt  }
0x49: {  	_ =	shalt  }
0x4a: {  	_ =	shalt  }
0x4b: {  	_ =	shalt  }
0x4c: {  	_ =	shalt  }
0x4d: {  	_ =	shalt  }
0x4e: {  	_ =	shalt  }
0x4f: {  	_ =	shalt  }
0x50: {  	_ =	shalt  }
0x51: {  	_ =	shalt  }
0x52: {  	_ =	shalt  }
0x53: {  	_ =	shalt  }
0x54: {  	_ =	shalt  }
0x55: {  	_ =	shalt  }
0x56: {  	_ =	shalt  }
0x57: {  	_ =	shalt  }
0x58: {  	_ =	shalt  }
0x59: {  	_ =	shalt  }
0x5a: {  	_ =	shalt  }
0x5b: {  	_ =	shalt  }
0x5c: {  	_ =	shalt  }
0x5d: {  	_ =	shalt  }
0x5e: {  	_ =	shalt  }
0x5f: {  	_ =	shalt  }
0x60: {  	_ =	shalt  }
0x61: {  	_ =	shalt  }
0x62: {  	_ =	shalt  }
0x63: {  	_ =	shalt  }
0x64: {  	_ =	shalt  }
0x65: {  	_ =	shalt  }
0x66: {  	_ =	shalt  }
0x67: {  	_ =	shalt  }
0x68: {  	_ =	shalt  }
0x69: {  	_ =	shalt  }
0x6a: {  	_ =	shalt  }
0x6b: {  	_ =	shalt  }
0x6c: {  	_ =	shalt  }
0x6d: {  	_ =	shalt  }
0x6e: {  	_ =	shalt  }
0x6f: {  	_ =	shalt  }
0x70: {  	_ =	shalt  }
0x71: {  	_ =	shalt  }
0x72: {  	_ =	shalt  }
0x73: {  	_ =	shalt  }
0x74: {  	_ =	shalt  }
0x75: {  	_ =	shalt  }
0x76: {  	_ =	shalt  }
0x77: {  	_ =	shalt  }
0x78: {  	_ =	shalt  }
0x79: {  	_ =	shalt  }
0x7a: {  	_ =	shalt  }
0x7b: {  	_ =	shalt  }
0x7c: {  	_ =	shalt  }
0x7d: {  	_ =	shalt  }
0x7e: {  	_ =	shalt  }
0x7f: {  	_ =	shalt  }
0x80: {  	_ =	shalt  }
0x81: {  	_ =	shalt  }
0x82: {  	_ =	shalt  }
0x83: {  	_ =	shalt  }
0x84: {  	_ =	shalt  }
0x85: {  	_ =	shalt  }
0x86: {  	_ =	shalt  }
0x87: {  	_ =	shalt  }
.Lfunc_end0:
.L_simem_size_0:
called_computation_lowered:
.L_overlay_start_0:
0x88: {  	s2 =	sld [smem:$0x3FD9]  }
0x89: {  	s3 =	sld [smem:$0x3FFE];
	_ =	sdelay $0x1  }
0x8a: {  	s1 =	srdreg.scid  }
0x8b: {  	s0 =	sand.u32 $0x1, s1  }
0x8c: {  	s17 =	sshll.u32 s0, $0xA;
	s2 =	sadd.s32 s3, s2  }
0x8d: {  	s2 =	sadd.s32 s2, s17  }
0x8e: {  	[smem:$0x3FBD] =	sst s2  }
0x8f: {  	_ = 	snop  }
0x90: {  	(tm) =	ssettm $0x1  }
0x91: {  	s18 =	sld [smem:$0x3FFB];
	_ =	sdelay $0x3  }
0x92: {  	_ =	strace s18  }
0x93: {  	s2 =	sld [smem:$0x3FFC];
	_ =	sdelay $0x3  }
0x94: {  	_ =	strace s2  }
0x95: {  	s2 =	sld [smem:$0x3FFD];
	_ =	sdelay $0x3  }
0x96: {  	_ =	strace s2  }
0x97: {  	_ =	strace $0x8FFFFFFF  }
0x98: {  	s19 =	sld [smem:$0x3FDB];
	_ =	sdelay $0x1  }
0x99: {  	s20 =	simm.s32 $_scs_section_size  }
0x9a: {  	s4 =	simm.s32 $_size__tile_overlayer_lowered;
	s5 =	simm.s32 $_tile_overlayer_lowered  }
0x9b: {  	s6 =	simm.s32 $0x1BFF;
	s21 =	sshll.u32 s5, $0x1;
	s3 =	sadd.s32 s20, s19  }
0x9c: {  	s22 =	simm.s32 $0x0;
	s4 =	sshll.u32 s4, $0x1;
	s5 =	sadd.s32 s21, s3  }
0x9d: {  	[timem:s22], [sflag:s6] =	dma.local [hbm:s5], s4  }
0x9e: {  	_ =	swait.ge [sflag:s6], s4  }
0x9f: {  	s4 =	ssub.s32 $0x0, s4;
	[sflag:s6] =	ssyncset.done $0x0  }
0xa0: {  	[sflag:s6] =	ssyncadd.s32 s4;
	_ =	sdelay $0x1  }
0xa1: {  	s23 =	simm.s32 $0x1B8B  }
0xa2: {  	_ =	swait.ge [sflag:s23], $0x1  }
0xa3: {  	[sflag:s23] =	ssyncset.done $0x0  }
0xa4: {  	[sflag:s23] =	ssyncadd.s32 $0xFFFFFFFF  }
0xa5: {  	s4 =	sld [smem:$0x0]  }
0xa6: {  	s5 =	sand.u32 $0xFFFFFFFE, s1  }
0xa7: {  	p0 =	sne.s32 s1, s5  }
0xa8: {  	s5 =	sshll.u32 @p0 s5, $0xE  }
0xa9: {  	s5 =	sadd.s32 @p0 $0x11B8D, s5;
	s6 =	sshll.u32 @p0 s4, $0x11  }
0xaa: {  	s5 =	sor.u32 @p0 s6, s5  }
0xab: {  	[sflag:s5] =	ssyncadd.remote.s32 @p0 $0x1;
	_ =	sdelay $0x1  }
0xac: {  	s5 =	simm.s32 @p0 $0x1B8D  }
0xad: {  	_ =	swait.eq @p0 [sflag:s5], $0x1  }
0xae: {  	[sflag:s5] =	ssyncadd.s32 @p0 $0xFFFFFFFF  }
0xaf: {  	s6 =	sshll.u32 @!p0 s1, $0xE  }
0xb0: {  	s6 =	sor.u32 @!p0 $0x4000, s6;
	s5 =	simm.s32 @!p0 $0x1B8D  }
0xb1: {  	s4 =	sshll.u32 @!p0 s4, $0x11;
	s6 =	sadd.s32 @!p0 $0x11B8D, s6;
	_ =	swait.eq @!p0 [sflag:s5], $0x1  }
0xb2: {  	s4 =	sor.u32 @!p0 s4, s6;
	[sflag:s5] =	ssyncadd.s32 @!p0 $0xFFFFFFFF  }
0xb3: {  	s25 =	simm.s32 $0x1B8E;
	s24 =	sld [smem:$0x3FFE];
	[sflag:s4] =	ssyncadd.remote.s32 @!p0 $0x1  }
0xb4: {  	s26 =	simm.s32 $execute0_lowered;
	[smem:$0x3FD2] =	sst s25  }
0xb5: {  	s5 =	sshll.u32 s26, $0x1;
	_ =	strace $0x80000049;
	[dreg:$0x1] =	wrdreg $0xFFFFFFFF  }
0xb6: {  	s28 =	simm.s32 $_size_execute0_lowered;
	s3 =	sadd.s32 s3, s5;
	[dreg:$0x0] =	wrdreg $0x0  }
0xb7: {  	s5 =	sshll.u32 s28, $0x1;
	[dreg:$0x2] =	wrdreg s3  }
0xb8: {  	[dreg:$0x3] =	wrdreg s5  }
0xb9: {  	[dreg:$0x4] =	wrdreg $0xC0  }
0xba: {  	_ =	task [dreg:s22], $0x5FFFF  }
0xbb: {  	[dreg:$0x1] =	wrdreg $0xFFFFFFFF  }
0xbc: {  	[dreg:$0x0] =	wrdreg $0x60  }
0xbd: {  	[dreg:$0x2] =	wrdreg s24  }
0xbe: {  	[dreg:$0x3] =	wrdreg $0x68000  }
0xbf: {  	[dreg:$0x4] =	wrdreg $0x9  }
0xc0: {  	_ =	task.clear_ibuf [dreg:s22], $0x5FFFF;
	_ =	strace $0x90000049  }
0xc1: {  	s29 =	simm.s32 $0x9;
	_ =	strace $0x8000004B  }
0xc2: {  	_ =	swait.ge [sflag:s29], $0x1  }
0xc3: {  	[sflag:s29] =	ssyncadd.s32 $0xFFFFFFFF  }
0xc4: {  	_ =	strace $0x9000004B  }
0xc5: {  	_ =	sfence  }
0xc6: {  	s30 =	sld [smem:$0x0];
	_ =	sdelay $0x2  }
0xc7: {  	s31 =	sshll.u32 s1, $0xD;
	s1 =	sshrl.u32 s1, $0x2  }
0xc8: {  	s4 =	sand.u32 $0x4000, s31;
	s1 =	sadd.s32 s1, s30  }
0xc9: {  	s0 =	sor.u32 s4, s0;
	s1 =	sshll.u32 s1, $0x11  }
0xca: {  	s0 =	sor.u32 s1, s0  }
0xcb: {  	s0 =	sadd.s32 $0x8F2B, s0  }
0xcc: {  	[sflag:s0] =	ssyncadd.remote.s32 $0x1  }
0xcd: {  	_ =	sfence.sel $0xFFFF  }
0xce: {  	[dreg:$0x0] =	wrdreg $0xFFFFFFFF;
	(pc) =	sbr.abs _section_cstart, $3  }
0xcf: {  	[dreg:$0x1] =	wrdreg $0xFFFFFFFF  }
0xd0: {  	_ =	task.clear_ibuf [dreg:s22], $0x2FFFF;
	_ =	strace $0x9FFFFFFF  }
0xd1: {  	(tm) =	ssettm $0x7FFFFFFF  }
tec
execute0_lowered:
.L_overlay_start_1:
0x0: {  	(tag) =	ssettag $0x1  }
0x1: {  	s4 =	rddreg [dreg:$0x0]  }
0x2: {  	s1 =	srdreg.scid;
	s0 =	stileid.u32  }
0x3: {  	s2 =	rddreg [dreg:$0x1];
	s3 =	simm.s32 $0x0;
	s19 =	simm.s32 $0x0  }
0x4: {  	s6 =	sand.u32 $0x1, s1;
	s1 =	rddreg [dreg:$0x2];
	s8 =	smul.u32 $0x50000, s0  }
0x5: {  	s5 =	sshll.u32 s0, $0x1;
	[smem:$0x7FF] =	sst s3;
	s9 =	smul.u32 $0x14000, s0  }
0x6: {  	s14 =	sadd.s32 $0xAD200, s4;
	s5 =	sor.u32 s6, s5;
	s12 =	smul.u32 $0x140000, s6  }
0x7: {  	_ =	strace $0x8000004A;
	s7 =	ssub.s32 $0x2, s6;
	s5 =	smul.u32 $0x500, s5  }
0x8: {  	s28 =	sshrl.u32 s7, $0x1;
	s29 =	sshrl.u32 s8, $0x2;
	s10 =	sadd.s32 $0x4000, s9  }
0x9: {  	s13 =	sadd.s32 $0x8000, s9;
	s16 =	sadd.s32 $0xC000, s9;
	s17 =	sadd.s32 $0x10000, s9  }
0xa: {  	s15 =	ssub.s32 s7, s28;
	s6 =	sadd.s32 s10, s2;
	s7 =	sadd.s32 s13, s2  }
0xb: {  	s8 =	sadd.s32 s16, s2;
	s11 =	sadd.s32 s9, s12;
	s18 =	sadd.s32 s12, s10  }
0xc: {  	s9 =	sadd.s32 s17, s2;
	s13 =	sadd.s32 s12, s13;
	s16 =	sadd.s32 s12, s16  }
0xd: {  	s17 =	sadd.s32 s12, s17;
	s5 =	sadd.s32 s5, s4;
	s11 =	sshrl.u32 s11, $0x3  }
0xe: {  	s30 =	sshrl.u32 s18, $0x3;
	s13 =	sshrl.u32 s13, $0x3;
	s16 =	sshrl.u32 s16, $0x3  }
0xf: {  	s31 =	sshrl.u32 s17, $0x3;
	s15 =	smax.u32 s15, $0x1;
	s17 =	simm.s32 $0x2800  }
0x10: {  	s18 =	simm.s32 $0x80;
	s4 =	sadd.s32 $0x53200, s5;
	s5 =	sadd.s32 s29, s2  }
0x11: {  	s10 =	sadd.s32 s14, s11;
	s11 =	sadd.s32 s14, s30;
	s12 =	sadd.s32 s14, s13  }
0x12: {  	v0 =	vimm.f32 $0.0e+00;
	v1 =	vimm.f32 $1.000000000e+00;
	s13 =	sadd.s32 s14, s16;
	s14 =	sadd.s32 s14, s31;
	s16 =	simm.s32 $0x1  }
.LBB2_1:
0x13: {  	[tilespmem:s3], [sflag:$0x1] =	stream.linear.gather [hbm4b:s4+s3], $0x2800, $0x38;
	[tilespmem:$0x1A800] =	vst v63  }
0x14: {  	s20 =	sand.u32 $0xFE00, s3;
	s21 =	sand.u32 $0x70, s3;
	_ =	swait.ge [sflag:s16], $0x2800  }
0x15: {  	s22 =	sshrl.u32 s20, $0x2;
	s20 =	simm.s32 $0x40;
	[sflag:s16] =	ssyncset.done $0x0  }
0x16: {  	s22 =	sor.u32 s21, s22;
	s21 =	simm.s32 $0x0;
	[sflag:s16] =	ssyncadd.s32 $0xFFFFD800  }
.LBB2_2:
0x17: {  	p0 =	sne.s32 s20, $0xFFC0  }
0x18: {  	[tilespmem:s22+$0x2800] =	vst v0;
	s21 =	sadd.s32 $0x10, s21;
	s22 =	smov.u32 s20;
	s20 =	sadd.s32 $0x40, s20  }
.Ltmp0:
0x19: {  	(pc) =	sbr.rel @p0 .LBB2_2-.Ltmp0, $4  }
0x1a: {  	_ = 	snop  }
0x1b: {  	s22 =	sand.u32 $0xFE00, s22  }
0x1c: {  	s23 =	sand.u32 $0x70, s21;
	s22 =	sshrl.u32 s22, $0x2  }
0x1d: {  	s22 =	sor.u32 s23, s22  }
0x1e: {  	[tilespmem:s22+$0x2800] =	vst v0  }
0x1f: {  	[spmem:s5] =	stream.linear.scatter [tilespmem:s17], [sflag:$0x1], $0x4000, $0x38;
	[tilespmem:$0x1A800] =	vst v63  }
0x20: {  	_ =	swait.ge [sflag:s16], $0x4000  }
0x21: {  	[sflag:s16] =	ssyncset.done $0x0  }
0x22: {  	[sflag:s16] =	ssyncadd.s32 $0xFFFFC000  }
0x23: {  	[spmem:s6] =	stream.linear.scatter [tilespmem:s17], [sflag:$0x1], $0x4000, $0x38;
	[tilespmem:$0x1A800] =	vst v63  }
0x24: {  	_ =	swait.ge [sflag:s16], $0x4000  }
0x25: {  	[sflag:s16] =	ssyncset.done $0x0  }
0x26: {  	[sflag:s16] =	ssyncadd.s32 $0xFFFFC000  }
0x27: {  	[spmem:s7] =	stream.linear.scatter [tilespmem:s17], [sflag:$0x1], $0x4000, $0x38;
	[tilespmem:$0x1A800] =	vst v63  }
0x28: {  	_ =	swait.ge [sflag:s16], $0x4000  }
0x29: {  	[sflag:s16] =	ssyncset.done $0x0  }
0x2a: {  	[sflag:s16] =	ssyncadd.s32 $0xFFFFC000  }
0x2b: {  	[spmem:s8] =	stream.linear.scatter [tilespmem:s17], [sflag:$0x1], $0x4000, $0x38;
	[tilespmem:$0x1A800] =	vst v63  }
0x2c: {  	_ =	swait.ge [sflag:s16], $0x4000  }
0x2d: {  	[sflag:s16] =	ssyncset.done $0x0  }
0x2e: {  	s20 =	simm.s32 $0x0;
	[sflag:s16] =	ssyncadd.s32 $0xFFFFC000  }
0x2f: {  	[spmem:s9] =	stream.linear.scatter [tilespmem:s17], [sflag:$0x1], $0x4000, $0x38;
	[tilespmem:$0x1A800] =	vst v63  }
0x30: {  	s21 =	sand.u32 $0xFE00, s20;
	_ =	swait.ge [sflag:s16], $0x4000  }
0x31: {  	s31 =	sand.u32 $0x70, s20;
	s23 =	sshrl.u32 s21, $0x2;
	[sflag:s16] =	ssyncset.done $0x0  }
0x32: {  	s21 =	simm.s32 $0x40;
	s22 =	sor.u32 s31, s23;
	[sflag:s16] =	ssyncadd.s32 $0xFFFFC000  }
.LBB2_4:
0x33: {  	p0 =	sne.s32 s21, $0xFFC0  }
0x34: {  	[tilespmem:s22+$0x2800] =	vst v1;
	s20 =	sadd.s32 $0x10, s20;
	s22 =	smov.u32 s21;
	s21 =	sadd.s32 $0x40, s21  }
.Ltmp1:
0x35: {  	(pc) =	sbr.rel @p0 .LBB2_4-.Ltmp1, $4  }
0x36: {  	_ = 	snop  }
0x37: {  	s22 =	sand.u32 $0xFE00, s22  }
0x38: {  	s23 =	sand.u32 $0x70, s20;
	s22 =	sshrl.u32 s22, $0x2  }
0x39: {  	s22 =	sor.u32 s23, s22  }
0x3a: {  	[tilespmem:s22+$0x2800] =	vst v1  }
0x3b: {  	s20 =	simm.s32 $0x0;
	[bflag:$0x0] =	sbarrier.arrive $0xFFFF  }
0x3c: {  	[spmem:s2] =	stream.indirect.scatter.add.f32 [tilespmem:s17], [sflag:$0x1], $0x80, s20, s18, $0xb8;
	[tilespmem:$0x1A800] =	vst v63  }
0x3d: {  	_ =	swait.ge [sflag:s16], $0x4000  }
0x3e: {  	s20 =	simm.s32 $0x200;
	[sflag:s16] =	ssyncset.done $0x0  }
.LBB2_6:
0x3f: {  	s21 =	sshra.s32 s20, $0x2;
	[sflag:s16] =	ssyncadd.s32 $0xFFFFC000;
	p0 =	sne.s32 s20, $0x9E00  }
0x40: {  	[spmem:s2] =	stream.indirect.scatter.add.f32 [tilespmem:s17], [sflag:$0x1], $0x80, s21, s18, $0xb8;
	[tilespmem:$0x1A800] =	vst v63  }
.Ltmp2:
0x41: {  	_ = 	snop;
	(pc) =	sbr.rel @p0 .LBB2_6-.Ltmp2, $4  }
0x42: {  	_ = 	snop  }
0x43: {  	s20 =	sadd.s32 $0x200, s20  }
0x44: {  	_ =	swait.ge [sflag:s16], $0x4000  }
0x45: {  	[sflag:s16] =	ssyncset.done $0x0  }
0x46: {  	[sflag:s16] =	ssyncadd.s32 $0xFFFFC000;
	s20 =	sshll.u32 s0, $0x6  }
0x47: {  	s21 =	sshrl.u32 s5, $0x3;
	[bflag:$0x0] =	sbarrier.arrive $0xFFFF;
	s20 =	sor.u32 $0x1C01, s20  }
0x48: {  	[hbm:s10], [sflag:s20] =	dma.local [spmem:s21], $0x800  }
0x49: {  	_ =	swait.ge [sflag:s16], $0x800  }
0x4a: {  	[sflag:s16] =	ssyncset.done $0x0  }
0x4b: {  	s28 =	sshrl.u32 s6, $0x3;
	[sflag:s16] =	ssyncadd.s32 $0xFFFFF800  }
0x4c: {  	[hbm:s11], [sflag:s20] =	dma.local [spmem:s28], $0x800  }
0x4d: {  	_ =	swait.ge [sflag:s16], $0x800  }
0x4e: {  	[sflag:s16] =	ssyncset.done $0x0  }
0x4f: {  	s29 =	sshrl.u32 s7, $0x3;
	[sflag:s16] =	ssyncadd.s32 $0xFFFFF800  }
0x50: {  	[hbm:s12], [sflag:s20] =	dma.local [spmem:s29], $0x800  }
0x51: {  	_ =	swait.ge [sflag:s16], $0x800  }
0x52: {  	[sflag:s16] =	ssyncset.done $0x0  }
0x53: {  	s30 =	sshrl.u32 s8, $0x3;
	[sflag:s16] =	ssyncadd.s32 $0xFFFFF800  }
0x54: {  	[hbm:s13], [sflag:s20] =	dma.local [spmem:s30], $0x800  }
0x55: {  	s19 =	sadd.s32 $0x1, s19;
	_ =	swait.ge [sflag:s16], $0x800  }
0x56: {  	p0 =	sne.s32 s19, s15;
	[sflag:s16] =	ssyncset.done $0x0  }
.Ltmp3:
0x57: {  	s31 =	sshrl.u32 s9, $0x3;
	[sflag:s16] =	ssyncadd.s32 $0xFFFFF800;
	(pc) =	sbr.rel @p0 .LBB2_1-.Ltmp3, $4  }
0x58: {  	[hbm:s14], [sflag:s20] =	dma.local [spmem:s31], $0x800  }
0x59: {  	_ =	swait.ge [sflag:s16], $0x800  }
0x5a: {  	[sflag:s16] =	ssyncset.done $0x0  }
0x5b: {  	[sflag:s16] =	ssyncadd.s32 $0xFFFFF800  }
0x5c: {  	_ =	sfence.sel $0x180000  }
0x5d: {  	[bflag:$0x0] =	sbarrier.arrive $0xFFFF  }
0x5e: {  	p0 =	sne.s32 s0, $0x0;
	_ =	strace $0x9000004A  }
0x5f: {  	s0 =	sadd.s32 @!p0 $0x100000, s1;
	[bflag:$0x2] =	sbarrier.arrive $0xFFFF  }
0x60: {  	[sflag:s0] =	ssyncadd.tile.s32 @!p0 $0x1;
	_ =	shalt  }
.Lfunc_end2:
_tile_overlayer_lowered:
.L_overlay_start_2:
0x61: {  	(tag) =	ssettag $0x2  }
0x62: {  	s0 =	rddreg [dreg:$0x0];
	s2 =	stileid.u32  }
0x63: {  	s1 =	rddreg [dreg:$0x1];
	p0 =	sne.s32 s2, $0x0  }
0x64: {  	s3 =	rddreg [dreg:$0x2];
	[bflag:$0x3] =	sbarrier.arrive $0xFFFF;
	s2 =	simm.s32 @!p0 $0x1C01  }
0x65: {  	[timem:s3], [sflag:s2] =	dma.local @!p0 [hbm:s0], s1  }
0x66: {  	s0 =	simm.s32 @!p0 $0x1  }
0x67: {  	_ =	swait.ge @!p0 [sflag:s0], s1  }
0x68: {  	s1 =	ssub.s32 @!p0 $0x0, s1;
	[sflag:s0] =	ssyncset.done @!p0 $0x0  }
0x69: {  	[sflag:s0] =	ssyncadd.s32 @!p0 s1  }
0x6a: {  	[bflag:$0x3] =	sbarrier.arrive $0xFFFF  }
0x6b: {  	_ =	shalt  }

// kernel: kernel.13.cloned.1.call-start
scs
__scs_entry_jumppad:
0x0: {  	(pc) =	sbr.rel $0x88, $3  }
0x1: {  	(tag) =	ssettag $0x0;
	lr =	simm.s32 $0x1  }
0x2: {  	[smem:$0x3F96] =	sst lr;
	_ =	strace $0xD0000000  }
0x3: {  	_ = 	snop  }
0x4: {  	_ = 	snop  }
0x5: {  	_ = 	snop  }
0x6: {  	_ = 	snop  }
0x7: {  	_ = 	snop  }
__scs_overlays_trampoline_lowered:
0x8: {  	[smem:$0x3FA5] =	sst s0  }
0x9: {  	[smem:$0x3FA6] =	sst s1  }
0xa: {  	[smem:$0x3FA7] =	sst s2  }
0xb: {  	[smem:$0x3FA8] =	sst s3  }
0xc: {  	[smem:$0x3FA9] =	sst s4  }
0xd: {  	[smem:$0x3FAA] =	sst s5  }
0xe: {  	[smem:$0x3FAB] =	sst s6  }
0xf: {  	[smem:$0x3FAC] =	sst s7  }
0x10: {  	[smem:$0x3FAD] =	sst s8  }
0x11: {  	[smem:$0x3FAE] =	sst s9;
	s0 =	simm.s32 @!p0 $0x0  }
0x12: {  	s1 =	sld [smem:$0x3F94];
	s0 =	simm.s32 @p0 $0x1  }
0x13: {  	[smem:$0x3FAF] =	sst s0;
	s0 =	simm.s32 @!p1 $0x0  }
0x14: {  	s2 =	sld [smem:$0x3F93];
	s0 =	simm.s32 @p1 $0x1  }
0x15: {  	[smem:$0x3FB0] =	sst s0;
	s0 =	simm.s32 @!p2 $0x0  }
0x16: {  	s3 =	sld [smem:$0x3FDB];
	s0 =	simm.s32 @p2 $0x1  }
0x17: {  	s4 =	simm.s32 $0x1BF5;
	[smem:$0x3FB2] =	sst s0  }
0x18: {  	s0 =	sld [smem:$0x3F95];
	_ =	swait.ge [sflag:s4], $0x0  }
0x19: {  	s7 =	sld [smem:$0x3F96]  }
0x1a: {  	s8 =	sadd.s32 $0xFFFFE003, lr  }
0x1b: {  	s9 =	sadd.s32 $0xFFFFFEF7, lr;
	s5 =	simm.s32 $0xFFFFFFFF;
	p2 =	slt.u32 s8, $0xFFFFF086  }
0x1c: {  	p1 =	slt.u32 s9, $0xF7A;
	s5 =	simm.s32 @!p2 $0x0  }
0x1d: {  	s5 =	simm.s32 @p1 $0x1;
	p0 =	seq.s32 s7, s2  }
0x1e: {  	s7 =	smul.u32 @!p0 $0xF7A, s2;
	p2 =	seq.s32 @!p0 s5, $0x0  }
0x1f: {  	s9 =	smul.u32 $0xF7A, s1;
	s8 =	simm.s32 @!p0 $0x1BF5;
	p2 =	por !p2, p0  }
0x20: {  	[sflag:s8] =	ssyncset.s32 @!p0 $0xFFFFF086;
	s6 =	sadd.s32 @!p0 s3, s7;
	s7 =	simm.s32 @!p0 $0x108  }
0x21: {  	s3 =	sadd.s32 s3, s9;
	s6 =	sadd.s32 @!p0 $0x88, s6;
	s7 =	simm.s32 @p2 $0x1082  }
0x22: {  	[simem:s7], [sflag:s8] =	dma.local @!p0 [hbm:s6], $0xF7A  }
0x23: {  	s9 =	sor.u32 $0xD0000000, s2;
	s6 =	simm.s32 $0x108;
	_ =	swait.ge @!p0 [sflag:s8], $0x0  }
0x24: {  	s3 =	sadd.s32 $0x88, s3;
	s6 =	simm.s32 @!p1 $0x1082;
	[sflag:s4] =	ssyncset.s32 $0xFFFFF086  }
0x25: {  	[simem:s6], [sflag:s4] =	dma.local [hbm:s3], $0xF7A  }
0x26: {  	[smem:$0x3F96] =	sst s1;
	(tag) =	ssettag s2;
	_ =	strace s9  }
0x27: {  	s1 =	sld [smem:$0x3FA6]  }
0x28: {  	s2 =	sld [smem:$0x3FA7]  }
0x29: {  	s4 =	sld [smem:$0x3FA9]  }
0x2a: {  	p0 =	seq.s32 s5, $0x0;
	s5 =	sld [smem:$0x3FAA]  }
0x2b: {  	s6 =	sld [smem:$0x3FAB]  }
0x2c: {  	s7 =	sld [smem:$0x3FAC]  }
0x2d: {  	s3 =	simm.s32 $0x108;
	s8 =	sld [smem:$0x3FAD]  }
0x2e: {  	s3 =	simm.s32 @!p0 $0x1082;
	s9 =	sld [smem:$0x3FAE]  }
0x2f: {  	lr =	sadd.s32 s0, s3;
	s0 =	sld [smem:$0x3FA5]  }
0x30: {  	s3 =	sld [smem:$0x3FA8]  }
0x31: {  	[smem:$0x3FB1] =	sst s10  }
0x32: {  	s10 =	sld [smem:$0x3FAF];
	_ =	sdelay $0x3  }
0x33: {  	p0 =	seq.s32 s10, $0x1;
	s10 =	sld [smem:$0x3FB1];
	_ =	sdelay $0x3  }
0x34: {  	[smem:$0x3FB1] =	sst s10  }
0x35: {  	s10 =	sld [smem:$0x3FB0];
	_ =	sdelay $0x3  }
0x36: {  	p1 =	seq.s32 s10, $0x1;
	s10 =	sld [smem:$0x3FB1];
	_ =	sdelay $0x3  }
0x37: {  	[smem:$0x3FB1] =	sst s10  }
0x38: {  	s10 =	sld [smem:$0x3FB2]  }
0x39: {  	_ = 	snop;
	(pc) =	sbr.ind lr, $3  }
0x3a: {  	_ = 	snop  }
0x3b: {  	_ = 	snop  }
0x3c: {  	p2 =	seq.s32 s10, $0x1;
	s10 =	sld [smem:$0x3FB1]  }
0x3d: {  	_ =	shalt  }
0x3e: {  	_ =	shalt  }
0x3f: {  	_ =	shalt  }
0x40: {  	_ =	shalt  }
0x41: {  	_ =	shalt  }
0x42: {  	_ =	shalt  }
0x43: {  	_ =	shalt  }
0x44: {  	_ =	shalt  }
0x45: {  	_ =	shalt  }
0x46: {  	_ =	shalt  }
0x47: {  	_ =	shalt  }
0x48: {  	_ =	shalt  }
0x49: {  	_ =	shalt  }
0x4a: {  	_ =	shalt  }
0x4b: {  	_ =	shalt  }
0x4c: {  	_ =	shalt  }
0x4d: {  	_ =	shalt  }
0x4e: {  	_ =	shalt  }
0x4f: {  	_ =	shalt  }
0x50: {  	_ =	shalt  }
0x51: {  	_ =	shalt  }
0x52: {  	_ =	shalt  }
0x53: {  	_ =	shalt  }
0x54: {  	_ =	shalt  }
0x55: {  	_ =	shalt  }
0x56: {  	_ =	shalt  }
0x57: {  	_ =	shalt  }
0x58: {  	_ =	shalt  }
0x59: {  	_ =	shalt  }
0x5a: {  	_ =	shalt  }
0x5b: {  	_ =	shalt  }
0x5c: {  	_ =	shalt  }
0x5d: {  	_ =	shalt  }
0x5e: {  	_ =	shalt  }
0x5f: {  	_ =	shalt  }
0x60: {  	_ =	shalt  }
0x61: {  	_ =	shalt  }
0x62: {  	_ =	shalt  }
0x63: {  	_ =	shalt  }
0x64: {  	_ =	shalt  }
0x65: {  	_ =	shalt  }
0x66: {  	_ =	shalt  }
0x67: {  	_ =	shalt  }
0x68: {  	_ =	shalt  }
0x69: {  	_ =	shalt  }
0x6a: {  	_ =	shalt  }
0x6b: {  	_ =	shalt  }
0x6c: {  	_ =	shalt  }
0x6d: {  	_ =	shalt  }
0x6e: {  	_ =	shalt  }
0x6f: {  	_ =	shalt  }
0x70: {  	_ =	shalt  }
0x71: {  	_ =	shalt  }
0x72: {  	_ =	shalt  }
0x73: {  	_ =	shalt  }
0x74: {  	_ =	shalt  }
0x75: {  	_ =	shalt  }
0x76: {  	_ =	shalt  }
0x77: {  	_ =	shalt  }
0x78: {  	_ =	shalt  }
0x79: {  	_ =	shalt  }
0x7a: {  	_ =	shalt  }
0x7b: {  	_ =	shalt  }
0x7c: {  	_ =	shalt  }
0x7d: {  	_ =	shalt  }
0x7e: {  	_ =	shalt  }
0x7f: {  	_ =	shalt  }
0x80: {  	_ =	shalt  }
0x81: {  	_ =	shalt  }
0x82: {  	_ =	shalt  }
0x83: {  	_ =	shalt  }
0x84: {  	_ =	shalt  }
0x85: {  	_ =	shalt  }
0x86: {  	_ =	shalt  }
0x87: {  	_ =	shalt  }
.Lfunc_end0:
.L_simem_size_0:
called_computation.1_lowered:
.L_overlay_start_0:
0x88: {  	s2 =	sld [smem:$0x3FD9]  }
0x89: {  	s3 =	sld [smem:$0x3FFE];
	_ =	sdelay $0x1  }
0x8a: {  	s1 =	srdreg.scid  }
0x8b: {  	s0 =	sand.u32 $0x1, s1  }
0x8c: {  	s17 =	sshll.u32 s0, $0xA;
	s2 =	sadd.s32 s3, s2  }
0x8d: {  	s2 =	sadd.s32 s2, s17  }
0x8e: {  	[smem:$0x3FBD] =	sst s2  }
0x8f: {  	_ = 	snop  }
0x90: {  	s2 =	sld [smem:$0x3FD0];
	(tm) =	ssettm $0x1  }
0x91: {  	s18 =	sld [smem:$0x3FFB];
	_ =	sdelay $0x3  }
0x92: {  	_ =	strace s18  }
0x93: {  	s3 =	sld [smem:$0x3FFC];
	_ =	sdelay $0x3  }
0x94: {  	_ =	strace s3  }
0x95: {  	s3 =	sld [smem:$0x3FFD];
	_ =	sdelay $0x3  }
0x96: {  	_ =	strace s3  }
0x97: {  	_ =	strace $0x8FFFFFFF  }
0x98: {  	s19 =	sld [smem:$0x3FDB];
	_ =	sdelay $0x1  }
0x99: {  	s4 =	simm.s32 $_scs_section_size  }
0x9a: {  	s5 =	simm.s32 $_size__tile_overlayer_lowered;
	s6 =	simm.s32 $_tile_overlayer_lowered  }
0x9b: {  	s22 =	simm.s32 $0x1BFF;
	s21 =	sshll.u32 s6, $0x1;
	s3 =	sadd.s32 s4, s19  }
0x9c: {  	s7 =	simm.s32 $0x0;
	s20 =	sshll.u32 s5, $0x1;
	s5 =	sadd.s32 s21, s3  }
0x9d: {  	[timem:s7], [sflag:s22] =	dma.local [hbm:s5], s20  }
0x9e: {  	_ =	swait.ge [sflag:s22], s20  }
0x9f: {  	s4 =	ssub.s32 $0x0, s20;
	[sflag:s22] =	ssyncset.done $0x0  }
0xa0: {  	[sflag:s22] =	ssyncadd.s32 s4;
	_ =	sdelay $0x1  }
0xa1: {  	s23 =	simm.s32 $0x1B8B  }
0xa2: {  	_ =	swait.ge [sflag:s23], $0x1  }
0xa3: {  	[sflag:s23] =	ssyncset.done $0x0  }
0xa4: {  	s25 =	simm.s32 $0x1B8E;
	s24 =	sld [smem:$0x3FFE];
	[sflag:s23] =	ssyncadd.s32 $0xFFFFFFFF  }
0xa5: {  	s26 =	simm.s32 $execute0_lowered;
	[smem:$0x3FD2] =	sst s25  }
0xa6: {  	s5 =	sshll.u32 s26, $0x1;
	_ =	strace $0x80000046;
	[dreg:$0x1] =	wrdreg $0xFFFFFFFF  }
0xa7: {  	s28 =	simm.s32 $_size_execute0_lowered;
	s3 =	sadd.s32 s3, s5;
	[dreg:$0x0] =	wrdreg $0x0  }
0xa8: {  	s5 =	sshll.u32 s28, $0x1;
	[dreg:$0x2] =	wrdreg s3  }
0xa9: {  	[dreg:$0x3] =	wrdreg s5  }
0xaa: {  	[dreg:$0x4] =	wrdreg $0xC0  }
0xab: {  	_ =	task [dreg:s7], $0x5FFFF  }
0xac: {  	[dreg:$0x1] =	wrdreg $0xFFFFFFFF  }
0xad: {  	[dreg:$0x0] =	wrdreg $0x60  }
0xae: {  	[dreg:$0x2] =	wrdreg s24  }
0xaf: {  	[dreg:$0x3] =	wrdreg s2  }
0xb0: {  	[dreg:$0x4] =	wrdreg $0xA9000  }
0xb1: {  	[dreg:$0x5] =	wrdreg $0xA  }
0xb2: {  	_ =	task.clear_ibuf [dreg:s7], $0x6FFFF;
	_ =	strace $0x90000046  }
0xb3: {  	s29 =	simm.s32 $0xA;
	_ =	strace $0x80000048  }
0xb4: {  	_ =	swait.ge [sflag:s29], $0x1  }
0xb5: {  	[sflag:s29] =	ssyncadd.s32 $0xFFFFFFFF  }
0xb6: {  	_ =	strace $0x90000048  }
0xb7: {  	_ =	sfence  }
0xb8: {  	s30 =	sld [smem:$0x0];
	_ =	sdelay $0x2  }
0xb9: {  	s31 =	sshll.u32 s1, $0xD;
	s1 =	sshrl.u32 s1, $0x2  }
0xba: {  	s3 =	sand.u32 $0x4000, s31;
	s1 =	sadd.s32 s1, s30  }
0xbb: {  	s0 =	sor.u32 s3, s0;
	s1 =	sshll.u32 s1, $0x11  }
0xbc: {  	s0 =	sor.u32 s1, s0  }
0xbd: {  	s0 =	sadd.s32 $0x8F2B, s0  }
0xbe: {  	[sflag:s0] =	ssyncadd.remote.s32 $0x1  }
0xbf: {  	_ =	sfence.sel $0xFFFF  }
0xc0: {  	[dreg:$0x0] =	wrdreg $0xFFFFFFFF;
	(pc) =	sbr.abs _section_cstart, $3  }
0xc1: {  	[dreg:$0x1] =	wrdreg $0xFFFFFFFF  }
0xc2: {  	_ =	task.clear_ibuf [dreg:s7], $0x2FFFF;
	_ =	strace $0x9FFFFFFF  }
0xc3: {  	(tm) =	ssettm $0x7FFFFFFF  }
tec
execute0_lowered:
.L_overlay_start_1:
0x0: {  	(tag) =	ssettag $0x1  }
0x1: {  	s0 =	rddreg [dreg:$0x0]  }
0x2: {  	s2 =	rddreg [dreg:$0x1]  }
0x3: {  	s3 =	rddreg [dreg:$0x2]  }
0x4: {  	s1 =	srdreg.scid;
	s13 =	stileid.u32  }
0x5: {  	s4 =	simm.s32 $0x0;
	s21 =	simm.s32 $0x3;
	s22 =	simm.s32 $0x2900  }
0x6: {  	s23 =	simm.s32 $0x2800;
	s28 =	simm.s32 $0x80;
	s7 =	smul.u32 $0x50000, s13  }
0x7: {  	s29 =	simm.s32 $0x2;
	s31 =	simm.s32 $0x0;
	s14 =	smul.u32 $0x14000, s13  }
0x8: {  	s1 =	sand.u32 $0x1, s1;
	s5 =	sshll.u32 s13, $0x1;
	s30 =	smul.u32 $0xA00, s13  }
0x9: {  	[smem:$0x7FF] =	sst s4;
	s5 =	sor.u32 s1, s5;
	s20 =	smul.u32 $0x140000, s1  }
0xa: {  	_ =	strace $0x80000047;
	s6 =	ssub.s32 $0x2, s1;
	s1 =	smul.u32 $0x500, s1  }
0xb: {  	s12 =	smul.u32 $0x500, s5;
	s5 =	sadd.s32 $0x3200, s0;
	s9 =	sshrl.u32 s6, $0x1  }
0xc: {  	s7 =	sshrl.u32 s7, $0x2;
	s15 =	sadd.s32 $0x4000, s14;
	s16 =	sadd.s32 $0x8000, s14  }
0xd: {  	s17 =	sadd.s32 $0xC000, s14;
	s18 =	sadd.s32 $0x10000, s14;
	s19 =	ssub.s32 s6, s9  }
0xe: {  	s7 =	sadd.s32 s7, s3;
	s9 =	sadd.s32 s16, s3;
	s10 =	sadd.s32 s17, s3  }
0xf: {  	s11 =	sadd.s32 s18, s3;
	s14 =	sadd.s32 s14, s20;
	s16 =	sadd.s32 s20, s16  }
0x10: {  	s17 =	sadd.s32 s20, s17;
	s18 =	sadd.s32 s20, s18;
	s8 =	sadd.s32 s12, s0  }
0x11: {  	s0 =	sadd.s32 $0x5D200, s0;
	s12 =	sadd.s32 s2, s12;
	s14 =	sshrl.u32 s14, $0x3  }
0x12: {  	s16 =	sshrl.u32 s16, $0x3;
	s17 =	sshrl.u32 s17, $0x3;
	s18 =	sshrl.u32 s18, $0x3  }
0x13: {  	s19 =	smax.u32 s19, $0x1;
	s24 =	sadd.s32 $0x53200, s8;
	s8 =	sadd.s32 s15, s3  }
0x14: {  	s25 =	sadd.s32 $0x10, s12;
	s15 =	sadd.s32 s20, s15;
	s26 =	sadd.s32 s0, s14  }
0x15: {  	s16 =	sadd.s32 s0, s16;
	s17 =	sadd.s32 s0, s17;
	[dreg:$0x4] =	wrdreg s24  }
0x16: {  	s18 =	sadd.s32 s0, s18;
	s20 =	sadd.s32 s1, s30;
	[dreg:$0x5] =	wrdreg s25  }
0x17: {  	s15 =	sshrl.u32 s15, $0x3;
	[dreg:$0x6] =	wrdreg s26;
	s24 =	simm.s32 $0x1  }
0x18: {  	v0 =	vimm.f32 $0.0e+00;
	s25 =	simm.s32 $0x2880;
	s26 =	simm.s32 $0x6900;
	s15 =	sadd.s32 s0, s15  }
.LBB2_1:
0x19: {  	s0 =	rddreg [dreg:$0x4]  }
0x1a: {  	[tilespmem:s4], [sflag:$0x3] =	stream.linear.gather [hbm4b:s0+s4], $0x2800, $0x38;
	[tilespmem:$0x1E900] =	vst v63  }
0x1b: {  	s14 =	sand.u32 $0xFE00, s4;
	s1 =	sand.u32 $0x70, s4;
	_ =	swait.ge [sflag:s21], $0x2800  }
0x1c: {  	s30 =	sshrl.u32 s14, $0x2;
	s0 =	simm.s32 $0x40;
	[sflag:s21] =	ssyncset.done $0x0  }
0x1d: {  	s30 =	sor.u32 s1, s30;
	s1 =	simm.s32 $0x0;
	[sflag:s21] =	ssyncadd.s32 $0xFFFFD800  }
.LBB2_2:
0x1e: {  	p0 =	sne.s32 s0, $0xFFC0  }
0x1f: {  	[tilespmem:s30+$0x2900] =	vst v0;
	s1 =	sadd.s32 $0x10, s1;
	s30 =	smov.u32 s0;
	s0 =	sadd.s32 $0x40, s0  }
.Ltmp0:
0x20: {  	(pc) =	sbr.rel @p0 .LBB2_2-.Ltmp0, $4  }
0x21: {  	_ = 	snop  }
0x22: {  	s30 =	sand.u32 $0xFE00, s30  }
0x23: {  	s6 =	sand.u32 $0x70, s1;
	s30 =	sshrl.u32 s30, $0x2  }
0x24: {  	s30 =	sor.u32 s6, s30  }
0x25: {  	[tilespmem:s30+$0x2900] =	vst v0  }
0x26: {  	[spmem:s7] =	stream.linear.scatter [tilespmem:s22], [sflag:$0x3], $0x4000, $0x38;
	[tilespmem:$0x1E900] =	vst v63  }
0x27: {  	_ =	swait.ge [sflag:s21], $0x4000  }
0x28: {  	[sflag:s21] =	ssyncset.done $0x0  }
0x29: {  	[sflag:s21] =	ssyncadd.s32 $0xFFFFC000  }
0x2a: {  	[spmem:s8] =	stream.linear.scatter [tilespmem:s22], [sflag:$0x3], $0x4000, $0x38;
	[tilespmem:$0x1E900] =	vst v63  }
0x2b: {  	_ =	swait.ge [sflag:s21], $0x4000  }
0x2c: {  	[sflag:s21] =	ssyncset.done $0x0  }
0x2d: {  	[sflag:s21] =	ssyncadd.s32 $0xFFFFC000  }
0x2e: {  	[spmem:s9] =	stream.linear.scatter [tilespmem:s22], [sflag:$0x3], $0x4000, $0x38;
	[tilespmem:$0x1E900] =	vst v63  }
0x2f: {  	_ =	swait.ge [sflag:s21], $0x4000  }
0x30: {  	[sflag:s21] =	ssyncset.done $0x0  }
0x31: {  	[sflag:s21] =	ssyncadd.s32 $0xFFFFC000  }
0x32: {  	[spmem:s10] =	stream.linear.scatter [tilespmem:s22], [sflag:$0x3], $0x4000, $0x38;
	[tilespmem:$0x1E900] =	vst v63  }
0x33: {  	_ =	swait.ge [sflag:s21], $0x4000  }
0x34: {  	[sflag:s21] =	ssyncset.done $0x0  }
0x35: {  	[sflag:s21] =	ssyncadd.s32 $0xFFFFC000  }
0x36: {  	[spmem:s11] =	stream.linear.scatter [tilespmem:s22], [sflag:$0x3], $0x4000, $0x38;
	[tilespmem:$0x1E900] =	vst v63  }
0x37: {  	_ =	swait.ge [sflag:s21], $0x4000  }
0x38: {  	[sflag:s21] =	ssyncset.done $0x0  }
0x39: {  	[sflag:s21] =	ssyncadd.s32 $0xFFFFC000  }
0x3a: {  	[bflag:$0x0] =	sbarrier.arrive $0xFFFF  }
0x3b: {  	[tilespmem:s23], [sflag:$0x3] =	stream.linear.gather [hbm4b:s12+s4], $0x80, $0x38;
	[tilespmem:$0x1E900] =	vst v63  }
0x3c: {  	_ =	swait.ge [sflag:s21], $0x80  }
0x3d: {  	[sflag:s21] =	ssyncset.done $0x0  }
0x3e: {  	s0 =	simm.s32 $0x80;
	[sflag:s21] =	ssyncadd.s32 $0xFFFFFF80  }
0x3f: {  	[tilespmem:s22], [sflag:$0x1] =	stream.indirect.gather [hbm4b:s5+s0], $0x80, s23, s0, $0xb8;
	[tilespmem:$0x1E900] =	vst v63  }
0x40: {  	_ =	swait.ge [sflag:s24], $0x4000  }
0x41: {  	[sflag:s24] =	ssyncset.done $0x0  }
0x42: {  	[sflag:s24] =	ssyncadd.s32 $0xFFFFC000  }
0x43: {  	[spmem:s3] =	stream.indirect.scatter.add.f32 [tilespmem:s22], [sflag:$0x2], $0x80, s4, s0, $0xb8;
	[tilespmem:$0x1E900] =	vst v63  }
0x44: {  	s1 =	rddreg [dreg:$0x5]  }
0x45: {  	[tilespmem:s25], [sflag:$0x3] =	stream.linear.gather [hbm4b:s1+s4], $0x80, $0x38;
	[tilespmem:$0x1E900] =	vst v63  }
0x46: {  	_ =	swait.ge [sflag:s21], $0x80  }
0x47: {  	[sflag:s21] =	ssyncset.done $0x0  }
0x48: {  	[sflag:s21] =	ssyncadd.s32 $0xFFFFFF80  }
0x49: {  	[tilespmem:s26], [sflag:$0x1] =	stream.indirect.gather [hbm4b:s5+s0], $0x80, s25, s0, $0xb8;
	[tilespmem:$0x1E900] =	vst v63  }
0x4a: {  	_ =	swait.ge [sflag:s24], $0x4000  }
0x4b: {  	[sflag:s24] =	ssyncset.done $0x0  }
0x4c: {  	s6 =	simm.s32 $0x20;
	s1 =	sadd.s32 $0x30, s20;
	[sflag:s24] =	ssyncadd.s32 $0xFFFFC000  }
0x4d: {  	[spmem:s3] =	stream.indirect.scatter.add.f32 [tilespmem:s26], [sflag:$0x2], $0x80, s0, s28, $0xb8;
	[tilespmem:$0x1E900] =	vst v63  }
0x4e: {  	s6 =	sand.u32 $0x60, s6;
	s13 =	sadd.s32 $0xFFFFFFF0, s1;
	_ =	swait.ge [sflag:s29], $0x4000  }
0x4f: {  	s6 =	sadd.s32 s2, s6;
	s0 =	sand.u32 $0xFFFFF80, s13;
	[sflag:s29] =	ssyncset.done $0x0  }
0x50: {  	s0 =	sadd.s32 s0, s6;
	[sflag:s29] =	ssyncadd.s32 $0xFFFFC000  }
0x51: {  	[tilespmem:s23], [sflag:$0x3] =	stream.linear.gather [hbm4b:s0+s4], $0x80, $0x38;
	[tilespmem:$0x1E900] =	vst v63  }
0x52: {  	_ =	swait.ge [sflag:s21], $0x80  }
0x53: {  	[sflag:s21] =	ssyncset.done $0x0  }
0x54: {  	[sflag:s21] =	ssyncadd.s32 $0xFFFFFF80  }
0x55: {  	[tilespmem:s22], [sflag:$0x1] =	stream.indirect.gather [hbm4b:s5+s28], $0x80, s23, s28, $0xb8;
	[tilespmem:$0x1E900] =	vst v63  }
0x56: {  	_ =	swait.ge [sflag:s24], $0x4000  }
0x57: {  	[sflag:s24] =	ssyncset.done $0x0  }
0x58: {  	s14 =	simm.s32 $0x30;
	s30 =	simm.s32 $0x100;
	[sflag:s24] =	ssyncadd.s32 $0xFFFFC000  }
0x59: {  	[spmem:s3] =	stream.indirect.scatter.add.f32 [tilespmem:s22], [sflag:$0x2], $0x80, s30, s28, $0xb8;
	[tilespmem:$0x1E900] =	vst v63  }
0x5a: {  	s0 =	sand.u32 $0x70, s14;
	_ =	swait.ge [sflag:s29], $0x4000  }
0x5b: {  	s1 =	sand.u32 $0xFFFFF80, s1;
	s0 =	sadd.s32 s2, s0;
	[sflag:s29] =	ssyncset.done $0x0  }
0x5c: {  	s0 =	sadd.s32 s1, s0;
	[sflag:s29] =	ssyncadd.s32 $0xFFFFC000  }
0x5d: {  	[tilespmem:s25], [sflag:$0x3] =	stream.linear.gather [hbm4b:s0+s4], $0x80, $0x38;
	[tilespmem:$0x1E900] =	vst v63  }
0x5e: {  	_ =	swait.ge [sflag:s21], $0x80  }
0x5f: {  	[sflag:s21] =	ssyncset.done $0x0  }
0x60: {  	s1 =	simm.s32 $0x180;
	s0 =	simm.s32 $0x50;
	[sflag:s21] =	ssyncadd.s32 $0xFFFFFF80  }
.LBB2_4:
0x61: {  	[tilespmem:s26], [sflag:$0x1] =	stream.indirect.gather [hbm4b:s5+s28], $0x80, s25, s28, $0xb8;
	[tilespmem:$0x1E900] =	vst v63  }
0x62: {  	s6 =	smov.u32 s0  }
0x63: {  	p0 =	sne.s32 s0, $0x4F0;
	s0 =	sadd.s32 $0x20, s0;
	_ =	swait.ge [sflag:s24], $0x4000  }
0x64: {  	[sflag:s24] =	ssyncset.done $0x0  }
0x65: {  	s30 =	sadd.s32 s6, s20;
	s13 =	sadd.s32 $0xFFFFFFF0, s6;
	[sflag:s24] =	ssyncadd.s32 $0xFFFFC000  }
0x66: {  	[spmem:s3] =	stream.indirect.scatter.add.f32 [tilespmem:s26], [sflag:$0x2], $0x80, s1, s28, $0xb8;
	[tilespmem:$0x1E900] =	vst v63  }
0x67: {  	s14 =	sadd.s32 $0xFFFFFFF0, s30;
	s13 =	sand.u32 $0x60, s13;
	_ =	swait.ge [sflag:s29], $0x4000  }
0x68: {  	s14 =	sand.u32 $0xFFFFF80, s14;
	s13 =	sadd.s32 s2, s13;
	[sflag:s29] =	ssyncset.done $0x0  }
0x69: {  	s13 =	sadd.s32 s14, s13;
	[sflag:s29] =	ssyncadd.s32 $0xFFFFC000  }
0x6a: {  	[tilespmem:s23], [sflag:$0x3] =	stream.linear.gather [hbm4b:s13+s4], $0x80, $0x38;
	[tilespmem:$0x1E900] =	vst v63  }
0x6b: {  	_ =	swait.ge [sflag:s21], $0x80  }
0x6c: {  	[sflag:s21] =	ssyncset.done $0x0  }
0x6d: {  	[sflag:s21] =	ssyncadd.s32 $0xFFFFFF80  }
0x6e: {  	[tilespmem:s22], [sflag:$0x1] =	stream.indirect.gather [hbm4b:s5+s28], $0x80, s23, s28, $0xb8;
	[tilespmem:$0x1E900] =	vst v63  }
0x6f: {  	_ =	swait.ge [sflag:s24], $0x4000  }
0x70: {  	[sflag:s24] =	ssyncset.done $0x0  }
0x71: {  	s13 =	sadd.s32 $0x80, s1;
	[sflag:s24] =	ssyncadd.s32 $0xFFFFC000  }
0x72: {  	[spmem:s3] =	stream.indirect.scatter.add.f32 [tilespmem:s22], [sflag:$0x2], $0x80, s13, s28, $0xb8;
	[tilespmem:$0x1E900] =	vst v63  }
0x73: {  	s6 =	sand.u32 $0x70, s6;
	_ =	swait.ge [sflag:s29], $0x4000  }
0x74: {  	s6 =	sadd.s32 s2, s6;
	s13 =	sand.u32 $0xFFFFF80, s30;
	[sflag:s29] =	ssyncset.done $0x0  }
.Ltmp1:
0x75: {  	s6 =	sadd.s32 s13, s6;
	[sflag:s29] =	ssyncadd.s32 $0xFFFFC000;
	(pc) =	sbr.rel @p0 .LBB2_4-.Ltmp1, $4  }
0x76: {  	[tilespmem:s25], [sflag:$0x3] =	stream.linear.gather [hbm4b:s6+s4], $0x80, $0x38;
	[tilespmem:$0x1E900] =	vst v63  }
0x77: {  	_ =	swait.ge [sflag:s21], $0x80  }
0x78: {  	[sflag:s21] =	ssyncset.done $0x0  }
0x79: {  	s1 =	sadd.s32 $0x100, s1;
	[sflag:s21] =	ssyncadd.s32 $0xFFFFFF80  }
0x7a: {  	[tilespmem:s26], [sflag:$0x1] =	stream.indirect.gather [hbm4b:s5+s28], $0x80, s25, s28, $0xb8;
	[tilespmem:$0x1E900] =	vst v63  }
0x7b: {  	_ =	swait.ge [sflag:s24], $0x4000  }
0x7c: {  	[sflag:s24] =	ssyncset.done $0x0  }
0x7d: {  	s0 =	simm.s32 $0x2780;
	[sflag:s24] =	ssyncadd.s32 $0xFFFFC000  }
0x7e: {  	[spmem:s3] =	stream.indirect.scatter.add.f32 [tilespmem:s26], [sflag:$0x2], $0x80, s0, s28, $0xb8;
	[tilespmem:$0x1E900] =	vst v63  }
0x7f: {  	_ =	swait.ge [sflag:s29], $0x4000  }
0x80: {  	[sflag:s29] =	ssyncset.done $0x0  }
0x81: {  	[sflag:s29] =	ssyncadd.s32 $0xFFFFC000  }
0x82: {  	_ =	swait.ge [sflag:s29], $0x4000  }
0x83: {  	[sflag:s29] =	ssyncset.done $0x0  }
0x84: {  	s1 =	stileid.u32;
	[sflag:s29] =	ssyncadd.s32 $0xFFFFC000  }
0x85: {  	s0 =	sshll.u32 s1, $0x6;
	[bflag:$0x0] =	sbarrier.arrive $0xFFFF  }
0x86: {  	s1 =	sshrl.u32 s7, $0x3;
	s0 =	sor.u32 $0x1C03, s0;
	s6 =	rddreg [dreg:$0x6]  }
0x87: {  	[hbm:s6], [sflag:s0] =	dma.local [spmem:s1], $0x800  }
0x88: {  	_ =	swait.ge [sflag:s21], $0x800  }
0x89: {  	[sflag:s21] =	ssyncset.done $0x0  }
0x8a: {  	s6 =	sshrl.u32 s8, $0x3;
	[sflag:s21] =	ssyncadd.s32 $0xFFFFF800  }
0x8b: {  	[hbm:s15], [sflag:s0] =	dma.local [spmem:s6], $0x800  }
0x8c: {  	_ =	swait.ge [sflag:s21], $0x800  }
0x8d: {  	[sflag:s21] =	ssyncset.done $0x0  }
0x8e: {  	s13 =	sshrl.u32 s9, $0x3;
	[sflag:s21] =	ssyncadd.s32 $0xFFFFF800  }
0x8f: {  	[hbm:s16], [sflag:s0] =	dma.local [spmem:s13], $0x800  }
0x90: {  	_ =	swait.ge [sflag:s21], $0x800  }
0x91: {  	[sflag:s21] =	ssyncset.done $0x0  }
0x92: {  	s14 =	sshrl.u32 s10, $0x3;
	[sflag:s21] =	ssyncadd.s32 $0xFFFFF800  }
0x93: {  	[hbm:s17], [sflag:s0] =	dma.local [spmem:s14], $0x800  }
0x94: {  	s31 =	sadd.s32 $0x1, s31;
	_ =	swait.ge [sflag:s21], $0x800  }
0x95: {  	p0 =	sne.s32 s31, s19;
	[sflag:s21] =	ssyncset.done $0x0  }
.Ltmp2:
0x96: {  	s30 =	sshrl.u32 s11, $0x3;
	[sflag:s21] =	ssyncadd.s32 $0xFFFFF800;
	(pc) =	sbr.rel @p0 .LBB2_1-.Ltmp2, $4  }
0x97: {  	[hbm:s18], [sflag:s0] =	dma.local [spmem:s30], $0x800  }
0x98: {  	_ =	swait.ge [sflag:s21], $0x800  }
0x99: {  	[sflag:s21] =	ssyncset.done $0x0  }
0x9a: {  	[sflag:s21] =	ssyncadd.s32 $0xFFFFF800  }
0x9b: {  	_ =	sfence.sel $0x180000  }
0x9c: {  	[bflag:$0x0] =	sbarrier.arrive $0xFFFF  }
0x9d: {  	_ =	strace $0x90000047  }
0x9e: {  	s0 =	stileid.u32;
	[bflag:$0x2] =	sbarrier.arrive $0xFFFF  }
0x9f: {  	p0 =	sne.s32 s0, $0x0;
	s0 =	rddreg [dreg:$0x3]  }
0xa0: {  	s0 =	sadd.s32 @!p0 $0x100000, s0  }
0xa1: {  	[sflag:s0] =	ssyncadd.tile.s32 @!p0 $0x1;
	_ =	shalt  }
.Lfunc_end2:
_tile_overlayer_lowered:
.L_overlay_start_2:
0xa2: {  	(tag) =	ssettag $0x2  }
0xa3: {  	s0 =	rddreg [dreg:$0x0];
	s2 =	stileid.u32  }
0xa4: {  	s1 =	rddreg [dreg:$0x1];
	p0 =	sne.s32 s2, $0x0  }
0xa5: {  	s3 =	rddreg [dreg:$0x2];
	[bflag:$0x3] =	sbarrier.arrive $0xFFFF;
	s2 =	simm.s32 @!p0 $0x1C03  }
0xa6: {  	[timem:s3], [sflag:s2] =	dma.local @!p0 [hbm:s0], s1  }
0xa7: {  	s0 =	simm.s32 @!p0 $0x3  }
0xa8: {  	_ =	swait.ge @!p0 [sflag:s0], s1  }
0xa9: {  	s1 =	ssub.s32 @!p0 $0x0, s1;
	[sflag:s0] =	ssyncset.done @!p0 $0x0  }
0xaa: {  	[sflag:s0] =	ssyncadd.s32 @!p0 s1  }
0xab: {  	[bflag:$0x3] =	sbarrier.arrive $0xFFFF  }
0xac: {  	_ =	shalt  }

// kernel: kernel.16.cloned.1.call-start
scs
__scs_entry_jumppad:
0x0: {  	(pc) =	sbr.rel $0x88, $3  }
0x1: {  	(tag) =	ssettag $0x0;
	lr =	simm.s32 $0x1  }
0x2: {  	[smem:$0x3F96] =	sst lr;
	_ =	strace $0xD0000000  }
0x3: {  	_ = 	snop  }
0x4: {  	_ = 	snop  }
0x5: {  	_ = 	snop  }
0x6: {  	_ = 	snop  }
0x7: {  	_ = 	snop  }
__scs_overlays_trampoline_lowered:
0x8: {  	[smem:$0x3FA5] =	sst s0  }
0x9: {  	[smem:$0x3FA6] =	sst s1  }
0xa: {  	[smem:$0x3FA7] =	sst s2  }
0xb: {  	[smem:$0x3FA8] =	sst s3  }
0xc: {  	[smem:$0x3FA9] =	sst s4  }
0xd: {  	[smem:$0x3FAA] =	sst s5  }
0xe: {  	[smem:$0x3FAB] =	sst s6  }
0xf: {  	[smem:$0x3FAC] =	sst s7  }
0x10: {  	[smem:$0x3FAD] =	sst s8  }
0x11: {  	[smem:$0x3FAE] =	sst s9;
	s0 =	simm.s32 @!p0 $0x0  }
0x12: {  	s1 =	sld [smem:$0x3F94];
	s0 =	simm.s32 @p0 $0x1  }
0x13: {  	[smem:$0x3FAF] =	sst s0;
	s0 =	simm.s32 @!p1 $0x0  }
0x14: {  	s2 =	sld [smem:$0x3F93];
	s0 =	simm.s32 @p1 $0x1  }
0x15: {  	[smem:$0x3FB0] =	sst s0;
	s0 =	simm.s32 @!p2 $0x0  }
0x16: {  	s3 =	sld [smem:$0x3FDB];
	s0 =	simm.s32 @p2 $0x1  }
0x17: {  	s4 =	simm.s32 $0x1BF5;
	[smem:$0x3FB2] =	sst s0  }
0x18: {  	s0 =	sld [smem:$0x3F95];
	_ =	swait.ge [sflag:s4], $0x0  }
0x19: {  	s7 =	sld [smem:$0x3F96]  }
0x1a: {  	s8 =	sadd.s32 $0xFFFFE003, lr  }
0x1b: {  	s9 =	sadd.s32 $0xFFFFFEF7, lr;
	s5 =	simm.s32 $0xFFFFFFFF;
	p2 =	slt.u32 s8, $0xFFFFF086  }
0x1c: {  	p1 =	slt.u32 s9, $0xF7A;
	s5 =	simm.s32 @!p2 $0x0  }
0x1d: {  	s5 =	simm.s32 @p1 $0x1;
	p0 =	seq.s32 s7, s2  }
0x1e: {  	s7 =	smul.u32 @!p0 $0xF7A, s2;
	p2 =	seq.s32 @!p0 s5, $0x0  }
0x1f: {  	s9 =	smul.u32 $0xF7A, s1;
	s8 =	simm.s32 @!p0 $0x1BF5;
	p2 =	por !p2, p0  }
0x20: {  	[sflag:s8] =	ssyncset.s32 @!p0 $0xFFFFF086;
	s6 =	sadd.s32 @!p0 s3, s7;
	s7 =	simm.s32 @!p0 $0x108  }
0x21: {  	s3 =	sadd.s32 s3, s9;
	s6 =	sadd.s32 @!p0 $0x88, s6;
	s7 =	simm.s32 @p2 $0x1082  }
0x22: {  	[simem:s7], [sflag:s8] =	dma.local @!p0 [hbm:s6], $0xF7A  }
0x23: {  	s9 =	sor.u32 $0xD0000000, s2;
	s6 =	simm.s32 $0x108;
	_ =	swait.ge @!p0 [sflag:s8], $0x0  }
0x24: {  	s3 =	sadd.s32 $0x88, s3;
	s6 =	simm.s32 @!p1 $0x1082;
	[sflag:s4] =	ssyncset.s32 $0xFFFFF086  }
0x25: {  	[simem:s6], [sflag:s4] =	dma.local [hbm:s3], $0xF7A  }
0x26: {  	[smem:$0x3F96] =	sst s1;
	(tag) =	ssettag s2;
	_ =	strace s9  }
0x27: {  	s1 =	sld [smem:$0x3FA6]  }
0x28: {  	s2 =	sld [smem:$0x3FA7]  }
0x29: {  	s4 =	sld [smem:$0x3FA9]  }
0x2a: {  	p0 =	seq.s32 s5, $0x0;
	s5 =	sld [smem:$0x3FAA]  }
0x2b: {  	s6 =	sld [smem:$0x3FAB]  }
0x2c: {  	s7 =	sld [smem:$0x3FAC]  }
0x2d: {  	s3 =	simm.s32 $0x108;
	s8 =	sld [smem:$0x3FAD]  }
0x2e: {  	s3 =	simm.s32 @!p0 $0x1082;
	s9 =	sld [smem:$0x3FAE]  }
0x2f: {  	lr =	sadd.s32 s0, s3;
	s0 =	sld [smem:$0x3FA5]  }
0x30: {  	s3 =	sld [smem:$0x3FA8]  }
0x31: {  	[smem:$0x3FB1] =	sst s10  }
0x32: {  	s10 =	sld [smem:$0x3FAF];
	_ =	sdelay $0x3  }
0x33: {  	p0 =	seq.s32 s10, $0x1;
	s10 =	sld [smem:$0x3FB1];
	_ =	sdelay $0x3  }
0x34: {  	[smem:$0x3FB1] =	sst s10  }
0x35: {  	s10 =	sld [smem:$0x3FB0];
	_ =	sdelay $0x3  }
0x36: {  	p1 =	seq.s32 s10, $0x1;
	s10 =	sld [smem:$0x3FB1];
	_ =	sdelay $0x3  }
0x37: {  	[smem:$0x3FB1] =	sst s10  }
0x38: {  	s10 =	sld [smem:$0x3FB2]  }
0x39: {  	_ = 	snop;
	(pc) =	sbr.ind lr, $3  }
0x3a: {  	_ = 	snop  }
0x3b: {  	_ = 	snop  }
0x3c: {  	p2 =	seq.s32 s10, $0x1;
	s10 =	sld [smem:$0x3FB1]  }
0x3d: {  	_ =	shalt  }
0x3e: {  	_ =	shalt  }
0x3f: {  	_ =	shalt  }
0x40: {  	_ =	shalt  }
0x41: {  	_ =	shalt  }
0x42: {  	_ =	shalt  }
0x43: {  	_ =	shalt  }
0x44: {  	_ =	shalt  }
0x45: {  	_ =	shalt  }
0x46: {  	_ =	shalt  }
0x47: {  	_ =	shalt  }
0x48: {  	_ =	shalt  }
0x49: {  	_ =	shalt  }
0x4a: {  	_ =	shalt  }
0x4b: {  	_ =	shalt  }
0x4c: {  	_ =	shalt  }
0x4d: {  	_ =	shalt  }
0x4e: {  	_ =	shalt  }
0x4f: {  	_ =	shalt  }
0x50: {  	_ =	shalt  }
0x51: {  	_ =	shalt  }
0x52: {  	_ =	shalt  }
0x53: {  	_ =	shalt  }
0x54: {  	_ =	shalt  }
0x55: {  	_ =	shalt  }
0x56: {  	_ =	shalt  }
0x57: {  	_ =	shalt  }
0x58: {  	_ =	shalt  }
0x59: {  	_ =	shalt  }
0x5a: {  	_ =	shalt  }
0x5b: {  	_ =	shalt  }
0x5c: {  	_ =	shalt  }
0x5d: {  	_ =	shalt  }
0x5e: {  	_ =	shalt  }
0x5f: {  	_ =	shalt  }
0x60: {  	_ =	shalt  }
0x61: {  	_ =	shalt  }
0x62: {  	_ =	shalt  }
0x63: {  	_ =	shalt  }
0x64: {  	_ =	shalt  }
0x65: {  	_ =	shalt  }
0x66: {  	_ =	shalt  }
0x67: {  	_ =	shalt  }
0x68: {  	_ =	shalt  }
0x69: {  	_ =	shalt  }
0x6a: {  	_ =	shalt  }
0x6b: {  	_ =	shalt  }
0x6c: {  	_ =	shalt  }
0x6d: {  	_ =	shalt  }
0x6e: {  	_ =	shalt  }
0x6f: {  	_ =	shalt  }
0x70: {  	_ =	shalt  }
0x71: {  	_ =	shalt  }
0x72: {  	_ =	shalt  }
0x73: {  	_ =	shalt  }
0x74: {  	_ =	shalt  }
0x75: {  	_ =	shalt  }
0x76: {  	_ =	shalt  }
0x77: {  	_ =	shalt  }
0x78: {  	_ =	shalt  }
0x79: {  	_ =	shalt  }
0x7a: {  	_ =	shalt  }
0x7b: {  	_ =	shalt  }
0x7c: {  	_ =	shalt  }
0x7d: {  	_ =	shalt  }
0x7e: {  	_ =	shalt  }
0x7f: {  	_ =	shalt  }
0x80: {  	_ =	shalt  }
0x81: {  	_ =	shalt  }
0x82: {  	_ =	shalt  }
0x83: {  	_ =	shalt  }
0x84: {  	_ =	shalt  }
0x85: {  	_ =	shalt  }
0x86: {  	_ =	shalt  }
0x87: {  	_ =	shalt  }
.Lfunc_end0:
.L_simem_size_0:
called_computation.2_lowered:
.L_overlay_start_0:
0x88: {  	s2 =	sld [smem:$0x3FD9]  }
0x89: {  	s3 =	sld [smem:$0x3FFE];
	_ =	sdelay $0x1  }
0x8a: {  	s1 =	srdreg.scid  }
0x8b: {  	s0 =	sand.u32 $0x1, s1  }
0x8c: {  	s17 =	sshll.u32 s0, $0xA;
	s2 =	sadd.s32 s3, s2  }
0x8d: {  	s2 =	sadd.s32 s2, s17  }
0x8e: {  	[smem:$0x3FBD] =	sst s2  }
0x8f: {  	_ = 	snop  }
0x90: {  	s2 =	sld [smem:$0x3FD0];
	(tm) =	ssettm $0x1  }
0x91: {  	s18 =	sld [smem:$0x3FFB];
	_ =	sdelay $0x3  }
0x92: {  	_ =	strace s18  }
0x93: {  	s3 =	sld [smem:$0x3FFC];
	_ =	sdelay $0x3  }
0x94: {  	_ =	strace s3  }
0x95: {  	s3 =	sld [smem:$0x3FFD];
	_ =	sdelay $0x3  }
0x96: {  	_ =	strace s3  }
0x97: {  	_ =	strace $0x8FFFFFFF  }
0x98: {  	s19 =	sld [smem:$0x3FDB];
	_ =	sdelay $0x1  }
0x99: {  	s4 =	simm.s32 $_scs_section_size  }
0x9a: {  	s5 =	simm.s32 $_size__tile_overlayer_lowered;
	s6 =	simm.s32 $_tile_overlayer_lowered  }
0x9b: {  	s22 =	simm.s32 $0x1BFF;
	s21 =	sshll.u32 s6, $0x1;
	s3 =	sadd.s32 s4, s19  }
0x9c: {  	s7 =	simm.s32 $0x0;
	s20 =	sshll.u32 s5, $0x1;
	s5 =	sadd.s32 s21, s3  }
0x9d: {  	[timem:s7], [sflag:s22] =	dma.local [hbm:s5], s20  }
0x9e: {  	_ =	swait.ge [sflag:s22], s20  }
0x9f: {  	s4 =	ssub.s32 $0x0, s20;
	[sflag:s22] =	ssyncset.done $0x0  }
0xa0: {  	[sflag:s22] =	ssyncadd.s32 s4;
	_ =	sdelay $0x1  }
0xa1: {  	s23 =	simm.s32 $0x1B8B  }
0xa2: {  	_ =	swait.ge [sflag:s23], $0x1  }
0xa3: {  	[sflag:s23] =	ssyncset.done $0x0  }
0xa4: {  	s25 =	simm.s32 $0x1B8E;
	s24 =	sld [smem:$0x3FFE];
	[sflag:s23] =	ssyncadd.s32 $0xFFFFFFFF  }
0xa5: {  	s26 =	simm.s32 $execute0_lowered;
	[smem:$0x3FD2] =	sst s25  }
0xa6: {  	s5 =	sshll.u32 s26, $0x1;
	_ =	strace $0x8000004C;
	[dreg:$0x1] =	wrdreg $0xFFFFFFFF  }
0xa7: {  	s28 =	simm.s32 $_size_execute0_lowered;
	s3 =	sadd.s32 s3, s5;
	[dreg:$0x0] =	wrdreg $0x0  }
0xa8: {  	s5 =	sshll.u32 s28, $0x1;
	[dreg:$0x2] =	wrdreg s3  }
0xa9: {  	[dreg:$0x3] =	wrdreg s5  }
0xaa: {  	[dreg:$0x4] =	wrdreg $0xC0  }
0xab: {  	_ =	task [dreg:s7], $0x5FFFF  }
0xac: {  	[dreg:$0x1] =	wrdreg $0xFFFFFFFF  }
0xad: {  	[dreg:$0x0] =	wrdreg $0x60  }
0xae: {  	[dreg:$0x2] =	wrdreg s24  }
0xaf: {  	[dreg:$0x3] =	wrdreg s2  }
0xb0: {  	[dreg:$0x4] =	wrdreg $0xA9000  }
0xb1: {  	[dreg:$0x5] =	wrdreg $0x9  }
0xb2: {  	_ =	task.clear_ibuf [dreg:s7], $0x6FFFF;
	_ =	strace $0x9000004C  }
0xb3: {  	s29 =	simm.s32 $0x9;
	_ =	strace $0x8000004E  }
0xb4: {  	_ =	swait.ge [sflag:s29], $0x1  }
0xb5: {  	[sflag:s29] =	ssyncadd.s32 $0xFFFFFFFF  }
0xb6: {  	_ =	strace $0x9000004E  }
0xb7: {  	_ =	sfence  }
0xb8: {  	s30 =	sld [smem:$0x0];
	_ =	sdelay $0x2  }
0xb9: {  	s31 =	sshll.u32 s1, $0xD;
	s1 =	sshrl.u32 s1, $0x2  }
0xba: {  	s3 =	sand.u32 $0x4000, s31;
	s1 =	sadd.s32 s1, s30  }
0xbb: {  	s0 =	sor.u32 s3, s0;
	s1 =	sshll.u32 s1, $0x11  }
0xbc: {  	s0 =	sor.u32 s1, s0  }
0xbd: {  	s0 =	sadd.s32 $0x8F2B, s0  }
0xbe: {  	[sflag:s0] =	ssyncadd.remote.s32 $0x1  }
0xbf: {  	_ =	sfence.sel $0xFFFF  }
0xc0: {  	[dreg:$0x0] =	wrdreg $0xFFFFFFFF;
	(pc) =	sbr.abs _section_cstart, $3  }
0xc1: {  	[dreg:$0x1] =	wrdreg $0xFFFFFFFF  }
0xc2: {  	_ =	task.clear_ibuf [dreg:s7], $0x2FFFF;
	_ =	strace $0x9FFFFFFF  }
0xc3: {  	(tm) =	ssettm $0x7FFFFFFF  }
tec
execute0_lowered:
.L_overlay_start_1:
0x0: {  	(tag) =	ssettag $0x1  }
0x1: {  	s0 =	rddreg [dreg:$0x0]  }
0x2: {  	s2 =	rddreg [dreg:$0x1]  }
0x3: {  	s3 =	rddreg [dreg:$0x2]  }
0x4: {  	s1 =	srdreg.scid;
	s13 =	stileid.u32  }
0x5: {  	s4 =	simm.s32 $0x0;
	s21 =	simm.s32 $0x3;
	s22 =	simm.s32 $0x2900  }
0x6: {  	s23 =	simm.s32 $0x2800;
	s28 =	simm.s32 $0x80;
	s7 =	smul.u32 $0x50000, s13  }
0x7: {  	s29 =	simm.s32 $0x2;
	s31 =	simm.s32 $0x0;
	s14 =	smul.u32 $0x14000, s13  }
0x8: {  	s1 =	sand.u32 $0x1, s1;
	s5 =	sshll.u32 s13, $0x1;
	s30 =	smul.u32 $0xA00, s13  }
0x9: {  	[smem:$0x7FF] =	sst s4;
	s5 =	sor.u32 s1, s5;
	s20 =	smul.u32 $0x140000, s1  }
0xa: {  	_ =	strace $0x8000004D;
	s6 =	ssub.s32 $0x2, s1;
	s1 =	smul.u32 $0x500, s1  }
0xb: {  	s12 =	smul.u32 $0x500, s5;
	s5 =	sadd.s32 $0x3200, s0;
	s9 =	sshrl.u32 s6, $0x1  }
0xc: {  	s7 =	sshrl.u32 s7, $0x2;
	s15 =	sadd.s32 $0x4000, s14;
	s16 =	sadd.s32 $0x8000, s14  }
0xd: {  	s17 =	sadd.s32 $0xC000, s14;
	s18 =	sadd.s32 $0x10000, s14;
	s19 =	ssub.s32 s6, s9  }
0xe: {  	s7 =	sadd.s32 s7, s3;
	s9 =	sadd.s32 s16, s3;
	s10 =	sadd.s32 s17, s3  }
0xf: {  	s11 =	sadd.s32 s18, s3;
	s14 =	sadd.s32 s14, s20;
	s16 =	sadd.s32 s20, s16  }
0x10: {  	s17 =	sadd.s32 s20, s17;
	s18 =	sadd.s32 s20, s18;
	s8 =	sadd.s32 s12, s0  }
0x11: {  	s0 =	sadd.s32 $0x5D200, s0;
	s12 =	sadd.s32 s2, s12;
	s14 =	sshrl.u32 s14, $0x3  }
0x12: {  	s16 =	sshrl.u32 s16, $0x3;
	s17 =	sshrl.u32 s17, $0x3;
	s18 =	sshrl.u32 s18, $0x3  }
0x13: {  	s19 =	smax.u32 s19, $0x1;
	s24 =	sadd.s32 $0x53200, s8;
	s8 =	sadd.s32 s15, s3  }
0x14: {  	s25 =	sadd.s32 $0x10, s12;
	s15 =	sadd.s32 s20, s15;
	s26 =	sadd.s32 s0, s14  }
0x15: {  	s16 =	sadd.s32 s0, s16;
	s17 =	sadd.s32 s0, s17;
	[dreg:$0x4] =	wrdreg s24  }
0x16: {  	s18 =	sadd.s32 s0, s18;
	s20 =	sadd.s32 s1, s30;
	[dreg:$0x5] =	wrdreg s25  }
0x17: {  	s15 =	sshrl.u32 s15, $0x3;
	[dreg:$0x6] =	wrdreg s26;
	s24 =	simm.s32 $0x1  }
0x18: {  	v0 =	vimm.f32 $0.0e+00;
	s25 =	simm.s32 $0x2880;
	s26 =	simm.s32 $0x6900;
	s15 =	sadd.s32 s0, s15  }
.LBB2_1:
0x19: {  	s0 =	rddreg [dreg:$0x4]  }
0x1a: {  	[tilespmem:s4], [sflag:$0x3] =	stream.linear.gather [hbm4b:s0+s4], $0x2800, $0x38;
	[tilespmem:$0x1E900] =	vst v63  }
0x1b: {  	s14 =	sand.u32 $0xFE00, s4;
	s1 =	sand.u32 $0x70, s4;
	_ =	swait.ge [sflag:s21], $0x2800  }
0x1c: {  	s30 =	sshrl.u32 s14, $0x2;
	s0 =	simm.s32 $0x40;
	[sflag:s21] =	ssyncset.done $0x0  }
0x1d: {  	s30 =	sor.u32 s1, s30;
	s1 =	simm.s32 $0x0;
	[sflag:s21] =	ssyncadd.s32 $0xFFFFD800  }
.LBB2_2:
0x1e: {  	p0 =	sne.s32 s0, $0xFFC0  }
0x1f: {  	[tilespmem:s30+$0x2900] =	vst v0;
	s1 =	sadd.s32 $0x10, s1;
	s30 =	smov.u32 s0;
	s0 =	sadd.s32 $0x40, s0  }
.Ltmp0:
0x20: {  	(pc) =	sbr.rel @p0 .LBB2_2-.Ltmp0, $4  }
0x21: {  	_ = 	snop  }
0x22: {  	s30 =	sand.u32 $0xFE00, s30  }
0x23: {  	s6 =	sand.u32 $0x70, s1;
	s30 =	sshrl.u32 s30, $0x2  }
0x24: {  	s30 =	sor.u32 s6, s30  }
0x25: {  	[tilespmem:s30+$0x2900] =	vst v0  }
0x26: {  	[spmem:s7] =	stream.linear.scatter [tilespmem:s22], [sflag:$0x3], $0x4000, $0x38;
	[tilespmem:$0x1E900] =	vst v63  }
0x27: {  	_ =	swait.ge [sflag:s21], $0x4000  }
0x28: {  	[sflag:s21] =	ssyncset.done $0x0  }
0x29: {  	[sflag:s21] =	ssyncadd.s32 $0xFFFFC000  }
0x2a: {  	[spmem:s8] =	stream.linear.scatter [tilespmem:s22], [sflag:$0x3], $0x4000, $0x38;
	[tilespmem:$0x1E900] =	vst v63  }
0x2b: {  	_ =	swait.ge [sflag:s21], $0x4000  }
0x2c: {  	[sflag:s21] =	ssyncset.done $0x0  }
0x2d: {  	[sflag:s21] =	ssyncadd.s32 $0xFFFFC000  }
0x2e: {  	[spmem:s9] =	stream.linear.scatter [tilespmem:s22], [sflag:$0x3], $0x4000, $0x38;
	[tilespmem:$0x1E900] =	vst v63  }
0x2f: {  	_ =	swait.ge [sflag:s21], $0x4000  }
0x30: {  	[sflag:s21] =	ssyncset.done $0x0  }
0x31: {  	[sflag:s21] =	ssyncadd.s32 $0xFFFFC000  }
0x32: {  	[spmem:s10] =	stream.linear.scatter [tilespmem:s22], [sflag:$0x3], $0x4000, $0x38;
	[tilespmem:$0x1E900] =	vst v63  }
0x33: {  	_ =	swait.ge [sflag:s21], $0x4000  }
0x34: {  	[sflag:s21] =	ssyncset.done $0x0  }
0x35: {  	[sflag:s21] =	ssyncadd.s32 $0xFFFFC000  }
0x36: {  	[spmem:s11] =	stream.linear.scatter [tilespmem:s22], [sflag:$0x3], $0x4000, $0x38;
	[tilespmem:$0x1E900] =	vst v63  }
0x37: {  	_ =	swait.ge [sflag:s21], $0x4000  }
0x38: {  	[sflag:s21] =	ssyncset.done $0x0  }
0x39: {  	[sflag:s21] =	ssyncadd.s32 $0xFFFFC000  }
0x3a: {  	[bflag:$0x0] =	sbarrier.arrive $0xFFFF  }
0x3b: {  	[tilespmem:s23], [sflag:$0x3] =	stream.linear.gather [hbm4b:s12+s4], $0x80, $0x38;
	[tilespmem:$0x1E900] =	vst v63  }
0x3c: {  	_ =	swait.ge [sflag:s21], $0x80  }
0x3d: {  	[sflag:s21] =	ssyncset.done $0x0  }
0x3e: {  	s0 =	simm.s32 $0x80;
	[sflag:s21] =	ssyncadd.s32 $0xFFFFFF80  }
0x3f: {  	[tilespmem:s22], [sflag:$0x1] =	stream.indirect.gather [hbm4b:s5+s0], $0x80, s23, s0, $0xb8;
	[tilespmem:$0x1E900] =	vst v63  }
0x40: {  	_ =	swait.ge [sflag:s24], $0x4000  }
0x41: {  	[sflag:s24] =	ssyncset.done $0x0  }
0x42: {  	[sflag:s24] =	ssyncadd.s32 $0xFFFFC000  }
0x43: {  	[spmem:s3] =	stream.indirect.scatter.add.f32 [tilespmem:s22], [sflag:$0x2], $0x80, s4, s0, $0xb8;
	[tilespmem:$0x1E900] =	vst v63  }
0x44: {  	s1 =	rddreg [dreg:$0x5]  }
0x45: {  	[tilespmem:s25], [sflag:$0x3] =	stream.linear.gather [hbm4b:s1+s4], $0x80, $0x38;
	[tilespmem:$0x1E900] =	vst v63  }
0x46: {  	_ =	swait.ge [sflag:s21], $0x80  }
0x47: {  	[sflag:s21] =	ssyncset.done $0x0  }
0x48: {  	[sflag:s21] =	ssyncadd.s32 $0xFFFFFF80  }
0x49: {  	[tilespmem:s26], [sflag:$0x1] =	stream.indirect.gather [hbm4b:s5+s0], $0x80, s25, s0, $0xb8;
	[tilespmem:$0x1E900] =	vst v63  }
0x4a: {  	_ =	swait.ge [sflag:s24], $0x4000  }
0x4b: {  	[sflag:s24] =	ssyncset.done $0x0  }
0x4c: {  	s6 =	simm.s32 $0x20;
	s1 =	sadd.s32 $0x30, s20;
	[sflag:s24] =	ssyncadd.s32 $0xFFFFC000  }
0x4d: {  	[spmem:s3] =	stream.indirect.scatter.add.f32 [tilespmem:s26], [sflag:$0x2], $0x80, s0, s28, $0xb8;
	[tilespmem:$0x1E900] =	vst v63  }
0x4e: {  	s6 =	sand.u32 $0x60, s6;
	s13 =	sadd.s32 $0xFFFFFFF0, s1;
	_ =	swait.ge [sflag:s29], $0x4000  }
0x4f: {  	s6 =	sadd.s32 s2, s6;
	s0 =	sand.u32 $0xFFFFF80, s13;
	[sflag:s29] =	ssyncset.done $0x0  }
0x50: {  	s0 =	sadd.s32 s0, s6;
	[sflag:s29] =	ssyncadd.s32 $0xFFFFC000  }
0x51: {  	[tilespmem:s23], [sflag:$0x3] =	stream.linear.gather [hbm4b:s0+s4], $0x80, $0x38;
	[tilespmem:$0x1E900] =	vst v63  }
0x52: {  	_ =	swait.ge [sflag:s21], $0x80  }
0x53: {  	[sflag:s21] =	ssyncset.done $0x0  }
0x54: {  	[sflag:s21] =	ssyncadd.s32 $0xFFFFFF80  }
0x55: {  	[tilespmem:s22], [sflag:$0x1] =	stream.indirect.gather [hbm4b:s5+s28], $0x80, s23, s28, $0xb8;
	[tilespmem:$0x1E900] =	vst v63  }
0x56: {  	_ =	swait.ge [sflag:s24], $0x4000  }
0x57: {  	[sflag:s24] =	ssyncset.done $0x0  }
0x58: {  	s14 =	simm.s32 $0x30;
	s30 =	simm.s32 $0x100;
	[sflag:s24] =	ssyncadd.s32 $0xFFFFC000  }
0x59: {  	[spmem:s3] =	stream.indirect.scatter.add.f32 [tilespmem:s22], [sflag:$0x2], $0x80, s30, s28, $0xb8;
	[tilespmem:$0x1E900] =	vst v63  }
0x5a: {  	s0 =	sand.u32 $0x70, s14;
	_ =	swait.ge [sflag:s29], $0x4000  }
0x5b: {  	s1 =	sand.u32 $0xFFFFF80, s1;
	s0 =	sadd.s32 s2, s0;
	[sflag:s29] =	ssyncset.done $0x0  }
0x5c: {  	s0 =	sadd.s32 s1, s0;
	[sflag:s29] =	ssyncadd.s32 $0xFFFFC000  }
0x5d: {  	[tilespmem:s25], [sflag:$0x3] =	stream.linear.gather [hbm4b:s0+s4], $0x80, $0x38;
	[tilespmem:$0x1E900] =	vst v63  }
0x5e: {  	_ =	swait.ge [sflag:s21], $0x80  }
0x5f: {  	[sflag:s21] =	ssyncset.done $0x0  }
0x60: {  	s1 =	simm.s32 $0x180;
	s0 =	simm.s32 $0x50;
	[sflag:s21] =	ssyncadd.s32 $0xFFFFFF80  }
.LBB2_4:
0x61: {  	[tilespmem:s26], [sflag:$0x1] =	stream.indirect.gather [hbm4b:s5+s28], $0x80, s25, s28, $0xb8;
	[tilespmem:$0x1E900] =	vst v63  }
0x62: {  	s6 =	smov.u32 s0  }
0x63: {  	p0 =	sne.s32 s0, $0x4F0;
	s0 =	sadd.s32 $0x20, s0;
	_ =	swait.ge [sflag:s24], $0x4000  }
0x64: {  	[sflag:s24] =	ssyncset.done $0x0  }
0x65: {  	s30 =	sadd.s32 s6, s20;
	s13 =	sadd.s32 $0xFFFFFFF0, s6;
	[sflag:s24] =	ssyncadd.s32 $0xFFFFC000  }
0x66: {  	[spmem:s3] =	stream.indirect.scatter.add.f32 [tilespmem:s26], [sflag:$0x2], $0x80, s1, s28, $0xb8;
	[tilespmem:$0x1E900] =	vst v63  }
0x67: {  	s14 =	sadd.s32 $0xFFFFFFF0, s30;
	s13 =	sand.u32 $0x60, s13;
	_ =	swait.ge [sflag:s29], $0x4000  }
0x68: {  	s14 =	sand.u32 $0xFFFFF80, s14;
	s13 =	sadd.s32 s2, s13;
	[sflag:s29] =	ssyncset.done $0x0  }
0x69: {  	s13 =	sadd.s32 s14, s13;
	[sflag:s29] =	ssyncadd.s32 $0xFFFFC000  }
0x6a: {  	[tilespmem:s23], [sflag:$0x3] =	stream.linear.gather [hbm4b:s13+s4], $0x80, $0x38;
	[tilespmem:$0x1E900] =	vst v63  }
0x6b: {  	_ =	swait.ge [sflag:s21], $0x80  }
0x6c: {  	[sflag:s21] =	ssyncset.done $0x0  }
0x6d: {  	[sflag:s21] =	ssyncadd.s32 $0xFFFFFF80  }
0x6e: {  	[tilespmem:s22], [sflag:$0x1] =	stream.indirect.gather [hbm4b:s5+s28], $0x80, s23, s28, $0xb8;
	[tilespmem:$0x1E900] =	vst v63  }
0x6f: {  	_ =	swait.ge [sflag:s24], $0x4000  }
0x70: {  	[sflag:s24] =	ssyncset.done $0x0  }
0x71: {  	s13 =	sadd.s32 $0x80, s1;
	[sflag:s24] =	ssyncadd.s32 $0xFFFFC000  }
0x72: {  	[spmem:s3] =	stream.indirect.scatter.add.f32 [tilespmem:s22], [sflag:$0x2], $0x80, s13, s28, $0xb8;
	[tilespmem:$0x1E900] =	vst v63  }
0x73: {  	s6 =	sand.u32 $0x70, s6;
	_ =	swait.ge [sflag:s29], $0x4000  }
0x74: {  	s6 =	sadd.s32 s2, s6;
	s13 =	sand.u32 $0xFFFFF80, s30;
	[sflag:s29] =	ssyncset.done $0x0  }
.Ltmp1:
0x75: {  	s6 =	sadd.s32 s13, s6;
	[sflag:s29] =	ssyncadd.s32 $0xFFFFC000;
	(pc) =	sbr.rel @p0 .LBB2_4-.Ltmp1, $4  }
0x76: {  	[tilespmem:s25], [sflag:$0x3] =	stream.linear.gather [hbm4b:s6+s4], $0x80, $0x38;
	[tilespmem:$0x1E900] =	vst v63  }
0x77: {  	_ =	swait.ge [sflag:s21], $0x80  }
0x78: {  	[sflag:s21] =	ssyncset.done $0x0  }
0x79: {  	s1 =	sadd.s32 $0x100, s1;
	[sflag:s21] =	ssyncadd.s32 $0xFFFFFF80  }
0x7a: {  	[tilespmem:s26], [sflag:$0x1] =	stream.indirect.gather [hbm4b:s5+s28], $0x80, s25, s28, $0xb8;
	[tilespmem:$0x1E900] =	vst v63  }
0x7b: {  	_ =	swait.ge [sflag:s24], $0x4000  }
0x7c: {  	[sflag:s24] =	ssyncset.done $0x0  }
0x7d: {  	s0 =	simm.s32 $0x2780;
	[sflag:s24] =	ssyncadd.s32 $0xFFFFC000  }
0x7e: {  	[spmem:s3] =	stream.indirect.scatter.add.f32 [tilespmem:s26], [sflag:$0x2], $0x80, s0, s28, $0xb8;
	[tilespmem:$0x1E900] =	vst v63  }
0x7f: {  	_ =	swait.ge [sflag:s29], $0x4000  }
0x80: {  	[sflag:s29] =	ssyncset.done $0x0  }
0x81: {  	[sflag:s29] =	ssyncadd.s32 $0xFFFFC000  }
0x82: {  	_ =	swait.ge [sflag:s29], $0x4000  }
0x83: {  	[sflag:s29] =	ssyncset.done $0x0  }
0x84: {  	s1 =	stileid.u32;
	[sflag:s29] =	ssyncadd.s32 $0xFFFFC000  }
0x85: {  	s0 =	sshll.u32 s1, $0x6;
	[bflag:$0x0] =	sbarrier.arrive $0xFFFF  }
0x86: {  	s1 =	sshrl.u32 s7, $0x3;
	s0 =	sor.u32 $0x1C03, s0;
	s6 =	rddreg [dreg:$0x6]  }
0x87: {  	[hbm:s6], [sflag:s0] =	dma.local [spmem:s1], $0x800  }
0x88: {  	_ =	swait.ge [sflag:s21], $0x800  }
0x89: {  	[sflag:s21] =	ssyncset.done $0x0  }
0x8a: {  	s6 =	sshrl.u32 s8, $0x3;
	[sflag:s21] =	ssyncadd.s32 $0xFFFFF800  }
0x8b: {  	[hbm:s15], [sflag:s0] =	dma.local [spmem:s6], $0x800  }
0x8c: {  	_ =	swait.ge [sflag:s21], $0x800  }
0x8d: {  	[sflag:s21] =	ssyncset.done $0x0  }
0x8e: {  	s13 =	sshrl.u32 s9, $0x3;
	[sflag:s21] =	ssyncadd.s32 $0xFFFFF800  }
0x8f: {  	[hbm:s16], [sflag:s0] =	dma.local [spmem:s13], $0x800  }
0x90: {  	_ =	swait.ge [sflag:s21], $0x800  }
0x91: {  	[sflag:s21] =	ssyncset.done $0x0  }
0x92: {  	s14 =	sshrl.u32 s10, $0x3;
	[sflag:s21] =	ssyncadd.s32 $0xFFFFF800  }
0x93: {  	[hbm:s17], [sflag:s0] =	dma.local [spmem:s14], $0x800  }
0x94: {  	s31 =	sadd.s32 $0x1, s31;
	_ =	swait.ge [sflag:s21], $0x800  }
0x95: {  	p0 =	sne.s32 s31, s19;
	[sflag:s21] =	ssyncset.done $0x0  }
.Ltmp2:
0x96: {  	s30 =	sshrl.u32 s11, $0x3;
	[sflag:s21] =	ssyncadd.s32 $0xFFFFF800;
	(pc) =	sbr.rel @p0 .LBB2_1-.Ltmp2, $4  }
0x97: {  	[hbm:s18], [sflag:s0] =	dma.local [spmem:s30], $0x800  }
0x98: {  	_ =	swait.ge [sflag:s21], $0x800  }
0x99: {  	[sflag:s21] =	ssyncset.done $0x0  }
0x9a: {  	[sflag:s21] =	ssyncadd.s32 $0xFFFFF800  }
0x9b: {  	_ =	sfence.sel $0x180000  }
0x9c: {  	[bflag:$0x0] =	sbarrier.arrive $0xFFFF  }
0x9d: {  	_ =	strace $0x9000004D  }
0x9e: {  	s0 =	stileid.u32;
	[bflag:$0x2] =	sbarrier.arrive $0xFFFF  }
0x9f: {  	p0 =	sne.s32 s0, $0x0;
	s0 =	rddreg [dreg:$0x3]  }
0xa0: {  	s0 =	sadd.s32 @!p0 $0x100000, s0  }
0xa1: {  	[sflag:s0] =	ssyncadd.tile.s32 @!p0 $0x1;
	_ =	shalt  }
.Lfunc_end2:
_tile_overlayer_lowered:
.L_overlay_start_2:
0xa2: {  	(tag) =	ssettag $0x2  }
0xa3: {  	s0 =	rddreg [dreg:$0x0];
	s2 =	stileid.u32  }
0xa4: {  	s1 =	rddreg [dreg:$0x1];
	p0 =	sne.s32 s2, $0x0  }
0xa5: {  	s3 =	rddreg [dreg:$0x2];
	[bflag:$0x3] =	sbarrier.arrive $0xFFFF;
	s2 =	simm.s32 @!p0 $0x1C03  }
0xa6: {  	[timem:s3], [sflag:s2] =	dma.local @!p0 [hbm:s0], s1  }
0xa7: {  	s0 =	simm.s32 @!p0 $0x3  }
0xa8: {  	_ =	swait.ge @!p0 [sflag:s0], s1  }
0xa9: {  	s1 =	ssub.s32 @!p0 $0x0, s1;
	[sflag:s0] =	ssyncset.done @!p0 $0x0  }
0xaa: {  	[sflag:s0] =	ssyncadd.s32 @!p0 s1  }
0xab: {  	[bflag:$0x3] =	sbarrier.arrive $0xFFFF  }
0xac: {  	_ =	shalt  }

// kernel: kernel.19.cloned.1.call-start
scs
__scs_entry_jumppad:
0x0: {  	(pc) =	sbr.rel $0x88, $3  }
0x1: {  	(tag) =	ssettag $0x0;
	lr =	simm.s32 $0x1  }
0x2: {  	[smem:$0x3F96] =	sst lr;
	_ =	strace $0xD0000000  }
0x3: {  	_ = 	snop  }
0x4: {  	_ = 	snop  }
0x5: {  	_ = 	snop  }
0x6: {  	_ = 	snop  }
0x7: {  	_ = 	snop  }
__scs_overlays_trampoline_lowered:
0x8: {  	[smem:$0x3FA5] =	sst s0  }
0x9: {  	[smem:$0x3FA6] =	sst s1  }
0xa: {  	[smem:$0x3FA7] =	sst s2  }
0xb: {  	[smem:$0x3FA8] =	sst s3  }
0xc: {  	[smem:$0x3FA9] =	sst s4  }
0xd: {  	[smem:$0x3FAA] =	sst s5  }
0xe: {  	[smem:$0x3FAB] =	sst s6  }
0xf: {  	[smem:$0x3FAC] =	sst s7  }
0x10: {  	[smem:$0x3FAD] =	sst s8  }
0x11: {  	[smem:$0x3FAE] =	sst s9;
	s0 =	simm.s32 @!p0 $0x0  }
0x12: {  	s1 =	sld [smem:$0x3F94];
	s0 =	simm.s32 @p0 $0x1  }
0x13: {  	[smem:$0x3FAF] =	sst s0;
	s0 =	simm.s32 @!p1 $0x0  }
0x14: {  	s2 =	sld [smem:$0x3F93];
	s0 =	simm.s32 @p1 $0x1  }
0x15: {  	[smem:$0x3FB0] =	sst s0;
	s0 =	simm.s32 @!p2 $0x0  }
0x16: {  	s3 =	sld [smem:$0x3FDB];
	s0 =	simm.s32 @p2 $0x1  }
0x17: {  	s4 =	simm.s32 $0x1BF5;
	[smem:$0x3FB2] =	sst s0  }
0x18: {  	s0 =	sld [smem:$0x3F95];
	_ =	swait.ge [sflag:s4], $0x0  }
0x19: {  	s7 =	sld [smem:$0x3F96]  }
0x1a: {  	s8 =	sadd.s32 $0xFFFFE003, lr  }
0x1b: {  	s9 =	sadd.s32 $0xFFFFFEF7, lr;
	s5 =	simm.s32 $0xFFFFFFFF;
	p2 =	slt.u32 s8, $0xFFFFF086  }
0x1c: {  	p1 =	slt.u32 s9, $0xF7A;
	s5 =	simm.s32 @!p2 $0x0  }
0x1d: {  	s5 =	simm.s32 @p1 $0x1;
	p0 =	seq.s32 s7, s2  }
0x1e: {  	s7 =	smul.u32 @!p0 $0xF7A, s2;
	p2 =	seq.s32 @!p0 s5, $0x0  }
0x1f: {  	s9 =	smul.u32 $0xF7A, s1;
	s8 =	simm.s32 @!p0 $0x1BF5;
	p2 =	por !p2, p0  }
0x20: {  	[sflag:s8] =	ssyncset.s32 @!p0 $0xFFFFF086;
	s6 =	sadd.s32 @!p0 s3, s7;
	s7 =	simm.s32 @!p0 $0x108  }
0x21: {  	s3 =	sadd.s32 s3, s9;
	s6 =	sadd.s32 @!p0 $0x88, s6;
	s7 =	simm.s32 @p2 $0x1082  }
0x22: {  	[simem:s7], [sflag:s8] =	dma.local @!p0 [hbm:s6], $0xF7A  }
0x23: {  	s9 =	sor.u32 $0xD0000000, s2;
	s6 =	simm.s32 $0x108;
	_ =	swait.ge @!p0 [sflag:s8], $0x0  }
0x24: {  	s3 =	sadd.s32 $0x88, s3;
	s6 =	simm.s32 @!p1 $0x1082;
	[sflag:s4] =	ssyncset.s32 $0xFFFFF086  }
0x25: {  	[simem:s6], [sflag:s4] =	dma.local [hbm:s3], $0xF7A  }
0x26: {  	[smem:$0x3F96] =	sst s1;
	(tag) =	ssettag s2;
	_ =	strace s9  }
0x27: {  	s1 =	sld [smem:$0x3FA6]  }
0x28: {  	s2 =	sld [smem:$0x3FA7]  }
0x29: {  	s4 =	sld [smem:$0x3FA9]  }
0x2a: {  	p0 =	seq.s32 s5, $0x0;
	s5 =	sld [smem:$0x3FAA]  }
0x2b: {  	s6 =	sld [smem:$0x3FAB]  }
0x2c: {  	s7 =	sld [smem:$0x3FAC]  }
0x2d: {  	s3 =	simm.s32 $0x108;
	s8 =	sld [smem:$0x3FAD]  }
0x2e: {  	s3 =	simm.s32 @!p0 $0x1082;
	s9 =	sld [smem:$0x3FAE]  }
0x2f: {  	lr =	sadd.s32 s0, s3;
	s0 =	sld [smem:$0x3FA5]  }
0x30: {  	s3 =	sld [smem:$0x3FA8]  }
0x31: {  	[smem:$0x3FB1] =	sst s10  }
0x32: {  	s10 =	sld [smem:$0x3FAF];
	_ =	sdelay $0x3  }
0x33: {  	p0 =	seq.s32 s10, $0x1;
	s10 =	sld [smem:$0x3FB1];
	_ =	sdelay $0x3  }
0x34: {  	[smem:$0x3FB1] =	sst s10  }
0x35: {  	s10 =	sld [smem:$0x3FB0];
	_ =	sdelay $0x3  }
0x36: {  	p1 =	seq.s32 s10, $0x1;
	s10 =	sld [smem:$0x3FB1];
	_ =	sdelay $0x3  }
0x37: {  	[smem:$0x3FB1] =	sst s10  }
0x38: {  	s10 =	sld [smem:$0x3FB2]  }
0x39: {  	_ = 	snop;
	(pc) =	sbr.ind lr, $3  }
0x3a: {  	_ = 	snop  }
0x3b: {  	_ = 	snop  }
0x3c: {  	p2 =	seq.s32 s10, $0x1;
	s10 =	sld [smem:$0x3FB1]  }
0x3d: {  	_ =	shalt  }
0x3e: {  	_ =	shalt  }
0x3f: {  	_ =	shalt  }
0x40: {  	_ =	shalt  }
0x41: {  	_ =	shalt  }
0x42: {  	_ =	shalt  }
0x43: {  	_ =	shalt  }
0x44: {  	_ =	shalt  }
0x45: {  	_ =	shalt  }
0x46: {  	_ =	shalt  }
0x47: {  	_ =	shalt  }
0x48: {  	_ =	shalt  }
0x49: {  	_ =	shalt  }
0x4a: {  	_ =	shalt  }
0x4b: {  	_ =	shalt  }
0x4c: {  	_ =	shalt  }
0x4d: {  	_ =	shalt  }
0x4e: {  	_ =	shalt  }
0x4f: {  	_ =	shalt  }
0x50: {  	_ =	shalt  }
0x51: {  	_ =	shalt  }
0x52: {  	_ =	shalt  }
0x53: {  	_ =	shalt  }
0x54: {  	_ =	shalt  }
0x55: {  	_ =	shalt  }
0x56: {  	_ =	shalt  }
0x57: {  	_ =	shalt  }
0x58: {  	_ =	shalt  }
0x59: {  	_ =	shalt  }
0x5a: {  	_ =	shalt  }
0x5b: {  	_ =	shalt  }
0x5c: {  	_ =	shalt  }
0x5d: {  	_ =	shalt  }
0x5e: {  	_ =	shalt  }
0x5f: {  	_ =	shalt  }
0x60: {  	_ =	shalt  }
0x61: {  	_ =	shalt  }
0x62: {  	_ =	shalt  }
0x63: {  	_ =	shalt  }
0x64: {  	_ =	shalt  }
0x65: {  	_ =	shalt  }
0x66: {  	_ =	shalt  }
0x67: {  	_ =	shalt  }
0x68: {  	_ =	shalt  }
0x69: {  	_ =	shalt  }
0x6a: {  	_ =	shalt  }
0x6b: {  	_ =	shalt  }
0x6c: {  	_ =	shalt  }
0x6d: {  	_ =	shalt  }
0x6e: {  	_ =	shalt  }
0x6f: {  	_ =	shalt  }
0x70: {  	_ =	shalt  }
0x71: {  	_ =	shalt  }
0x72: {  	_ =	shalt  }
0x73: {  	_ =	shalt  }
0x74: {  	_ =	shalt  }
0x75: {  	_ =	shalt  }
0x76: {  	_ =	shalt  }
0x77: {  	_ =	shalt  }
0x78: {  	_ =	shalt  }
0x79: {  	_ =	shalt  }
0x7a: {  	_ =	shalt  }
0x7b: {  	_ =	shalt  }
0x7c: {  	_ =	shalt  }
0x7d: {  	_ =	shalt  }
0x7e: {  	_ =	shalt  }
0x7f: {  	_ =	shalt  }
0x80: {  	_ =	shalt  }
0x81: {  	_ =	shalt  }
0x82: {  	_ =	shalt  }
0x83: {  	_ =	shalt  }
0x84: {  	_ =	shalt  }
0x85: {  	_ =	shalt  }
0x86: {  	_ =	shalt  }
0x87: {  	_ =	shalt  }
.Lfunc_end0:
.L_simem_size_0:
called_computation.3_lowered:
.L_overlay_start_0:
0x88: {  	s2 =	sld [smem:$0x3FD9]  }
0x89: {  	s3 =	sld [smem:$0x3FFE];
	_ =	sdelay $0x1  }
0x8a: {  	s1 =	srdreg.scid  }
0x8b: {  	s0 =	sand.u32 $0x1, s1  }
0x8c: {  	s17 =	sshll.u32 s0, $0xA;
	s2 =	sadd.s32 s3, s2  }
0x8d: {  	s2 =	sadd.s32 s2, s17  }
0x8e: {  	[smem:$0x3FBD] =	sst s2  }
0x8f: {  	_ = 	snop  }
0x90: {  	s2 =	sld [smem:$0x3FD0];
	(tm) =	ssettm $0x1  }
0x91: {  	s18 =	sld [smem:$0x3FFB];
	_ =	sdelay $0x3  }
0x92: {  	_ =	strace s18  }
0x93: {  	s3 =	sld [smem:$0x3FFC];
	_ =	sdelay $0x3  }
0x94: {  	_ =	strace s3  }
0x95: {  	s3 =	sld [smem:$0x3FFD];
	_ =	sdelay $0x3  }
0x96: {  	_ =	strace s3  }
0x97: {  	_ =	strace $0x8FFFFFFF  }
0x98: {  	s19 =	sld [smem:$0x3FDB];
	_ =	sdelay $0x1  }
0x99: {  	s4 =	simm.s32 $_scs_section_size  }
0x9a: {  	s5 =	simm.s32 $_size__tile_overlayer_lowered;
	s6 =	simm.s32 $_tile_overlayer_lowered  }
0x9b: {  	s22 =	simm.s32 $0x1BFF;
	s21 =	sshll.u32 s6, $0x1;
	s3 =	sadd.s32 s4, s19  }
0x9c: {  	s7 =	simm.s32 $0x0;
	s20 =	sshll.u32 s5, $0x1;
	s5 =	sadd.s32 s21, s3  }
0x9d: {  	[timem:s7], [sflag:s22] =	dma.local [hbm:s5], s20  }
0x9e: {  	_ =	swait.ge [sflag:s22], s20  }
0x9f: {  	s4 =	ssub.s32 $0x0, s20;
	[sflag:s22] =	ssyncset.done $0x0  }
0xa0: {  	[sflag:s22] =	ssyncadd.s32 s4;
	_ =	sdelay $0x1  }
0xa1: {  	s23 =	simm.s32 $0x1B8B  }
0xa2: {  	_ =	swait.ge [sflag:s23], $0x1  }
0xa3: {  	[sflag:s23] =	ssyncset.done $0x0  }
0xa4: {  	s25 =	simm.s32 $0x1B8E;
	s24 =	sld [smem:$0x3FFE];
	[sflag:s23] =	ssyncadd.s32 $0xFFFFFFFF  }
0xa5: {  	s26 =	simm.s32 $execute0_lowered;
	[smem:$0x3FD2] =	sst s25  }
0xa6: {  	s5 =	sshll.u32 s26, $0x1;
	_ =	strace $0x8000004F;
	[dreg:$0x1] =	wrdreg $0xFFFFFFFF  }
0xa7: {  	s28 =	simm.s32 $_size_execute0_lowered;
	s3 =	sadd.s32 s3, s5;
	[dreg:$0x0] =	wrdreg $0x0  }
0xa8: {  	s5 =	sshll.u32 s28, $0x1;
	[dreg:$0x2] =	wrdreg s3  }
0xa9: {  	[dreg:$0x3] =	wrdreg s5  }
0xaa: {  	[dreg:$0x4] =	wrdreg $0xC0  }
0xab: {  	_ =	task [dreg:s7], $0x5FFFF  }
0xac: {  	[dreg:$0x1] =	wrdreg $0xFFFFFFFF  }
0xad: {  	[dreg:$0x0] =	wrdreg $0x60  }
0xae: {  	[dreg:$0x2] =	wrdreg s24  }
0xaf: {  	[dreg:$0x3] =	wrdreg s2  }
0xb0: {  	[dreg:$0x4] =	wrdreg $0xA9000  }
0xb1: {  	[dreg:$0x5] =	wrdreg $0x9  }
0xb2: {  	_ =	task.clear_ibuf [dreg:s7], $0x6FFFF;
	_ =	strace $0x9000004F  }
0xb3: {  	s29 =	simm.s32 $0x9;
	_ =	strace $0x80000051  }
0xb4: {  	_ =	swait.ge [sflag:s29], $0x1  }
0xb5: {  	[sflag:s29] =	ssyncadd.s32 $0xFFFFFFFF  }
0xb6: {  	_ =	strace $0x90000051  }
0xb7: {  	_ =	sfence  }
0xb8: {  	s30 =	sld [smem:$0x0];
	_ =	sdelay $0x2  }
0xb9: {  	s31 =	sshll.u32 s1, $0xD;
	s1 =	sshrl.u32 s1, $0x2  }
0xba: {  	s3 =	sand.u32 $0x4000, s31;
	s1 =	sadd.s32 s1, s30  }
0xbb: {  	s0 =	sor.u32 s3, s0;
	s1 =	sshll.u32 s1, $0x11  }
0xbc: {  	s0 =	sor.u32 s1, s0  }
0xbd: {  	s0 =	sadd.s32 $0x8F2B, s0  }
0xbe: {  	[sflag:s0] =	ssyncadd.remote.s32 $0x1  }
0xbf: {  	_ =	sfence.sel $0xFFFF  }
0xc0: {  	[dreg:$0x0] =	wrdreg $0xFFFFFFFF;
	(pc) =	sbr.abs _section_cstart, $3  }
0xc1: {  	[dreg:$0x1] =	wrdreg $0xFFFFFFFF  }
0xc2: {  	_ =	task.clear_ibuf [dreg:s7], $0x2FFFF;
	_ =	strace $0x9FFFFFFF  }
0xc3: {  	(tm) =	ssettm $0x7FFFFFFF  }
tec
execute0_lowered:
.L_overlay_start_1:
0x0: {  	(tag) =	ssettag $0x1  }
0x1: {  	s0 =	rddreg [dreg:$0x0]  }
0x2: {  	s2 =	rddreg [dreg:$0x1]  }
0x3: {  	s3 =	rddreg [dreg:$0x2]  }
0x4: {  	s1 =	srdreg.scid;
	s13 =	stileid.u32  }
0x5: {  	s4 =	simm.s32 $0x0;
	s21 =	simm.s32 $0x3;
	s22 =	simm.s32 $0x2900  }
0x6: {  	s23 =	simm.s32 $0x2800;
	s28 =	simm.s32 $0x80;
	s7 =	smul.u32 $0x50000, s13  }
0x7: {  	s29 =	simm.s32 $0x2;
	s31 =	simm.s32 $0x0;
	s14 =	smul.u32 $0x14000, s13  }
0x8: {  	s1 =	sand.u32 $0x1, s1;
	s5 =	sshll.u32 s13, $0x1;
	s30 =	smul.u32 $0xA00, s13  }
0x9: {  	[smem:$0x7FF] =	sst s4;
	s5 =	sor.u32 s1, s5;
	s20 =	smul.u32 $0x140000, s1  }
0xa: {  	_ =	strace $0x80000050;
	s6 =	ssub.s32 $0x2, s1;
	s1 =	smul.u32 $0x500, s1  }
0xb: {  	s12 =	smul.u32 $0x500, s5;
	s5 =	sadd.s32 $0x3200, s0;
	s9 =	sshrl.u32 s6, $0x1  }
0xc: {  	s7 =	sshrl.u32 s7, $0x2;
	s15 =	sadd.s32 $0x4000, s14;
	s16 =	sadd.s32 $0x8000, s14  }
0xd: {  	s17 =	sadd.s32 $0xC000, s14;
	s18 =	sadd.s32 $0x10000, s14;
	s19 =	ssub.s32 s6, s9  }
0xe: {  	s7 =	sadd.s32 s7, s3;
	s9 =	sadd.s32 s16, s3;
	s10 =	sadd.s32 s17, s3  }
0xf: {  	s11 =	sadd.s32 s18, s3;
	s14 =	sadd.s32 s14, s20;
	s16 =	sadd.s32 s20, s16  }
0x10: {  	s17 =	sadd.s32 s20, s17;
	s18 =	sadd.s32 s20, s18;
	s8 =	sadd.s32 s12, s0  }
0x11: {  	s0 =	sadd.s32 $0x5D200, s0;
	s12 =	sadd.s32 s2, s12;
	s14 =	sshrl.u32 s14, $0x3  }
0x12: {  	s16 =	sshrl.u32 s16, $0x3;
	s17 =	sshrl.u32 s17, $0x3;
	s18 =	sshrl.u32 s18, $0x3  }
0x13: {  	s19 =	smax.u32 s19, $0x1;
	s24 =	sadd.s32 $0x53200, s8;
	s8 =	sadd.s32 s15, s3  }
0x14: {  	s25 =	sadd.s32 $0x10, s12;
	s15 =	sadd.s32 s20, s15;
	s26 =	sadd.s32 s0, s14  }
0x15: {  	s16 =	sadd.s32 s0, s16;
	s17 =	sadd.s32 s0, s17;
	[dreg:$0x4] =	wrdreg s24  }
0x16: {  	s18 =	sadd.s32 s0, s18;
	s20 =	sadd.s32 s1, s30;
	[dreg:$0x5] =	wrdreg s25  }
0x17: {  	s15 =	sshrl.u32 s15, $0x3;
	[dreg:$0x6] =	wrdreg s26;
	s24 =	simm.s32 $0x1  }
0x18: {  	v0 =	vimm.f32 $0.0e+00;
	s25 =	simm.s32 $0x2880;
	s26 =	simm.s32 $0x6900;
	s15 =	sadd.s32 s0, s15  }
.LBB2_1:
0x19: {  	s0 =	rddreg [dreg:$0x4]  }
0x1a: {  	[tilespmem:s4], [sflag:$0x3] =	stream.linear.gather [hbm4b:s0+s4], $0x2800, $0x38;
	[tilespmem:$0x1E900] =	vst v63  }
0x1b: {  	s14 =	sand.u32 $0xFE00, s4;
	s1 =	sand.u32 $0x70, s4;
	_ =	swait.ge [sflag:s21], $0x2800  }
0x1c: {  	s30 =	sshrl.u32 s14, $0x2;
	s0 =	simm.s32 $0x40;
	[sflag:s21] =	ssyncset.done $0x0  }
0x1d: {  	s30 =	sor.u32 s1, s30;
	s1 =	simm.s32 $0x0;
	[sflag:s21] =	ssyncadd.s32 $0xFFFFD800  }
.LBB2_2:
0x1e: {  	p0 =	sne.s32 s0, $0xFFC0  }
0x1f: {  	[tilespmem:s30+$0x2900] =	vst v0;
	s1 =	sadd.s32 $0x10, s1;
	s30 =	smov.u32 s0;
	s0 =	sadd.s32 $0x40, s0  }
.Ltmp0:
0x20: {  	(pc) =	sbr.rel @p0 .LBB2_2-.Ltmp0, $4  }
0x21: {  	_ = 	snop  }
0x22: {  	s30 =	sand.u32 $0xFE00, s30  }
0x23: {  	s6 =	sand.u32 $0x70, s1;
	s30 =	sshrl.u32 s30, $0x2  }
0x24: {  	s30 =	sor.u32 s6, s30  }
0x25: {  	[tilespmem:s30+$0x2900] =	vst v0  }
0x26: {  	[spmem:s7] =	stream.linear.scatter [tilespmem:s22], [sflag:$0x3], $0x4000, $0x38;
	[tilespmem:$0x1E900] =	vst v63  }
0x27: {  	_ =	swait.ge [sflag:s21], $0x4000  }
0x28: {  	[sflag:s21] =	ssyncset.done $0x0  }
0x29: {  	[sflag:s21] =	ssyncadd.s32 $0xFFFFC000  }
0x2a: {  	[spmem:s8] =	stream.linear.scatter [tilespmem:s22], [sflag:$0x3], $0x4000, $0x38;
	[tilespmem:$0x1E900] =	vst v63  }
0x2b: {  	_ =	swait.ge [sflag:s21], $0x4000  }
0x2c: {  	[sflag:s21] =	ssyncset.done $0x0  }
0x2d: {  	[sflag:s21] =	ssyncadd.s32 $0xFFFFC000  }
0x2e: {  	[spmem:s9] =	stream.linear.scatter [tilespmem:s22], [sflag:$0x3], $0x4000, $0x38;
	[tilespmem:$0x1E900] =	vst v63  }
0x2f: {  	_ =	swait.ge [sflag:s21], $0x4000  }
0x30: {  	[sflag:s21] =	ssyncset.done $0x0  }
0x31: {  	[sflag:s21] =	ssyncadd.s32 $0xFFFFC000  }
0x32: {  	[spmem:s10] =	stream.linear.scatter [tilespmem:s22], [sflag:$0x3], $0x4000, $0x38;
	[tilespmem:$0x1E900] =	vst v63  }
0x33: {  	_ =	swait.ge [sflag:s21], $0x4000  }
0x34: {  	[sflag:s21] =	ssyncset.done $0x0  }
0x35: {  	[sflag:s21] =	ssyncadd.s32 $0xFFFFC000  }
0x36: {  	[spmem:s11] =	stream.linear.scatter [tilespmem:s22], [sflag:$0x3], $0x4000, $0x38;
	[tilespmem:$0x1E900] =	vst v63  }
0x37: {  	_ =	swait.ge [sflag:s21], $0x4000  }
0x38: {  	[sflag:s21] =	ssyncset.done $0x0  }
0x39: {  	[sflag:s21] =	ssyncadd.s32 $0xFFFFC000  }
0x3a: {  	[bflag:$0x0] =	sbarrier.arrive $0xFFFF  }
0x3b: {  	[tilespmem:s23], [sflag:$0x3] =	stream.linear.gather [hbm4b:s12+s4], $0x80, $0x38;
	[tilespmem:$0x1E900] =	vst v63  }
0x3c: {  	_ =	swait.ge [sflag:s21], $0x80  }
0x3d: {  	[sflag:s21] =	ssyncset.done $0x0  }
0x3e: {  	s0 =	simm.s32 $0x80;
	[sflag:s21] =	ssyncadd.s32 $0xFFFFFF80  }
0x3f: {  	[tilespmem:s22], [sflag:$0x1] =	stream.indirect.gather [hbm4b:s5+s0], $0x80, s23, s0, $0xb8;
	[tilespmem:$0x1E900] =	vst v63  }
0x40: {  	_ =	swait.ge [sflag:s24], $0x4000  }
0x41: {  	[sflag:s24] =	ssyncset.done $0x0  }
0x42: {  	[sflag:s24] =	ssyncadd.s32 $0xFFFFC000  }
0x43: {  	[spmem:s3] =	stream.indirect.scatter.add.f32 [tilespmem:s22], [sflag:$0x2], $0x80, s4, s0, $0xb8;
	[tilespmem:$0x1E900] =	vst v63  }
0x44: {  	s1 =	rddreg [dreg:$0x5]  }
0x45: {  	[tilespmem:s25], [sflag:$0x3] =	stream.linear.gather [hbm4b:s1+s4], $0x80, $0x38;
	[tilespmem:$0x1E900] =	vst v63  }
0x46: {  	_ =	swait.ge [sflag:s21], $0x80  }
0x47: {  	[sflag:s21] =	ssyncset.done $0x0  }
0x48: {  	[sflag:s21] =	ssyncadd.s32 $0xFFFFFF80  }
0x49: {  	[tilespmem:s26], [sflag:$0x1] =	stream.indirect.gather [hbm4b:s5+s0], $0x80, s25, s0, $0xb8;
	[tilespmem:$0x1E900] =	vst v63  }
0x4a: {  	_ =	swait.ge [sflag:s24], $0x4000  }
0x4b: {  	[sflag:s24] =	ssyncset.done $0x0  }
0x4c: {  	s6 =	simm.s32 $0x20;
	s1 =	sadd.s32 $0x30, s20;
	[sflag:s24] =	ssyncadd.s32 $0xFFFFC000  }
0x4d: {  	[spmem:s3] =	stream.indirect.scatter.add.f32 [tilespmem:s26], [sflag:$0x2], $0x80, s0, s28, $0xb8;
	[tilespmem:$0x1E900] =	vst v63  }
0x4e: {  	s6 =	sand.u32 $0x60, s6;
	s13 =	sadd.s32 $0xFFFFFFF0, s1;
	_ =	swait.ge [sflag:s29], $0x4000  }
0x4f: {  	s6 =	sadd.s32 s2, s6;
	s0 =	sand.u32 $0xFFFFF80, s13;
	[sflag:s29] =	ssyncset.done $0x0  }
0x50: {  	s0 =	sadd.s32 s0, s6;
	[sflag:s29] =	ssyncadd.s32 $0xFFFFC000  }
0x51: {  	[tilespmem:s23], [sflag:$0x3] =	stream.linear.gather [hbm4b:s0+s4], $0x80, $0x38;
	[tilespmem:$0x1E900] =	vst v63  }
0x52: {  	_ =	swait.ge [sflag:s21], $0x80  }
0x53: {  	[sflag:s21] =	ssyncset.done $0x0  }
0x54: {  	[sflag:s21] =	ssyncadd.s32 $0xFFFFFF80  }
0x55: {  	[tilespmem:s22], [sflag:$0x1] =	stream.indirect.gather [hbm4b:s5+s28], $0x80, s23, s28, $0xb8;
	[tilespmem:$0x1E900] =	vst v63  }
0x56: {  	_ =	swait.ge [sflag:s24], $0x4000  }
0x57: {  	[sflag:s24] =	ssyncset.done $0x0  }
0x58: {  	s14 =	simm.s32 $0x30;
	s30 =	simm.s32 $0x100;
	[sflag:s24] =	ssyncadd.s32 $0xFFFFC000  }
0x59: {  	[spmem:s3] =	stream.indirect.scatter.add.f32 [tilespmem:s22], [sflag:$0x2], $0x80, s30, s28, $0xb8;
	[tilespmem:$0x1E900] =	vst v63  }
0x5a: {  	s0 =	sand.u32 $0x70, s14;
	_ =	swait.ge [sflag:s29], $0x4000  }
0x5b: {  	s1 =	sand.u32 $0xFFFFF80, s1;
	s0 =	sadd.s32 s2, s0;
	[sflag:s29] =	ssyncset.done $0x0  }
0x5c: {  	s0 =	sadd.s32 s1, s0;
	[sflag:s29] =	ssyncadd.s32 $0xFFFFC000  }
0x5d: {  	[tilespmem:s25], [sflag:$0x3] =	stream.linear.gather [hbm4b:s0+s4], $0x80, $0x38;
	[tilespmem:$0x1E900] =	vst v63  }
0x5e: {  	_ =	swait.ge [sflag:s21], $0x80  }
0x5f: {  	[sflag:s21] =	ssyncset.done $0x0  }
0x60: {  	s1 =	simm.s32 $0x180;
	s0 =	simm.s32 $0x50;
	[sflag:s21] =	ssyncadd.s32 $0xFFFFFF80  }
.LBB2_4:
0x61: {  	[tilespmem:s26], [sflag:$0x1] =	stream.indirect.gather [hbm4b:s5+s28], $0x80, s25, s28, $0xb8;
	[tilespmem:$0x1E900] =	vst v63  }
0x62: {  	s6 =	smov.u32 s0  }
0x63: {  	p0 =	sne.s32 s0, $0x4F0;
	s0 =	sadd.s32 $0x20, s0;
	_ =	swait.ge [sflag:s24], $0x4000  }
0x64: {  	[sflag:s24] =	ssyncset.done $0x0  }
0x65: {  	s30 =	sadd.s32 s6, s20;
	s13 =	sadd.s32 $0xFFFFFFF0, s6;
	[sflag:s24] =	ssyncadd.s32 $0xFFFFC000  }
0x66: {  	[spmem:s3] =	stream.indirect.scatter.add.f32 [tilespmem:s26], [sflag:$0x2], $0x80, s1, s28, $0xb8;
	[tilespmem:$0x1E900] =	vst v63  }
0x67: {  	s14 =	sadd.s32 $0xFFFFFFF0, s30;
	s13 =	sand.u32 $0x60, s13;
	_ =	swait.ge [sflag:s29], $0x4000  }
0x68: {  	s14 =	sand.u32 $0xFFFFF80, s14;
	s13 =	sadd.s32 s2, s13;
	[sflag:s29] =	ssyncset.done $0x0  }
0x69: {  	s13 =	sadd.s32 s14, s13;
	[sflag:s29] =	ssyncadd.s32 $0xFFFFC000  }
0x6a: {  	[tilespmem:s23], [sflag:$0x3] =	stream.linear.gather [hbm4b:s13+s4], $0x80, $0x38;
	[tilespmem:$0x1E900] =	vst v63  }
0x6b: {  	_ =	swait.ge [sflag:s21], $0x80  }
0x6c: {  	[sflag:s21] =	ssyncset.done $0x0  }
0x6d: {  	[sflag:s21] =	ssyncadd.s32 $0xFFFFFF80  }
0x6e: {  	[tilespmem:s22], [sflag:$0x1] =	stream.indirect.gather [hbm4b:s5+s28], $0x80, s23, s28, $0xb8;
	[tilespmem:$0x1E900] =	vst v63  }
0x6f: {  	_ =	swait.ge [sflag:s24], $0x4000  }
0x70: {  	[sflag:s24] =	ssyncset.done $0x0  }
0x71: {  	s13 =	sadd.s32 $0x80, s1;
	[sflag:s24] =	ssyncadd.s32 $0xFFFFC000  }
0x72: {  	[spmem:s3] =	stream.indirect.scatter.add.f32 [tilespmem:s22], [sflag:$0x2], $0x80, s13, s28, $0xb8;
	[tilespmem:$0x1E900] =	vst v63  }
0x73: {  	s6 =	sand.u32 $0x70, s6;
	_ =	swait.ge [sflag:s29], $0x4000  }
0x74: {  	s6 =	sadd.s32 s2, s6;
	s13 =	sand.u32 $0xFFFFF80, s30;
	[sflag:s29] =	ssyncset.done $0x0  }
.Ltmp1:
0x75: {  	s6 =	sadd.s32 s13, s6;
	[sflag:s29] =	ssyncadd.s32 $0xFFFFC000;
	(pc) =	sbr.rel @p0 .LBB2_4-.Ltmp1, $4  }
0x76: {  	[tilespmem:s25], [sflag:$0x3] =	stream.linear.gather [hbm4b:s6+s4], $0x80, $0x38;
	[tilespmem:$0x1E900] =	vst v63  }
0x77: {  	_ =	swait.ge [sflag:s21], $0x80  }
0x78: {  	[sflag:s21] =	ssyncset.done $0x0  }
0x79: {  	s1 =	sadd.s32 $0x100, s1;
	[sflag:s21] =	ssyncadd.s32 $0xFFFFFF80  }
0x7a: {  	[tilespmem:s26], [sflag:$0x1] =	stream.indirect.gather [hbm4b:s5+s28], $0x80, s25, s28, $0xb8;
	[tilespmem:$0x1E900] =	vst v63  }
0x7b: {  	_ =	swait.ge [sflag:s24], $0x4000  }
0x7c: {  	[sflag:s24] =	ssyncset.done $0x0  }
0x7d: {  	s0 =	simm.s32 $0x2780;
	[sflag:s24] =	ssyncadd.s32 $0xFFFFC000  }
0x7e: {  	[spmem:s3] =	stream.indirect.scatter.add.f32 [tilespmem:s26], [sflag:$0x2], $0x80, s0, s28, $0xb8;
	[tilespmem:$0x1E900] =	vst v63  }
0x7f: {  	_ =	swait.ge [sflag:s29], $0x4000  }
0x80: {  	[sflag:s29] =	ssyncset.done $0x0  }
0x81: {  	[sflag:s29] =	ssyncadd.s32 $0xFFFFC000  }
0x82: {  	_ =	swait.ge [sflag:s29], $0x4000  }
0x83: {  	[sflag:s29] =	ssyncset.done $0x0  }
0x84: {  	s1 =	stileid.u32;
	[sflag:s29] =	ssyncadd.s32 $0xFFFFC000  }
0x85: {  	s0 =	sshll.u32 s1, $0x6;
	[bflag:$0x0] =	sbarrier.arrive $0xFFFF  }
0x86: {  	s1 =	sshrl.u32 s7, $0x3;
	s0 =	sor.u32 $0x1C03, s0;
	s6 =	rddreg [dreg:$0x6]  }
0x87: {  	[hbm:s6], [sflag:s0] =	dma.local [spmem:s1], $0x800  }
0x88: {  	_ =	swait.ge [sflag:s21], $0x800  }
0x89: {  	[sflag:s21] =	ssyncset.done $0x0  }
0x8a: {  	s6 =	sshrl.u32 s8, $0x3;
	[sflag:s21] =	ssyncadd.s32 $0xFFFFF800  }
0x8b: {  	[hbm:s15], [sflag:s0] =	dma.local [spmem:s6], $0x800  }
0x8c: {  	_ =	swait.ge [sflag:s21], $0x800  }
0x8d: {  	[sflag:s21] =	ssyncset.done $0x0  }
0x8e: {  	s13 =	sshrl.u32 s9, $0x3;
	[sflag:s21] =	ssyncadd.s32 $0xFFFFF800  }
0x8f: {  	[hbm:s16], [sflag:s0] =	dma.local [spmem:s13], $0x800  }
0x90: {  	_ =	swait.ge [sflag:s21], $0x800  }
0x91: {  	[sflag:s21] =	ssyncset.done $0x0  }
0x92: {  	s14 =	sshrl.u32 s10, $0x3;
	[sflag:s21] =	ssyncadd.s32 $0xFFFFF800  }
0x93: {  	[hbm:s17], [sflag:s0] =	dma.local [spmem:s14], $0x800  }
0x94: {  	s31 =	sadd.s32 $0x1, s31;
	_ =	swait.ge [sflag:s21], $0x800  }
0x95: {  	p0 =	sne.s32 s31, s19;
	[sflag:s21] =	ssyncset.done $0x0  }
.Ltmp2:
0x96: {  	s30 =	sshrl.u32 s11, $0x3;
	[sflag:s21] =	ssyncadd.s32 $0xFFFFF800;
	(pc) =	sbr.rel @p0 .LBB2_1-.Ltmp2, $4  }
0x97: {  	[hbm:s18], [sflag:s0] =	dma.local [spmem:s30], $0x800  }
0x98: {  	_ =	swait.ge [sflag:s21], $0x800  }
0x99: {  	[sflag:s21] =	ssyncset.done $0x0  }
0x9a: {  	[sflag:s21] =	ssyncadd.s32 $0xFFFFF800  }
0x9b: {  	_ =	sfence.sel $0x180000  }
0x9c: {  	[bflag:$0x0] =	sbarrier.arrive $0xFFFF  }
0x9d: {  	_ =	strace $0x90000050  }
0x9e: {  	s0 =	stileid.u32;
	[bflag:$0x2] =	sbarrier.arrive $0xFFFF  }
0x9f: {  	p0 =	sne.s32 s0, $0x0;
	s0 =	rddreg [dreg:$0x3]  }
0xa0: {  	s0 =	sadd.s32 @!p0 $0x100000, s0  }
0xa1: {  	[sflag:s0] =	ssyncadd.tile.s32 @!p0 $0x1;
	_ =	shalt  }
.Lfunc_end2:
_tile_overlayer_lowered:
.L_overlay_start_2:
0xa2: {  	(tag) =	ssettag $0x2  }
0xa3: {  	s0 =	rddreg [dreg:$0x0];
	s2 =	stileid.u32  }
0xa4: {  	s1 =	rddreg [dreg:$0x1];
	p0 =	sne.s32 s2, $0x0  }
0xa5: {  	s3 =	rddreg [dreg:$0x2];
	[bflag:$0x3] =	sbarrier.arrive $0xFFFF;
	s2 =	simm.s32 @!p0 $0x1C03  }
0xa6: {  	[timem:s3], [sflag:s2] =	dma.local @!p0 [hbm:s0], s1  }
0xa7: {  	s0 =	simm.s32 @!p0 $0x3  }
0xa8: {  	_ =	swait.ge @!p0 [sflag:s0], s1  }
0xa9: {  	s1 =	ssub.s32 @!p0 $0x0, s1;
	[sflag:s0] =	ssyncset.done @!p0 $0x0  }
0xaa: {  	[sflag:s0] =	ssyncadd.s32 @!p0 s1  }
0xab: {  	[bflag:$0x3] =	sbarrier.arrive $0xFFFF  }
0xac: {  	_ =	shalt  }

</sc_bundles>
